<compile_context>
chip_gen: v7x
topology: tpu7x:2x2x1
jax: 0.10.2.dev20260603
libtpu: 0.0.44.dev20260713+nightly
codegen_flags: <defaults>
</compile_context>

<pallas_src>
import functools

import jax
import jax.numpy as jnp
from jax import lax
from jax.experimental import pallas as pl
from jax.experimental.pallas import tpu as pltpu
from jax.experimental.pallas import tpu_sc as plsc

_NC = 2
_NS = 16
_NW = _NC * _NS
_K = 128
_EPS_BN = 1e-5


_NBUF = 2


@functools.lru_cache(maxsize=None)
def _make_agg(n, d, c, halves=False):
    zr = ((n // _NS) + _K - 1) // _K * _K
    npad = _NS * zr
    ro = (n // _NS) // 8 * 8
    rem = n - ro * _NS

    stage = (npad + n) * d + _NS * (2 * _K * d + 16 * _K) <= 2097151
    assert stage or not halves
    spare = (2097151 - (npad + (n if stage else 0)) * d) // _NS
    nbuf = _NBUF
    while nbuf > 2 and spare - nbuf * _K * d < 8 * _K:
        nbuf //= 2
    per_tile = spare - nbuf * _K * d
    cb_max = per_tile // (2 * _K)
    cb = max(b for b in range(1, c + 1)
             if c % b == 0 and b % nbuf == 0 and b <= cb_max)

    mesh = plsc.VectorSubcoreMesh(core_axis_name="c", subcore_axis_name="s")

    def body(h_hbm, src_hbm, dst_hbm, out_hbm, sidx, didx, rows, acc,
             *rest):
        if stage:
            hsp, *sems = rest
        else:
            sems = rest
        cid = lax.axis_index("c")
        sid = lax.axis_index("s")
        w = sid if halves else cid * _NS + sid

        if stage:
            hin = h_hbm.at[cid] if halves else h_hbm
            pltpu.sync_copy(hin.at[pl.ds(sid * ro, ro)],
                            hsp.at[pl.ds(sid * ro, ro)])
            if rem:
                @pl.when(sid == _NS - 1)
                def _():
                    pltpu.sync_copy(hin.at[pl.ds(ro * _NS, rem)],
                                    hsp.at[pl.ds(ro * _NS, rem)])
            h_srcs = [hsp] * nbuf
        else:
            h_srcs = [h_hbm] * nbuf

        def zero_rows(i, carry):
            r = i // (d // 16)
            col = (i % (d // 16)) * 16
            rows[0, r, pl.ds(col, 16)] = jnp.zeros((16,), jnp.float32)
            return carry

        lax.fori_loop(0, _K * (d // 16), zero_rows, 0)
        for t in range(zr // _K):
            pltpu.sync_copy(rows.at[0], acc.at[pl.ds(sid * zr + t * _K, _K)])
        plsc.subcore_barrier()

        sems_g = sems

        def wait_g(b, ej):
            pltpu.make_async_copy(h_srcs[b].at[sidx.at[ej]], rows.at[b],
                                  sems_g[b]).wait()

        for sb in range(c // cb):
            pltpu.sync_copy(src_hbm.at[w, pl.ds(sb * cb, cb)], sidx)
            pltpu.sync_copy(dst_hbm.at[w, pl.ds(sb * cb, cb)], didx)
            for b in range(nbuf):
                pltpu.async_copy(h_srcs[b].at[sidx.at[b]], rows.at[b],
                                 sems_g[b])

            def step(g, carry):
                e0 = g * nbuf
                for b in range(nbuf):
                    ej = e0 + b
                    wait_g(b, ej)
                    pltpu.sync_copy(rows.at[b], acc.at[didx.at[ej]],
                                    add=True)

                    @pl.when(ej + nbuf < cb)
                    def _(b=b, ej=ej):
                        pltpu.async_copy(h_srcs[b].at[sidx.at[ej + nbuf]],
                                         rows.at[b], sems_g[b])
                return carry

            lax.fori_loop(0, cb // nbuf, step, 0)
        plsc.subcore_barrier()
        pltpu.sync_copy(acc.at[pl.ds(sid * ro, ro)],
                        out_hbm.at[cid, pl.ds(sid * ro, ro)])
        if rem:
            @pl.when(sid == _NS - 1)
            def _():
                pltpu.sync_copy(acc.at[pl.ds(ro * _NS, rem)],
                                out_hbm.at[cid, pl.ds(ro * _NS, rem)])

    return pl.kernel(
        body,
        out_type=jax.ShapeDtypeStruct((_NC, n, d), jnp.float32),
        mesh=mesh,
        compiler_params=pltpu.CompilerParams(use_tc_tiling_on_sc=False),
        scratch_types=[
            pltpu.VMEM((cb, _K), jnp.int32),
            pltpu.VMEM((cb, _K), jnp.int32),
            pltpu.VMEM((nbuf, _K, d), jnp.float32),
            pltpu.VMEM_SHARED((npad, d), jnp.float32),
        ] + ([pltpu.VMEM_SHARED((n, d), jnp.float32)] if stage else [])
          + [pltpu.SemaphoreType.DMA] * nbuf,
    )


def _mlp_core(eps, h, a, W1, b1, g, be, W2, b2, halves):
    agg = jnp.concatenate([a[0], a[1]], axis=-1) if halves else a[0] + a[1]
    rst = (1.0 + eps) * h + agg
    x = jnp.dot(rst, W1, preferred_element_type=jnp.float32) + b1
    mean = jnp.mean(x, axis=0, keepdims=True)
    xc = x - mean
    var = jnp.mean(xc * xc, axis=0, keepdims=True)
    x = xc * lax.rsqrt(var + _EPS_BN) * g + be
    x = jnp.maximum(x, 0.0)
    x = jnp.dot(x, W2, preferred_element_type=jnp.float32) + b2
    return jnp.maximum(x, 0.0)


def _mlp_body(halves, eps_ref, h_ref, a_ref, W1_ref, b1_ref, g_ref, be_ref,
              W2_ref, b2_ref, o_ref):
    o_ref[...] = _mlp_core(eps_ref[0], h_ref[...], a_ref[...], W1_ref[...],
                           b1_ref[...], g_ref[...], be_ref[...], W2_ref[...],
                           b2_ref[...], halves)


def _mlp_out_body(halves, eps_ref, h_ref, a_ref, W1_ref, b1_ref, g_ref,
                  be_ref, W2_ref, b2_ref, Wo_ref, bo_ref, o_ref):
    hh = _mlp_core(eps_ref[0], h_ref[...], a_ref[...], W1_ref[...],
                   b1_ref[...], g_ref[...], be_ref[...], W2_ref[...],
                   b2_ref[...], halves)
    o_ref[...] = jnp.dot(hh, Wo_ref[...],
                         preferred_element_type=jnp.float32) + bo_ref[...]


def _specs(n_vmem):
    return [pl.BlockSpec(memory_space=pltpu.SMEM)] + \
           [pl.BlockSpec(memory_space=pltpu.VMEM)] * n_vmem


def kernel(node_feat, edge_index, params):
    n = node_feat.shape[0]
    e = edge_index.shape[1]
    c = -(-e // (_NW * _K))
    c = -(-c // _NBUF) * _NBUF
    epad = _NW * c * _K
    src = edge_index[0]
    dst = edge_index[1]
    if epad > e:
        zr = ((n // _NS) + _K - 1) // _K * _K
        padrows = _NS * zr - n
        sent = n + jnp.arange(epad - e, dtype=jnp.int32) % padrows
        src = jnp.concatenate([src, jnp.zeros((epad - e,), jnp.int32)])
        dst = jnp.concatenate([dst, sent])
    src32 = src.reshape(_NW, c, _K)
    dst32 = dst.reshape(_NW, c, _K)
    src16 = src.reshape(_NS, _NC * c, _K)
    dst16 = dst.reshape(_NS, _NC * c, _K)

    def _fits(dd):
        zrq = ((n // _NS) + _K - 1) // _K * _K
        return (_NS * zrq + n) * dd + _NS * (2 * _K * dd + 16 * _K) <= 2097151

    h = node_feat
    layers = params['layers']
    for i, lp in enumerate(layers):
        d = h.shape[1]
        halves = (not _fits(d)) and d % 2 == 0 and _fits(d // 2)
        if halves:
            h2 = jnp.transpose(h.reshape(n, 2, d // 2), (1, 0, 2))
            parts = _make_agg(n, d // 2, _NC * c, True)(h2, src16, dst16)
        else:
            parts = _make_agg(n, d, c)(h, src32, dst32)
        hd = lp['W1'].shape[1]
        args = (lp['eps'].reshape(1), h, parts, lp['W1'],
                lp['b1'].reshape(1, -1), lp['gamma'].reshape(1, -1),
                lp['beta'].reshape(1, -1), lp['W2'], lp['b2'].reshape(1, -1))
        if i + 1 < len(layers):
            h = pl.pallas_call(
                functools.partial(_mlp_body, halves),
                out_shape=jax.ShapeDtypeStruct((n, hd), jnp.float32),
                in_specs=_specs(8),
            )(*args)
        else:
            out_d = params['Wo'].shape[1]
            h = pl.pallas_call(
                functools.partial(_mlp_out_body, halves),
                out_shape=jax.ShapeDtypeStruct((n, out_d), jnp.float32),
                in_specs=_specs(10),
            )(*args, params['Wo'], params['bo'].reshape(1, -1))
    return h

# --- scband reference (transcript-rebuilt; emitter-appended) ---
"""Pipeline reference for scband-gin-50723563766315 (READ-ONLY COPY).

The authoritative reference and input builder live on the scoring server;
editing this copy changes nothing except your own understanding.
"""

import jax, jax.numpy as jnp
import numpy as np

N = 10000
E = 320000
D = 128
H = 64
OUT = 40
EPS_BN = 1e-5


def _init_linear(key, fan_in, fan_out):
    k1, k2 = jax.random.split(key)
    bound = 1.0 / np.sqrt(fan_in)
    W = jax.random.uniform(k1, (fan_in, fan_out), minval=-bound, maxval=bound, dtype=jnp.float32)
    b = jax.random.uniform(k2, (fan_out,), minval=-bound, maxval=bound, dtype=jnp.float32)
    return W, b


def setup_inputs(seed: int = 0) -> dict:
    key = jax.random.key(seed)
    ks = jax.random.split(key, 16)
    node_feat = jax.random.normal(ks[0], (N, D), dtype=jnp.float32)
    edge_index = jax.random.randint(ks[1], (2, E), 0, N, dtype=jnp.int32)
    layers = []
    in_dims = [D, H, H]
    for i in range(3):
        kW1, kW2 = jax.random.split(ks[2 + i])
        W1, b1 = _init_linear(kW1, in_dims[i], H)
        W2, b2 = _init_linear(kW2, H, H)
        layers.append({
            'W1': W1, 'b1': b1,
            'gamma': jnp.ones((H,), jnp.float32),
            'beta': jnp.zeros((H,), jnp.float32),
            'W2': W2, 'b2': b2,
            'eps': jnp.asarray(1e-5, jnp.float32),
        })
    Wo, bo = _init_linear(ks[8], H, OUT)
    params = {'layers': layers, 'Wo': Wo, 'bo': bo}
    return {'node_feat': node_feat, 'edge_index': edge_index, 'params': params}


def _gin_forward(node_feat, params, edge_index):
    src = edge_index[0]
    dst = edge_index[1]
    h = node_feat
    for lp in params['layers']:
        # GINConv with sum aggregator: (1+eps)*h_v + sum_{u in N(v)} h_u
        msgs = jnp.take(h, src, axis=0)
        agg = jax.ops.segment_sum(msgs, dst, num_segments=N)
        rst = (1.0 + lp['eps']) * h + agg
        # MLP: Linear -> BatchNorm1d (training-mode batch stats) -> ReLU -> Linear -> ReLU
        x = rst @ lp['W1'] + lp['b1']
        mean = jnp.mean(x, axis=0)
        var = jnp.var(x, axis=0)
        x = (x - mean) / jnp.sqrt(var + EPS_BN) * lp['gamma'] + lp['beta']
        x = jax.nn.relu(x)
        x = x @ lp['W2'] + lp['b2']
        h = jax.nn.relu(x)
    return h @ params['Wo'] + params['bo']


def reference(node_feat, edge_index, params):
    return _gin_forward(node_feat, params, edge_index)

if __name__ == "__main__":
    import jax
    _d = setup_inputs()
    print(jax.jit(kernel)(*tuple(_d.values())))

</pallas_src>

<mosaic_0001>
#map = affine_map<(d0, d1) -> (0, 0)>
#map1 = affine_map<(d0, d1) -> (0, 0, 0)>
module attributes {stable_mosaic.version = 14 : i64} {
  func.func @body(%arg0: i32, %arg1: i32, %arg2: memref<10000x64xf32, #tpu.memory_space<hbm>>, %arg3: memref<32x80x128xi32, #tpu.memory_space<hbm>>, %arg4: memref<32x80x128xi32, #tpu.memory_space<hbm>>, %arg5: memref<2x10000x64xf32, #tpu.memory_space<hbm>>, %arg6: memref<80x128xi32, #tpu.memory_space<vmem>>, %arg7: memref<80x128xi32, #tpu.memory_space<vmem>>, %arg8: memref<2x128x64xf32, #tpu.memory_space<vmem>>, %arg9: memref<10240x64xf32, #tpu.memory_space<vmem_shared>>, %arg10: memref<10000x64xf32, #tpu.memory_space<vmem_shared>>, %arg11: memref<!tpu.dma_semaphore, #tpu.memory_space<semaphore_mem>>, %arg12: memref<!tpu.dma_semaphore, #tpu.memory_space<semaphore_mem>>) attributes {dimension_semantics = [#tpu.dimension_semantics<core_parallel>, #tpu.dimension_semantics<subcore_parallel>], iteration_bounds = array<i64: 2, 16>, scalar_prefetch = 0 : i64, scratch_operands = 7 : i64, tpu.core_type = #tpu.core_type<sc_vector_subcore>, window_params = [{transform_indices = #map}, {transform_indices = #map1}, {transform_indices = #map1}, {transform_indices = #map1}]} {
    %mul3A = arith.constant 16 : i32
    %mul3A_0 = arith.muli %arg0, %mul3A : i32
    %add3A = arith.addi %mul3A_0, %arg1 : i32
    %mul3A_1 = arith.constant 624 : i32
    %mul3A_2 = arith.muli %arg1, %mul3A_1 : i32
    %mul3A_3 = arith.constant 624 : i32
    %mul3A_4 = arith.muli %arg1, %mul3A_3 : i32
    "tpu.region"() ({
      %run_scoped3A_75 = tpu.sem_alloc : memref<!tpu.dma_semaphore, #tpu.memory_space<semaphore_mem>>
      %dma_start3A_76 = arith.constant 0 : i32
      %dma_start3A_77 = tpu.memref_slice %arg10[%mul3A_4, %dma_start3A_76] : memref<10000x64xf32, #tpu.memory_space<vmem_shared>> -> memref<624x64xf32, #tpu.memory_space<vmem_shared>>
      %dma_start3A_78 = arith.constant 0 : i32
      %dma_start3A_79 = tpu.memref_slice %arg2[%mul3A_2, %dma_start3A_78] : memref<10000x64xf32, #tpu.memory_space<hbm>> -> memref<624x64xf32, #tpu.memory_space<hbm>>
      tpu.enqueue_dma source(%dma_start3A_79 : memref<624x64xf32, #tpu.memory_space<hbm>>) target(%dma_start3A_77 : memref<624x64xf32, #tpu.memory_space<vmem_shared>>) target_semaphore(%run_scoped3A_75 : memref<!tpu.dma_semaphore, #tpu.memory_space<semaphore_mem>>)
      %dma_wait3A = arith.constant 0 : i32
      %dma_wait3A_80 = tpu.memref_slice %arg10[%mul3A_4, %dma_wait3A] : memref<10000x64xf32, #tpu.memory_space<vmem_shared>> -> memref<624x64xf32, #tpu.memory_space<vmem_shared>>
      %dma_wait3A_81 = arith.constant 0 : i32
      %dma_wait3A_82 = tpu.memref_slice %arg2[%mul3A_2, %dma_wait3A_81] : memref<10000x64xf32, #tpu.memory_space<hbm>> -> memref<624x64xf32, #tpu.memory_space<hbm>>
      tpu.wait_dma2 semaphore(%run_scoped3A_75 : memref<!tpu.dma_semaphore, #tpu.memory_space<semaphore_mem>>) src(%dma_wait3A_82 : memref<624x64xf32, #tpu.memory_space<hbm>>) dst(%dma_wait3A_80 : memref<624x64xf32, #tpu.memory_space<vmem_shared>>)
      tpu.yield
    }) : () -> ()
    %eq3A = arith.constant 15 : i32
    %eq3A_5 = arith.cmpi eq, %arg1, %eq3A : i32
    %convert_element_type3A = arith.extui %eq3A_5 : i1 to i32
    %cond3A = arith.constant 0 : i32
    %cond3A_6 = arith.cmpi ne, %convert_element_type3A, %cond3A : i32
    scf.if %cond3A_6 {
      "tpu.region"() ({
        %run_scoped3A_75 = tpu.sem_alloc : memref<!tpu.dma_semaphore, #tpu.memory_space<semaphore_mem>>
        %dma_start3A_76 = arith.constant 9984 : i32
        %dma_start3A_77 = arith.constant 0 : i32
        %dma_start3A_78 = tpu.memref_slice %arg10[%dma_start3A_76, %dma_start3A_77] : memref<10000x64xf32, #tpu.memory_space<vmem_shared>> -> memref<16x64xf32, #tpu.memory_space<vmem_shared>>
        %dma_start3A_79 = arith.constant 9984 : i32
        %dma_start3A_80 = arith.constant 0 : i32
        %dma_start3A_81 = tpu.memref_slice %arg2[%dma_start3A_79, %dma_start3A_80] : memref<10000x64xf32, #tpu.memory_space<hbm>> -> memref<16x64xf32, #tpu.memory_space<hbm>>
        tpu.enqueue_dma source(%dma_start3A_81 : memref<16x64xf32, #tpu.memory_space<hbm>>) target(%dma_start3A_78 : memref<16x64xf32, #tpu.memory_space<vmem_shared>>) target_semaphore(%run_scoped3A_75 : memref<!tpu.dma_semaphore, #tpu.memory_space<semaphore_mem>>)
        %dma_wait3A = arith.constant 9984 : i32
        %dma_wait3A_82 = arith.constant 0 : i32
        %dma_wait3A_83 = tpu.memref_slice %arg10[%dma_wait3A, %dma_wait3A_82] : memref<10000x64xf32, #tpu.memory_space<vmem_shared>> -> memref<16x64xf32, #tpu.memory_space<vmem_shared>>
        %dma_wait3A_84 = arith.constant 9984 : i32
        %dma_wait3A_85 = arith.constant 0 : i32
        %dma_wait3A_86 = tpu.memref_slice %arg2[%dma_wait3A_84, %dma_wait3A_85] : memref<10000x64xf32, #tpu.memory_space<hbm>> -> memref<16x64xf32, #tpu.memory_space<hbm>>
        tpu.wait_dma2 semaphore(%run_scoped3A_75 : memref<!tpu.dma_semaphore, #tpu.memory_space<semaphore_mem>>) src(%dma_wait3A_86 : memref<16x64xf32, #tpu.memory_space<hbm>>) dst(%dma_wait3A_83 : memref<16x64xf32, #tpu.memory_space<vmem_shared>>)
        tpu.yield
      }) : () -> ()
    } else {
    }
    %scan3A = arith.constant 0 : i32
    %scan3A_7 = arith.constant 0 : i32
    %scan3A_8 = arith.constant 512 : i32
    %scan3A_9 = arith.addi %scan3A_7, %scan3A_8 : i32
    %scan3A_10 = arith.constant 1 : i32
    scf.for %scan3A_75 = %scan3A_7 to %scan3A_9 step %scan3A_10  : i32 {
      %jit3A = arith.constant 4 : i32
      %div3A = arith.divsi %scan3A_75, %jit3A : i32
      %sign3A = arith.constant 0 : i32
      %sign3A_76 = arith.cmpi sgt, %scan3A_75, %sign3A : i32
      %sign3A_77 = arith.extui %sign3A_76 : i1 to i32
      %sign3A_78 = arith.constant 0 : i32
      %sign3A_79 = arith.cmpi slt, %scan3A_75, %sign3A_78 : i32
      %sign3A_80 = arith.extui %sign3A_79 : i1 to i32
      %sign3A_81 = arith.subi %sign3A_77, %sign3A_80 : i32
      %sign3A_82 = arith.constant 0 : i32
      %sign3A_83 = arith.cmpi sgt, %jit3A, %sign3A_82 : i32
      %sign3A_84 = arith.extui %sign3A_83 : i1 to i32
      %sign3A_85 = arith.constant 0 : i32
      %sign3A_86 = arith.cmpi slt, %jit3A, %sign3A_85 : i32
      %sign3A_87 = arith.extui %sign3A_86 : i1 to i32
      %sign3A_88 = arith.subi %sign3A_84, %sign3A_87 : i32
      %ne3A = arith.cmpi ne, %sign3A_81, %sign3A_88 : i32
      %rem3A = arith.remsi %scan3A_75, %jit3A : i32
      %ne3A_89 = arith.constant 0 : i32
      %ne3A_90 = arith.cmpi ne, %rem3A, %ne3A_89 : i32
      %and3A = arith.andi %ne3A, %ne3A_90 : i1
      %sub3A = arith.constant 1 : i32
      %sub3A_91 = arith.subi %div3A, %sub3A : i32
      %select_n3A = arith.select %and3A, %sub3A_91, %div3A : i32
      %jit3A_92 = arith.constant 4 : i32
      %eq3A_93 = arith.constant 0 : i32
      %eq3A_94 = arith.cmpi eq, %jit3A_92, %eq3A_93 : i32
      %jit3A_95 = arith.constant 1 : i32
      %select_n3A_96 = arith.select %eq3A_94, %jit3A_95, %jit3A_92 : i32
      %rem3A_97 = arith.remsi %scan3A_75, %select_n3A_96 : i32
      %ne3A_98 = arith.constant 0 : i32
      %ne3A_99 = arith.cmpi ne, %rem3A_97, %ne3A_98 : i32
      %lt3A = arith.constant 0 : i32
      %lt3A_100 = arith.cmpi slt, %rem3A_97, %lt3A : i32
      %lt3A_101 = arith.constant 0 : i32
      %lt3A_102 = arith.cmpi slt, %select_n3A_96, %lt3A_101 : i32
      %ne3A_103 = arith.xori %lt3A_100, %lt3A_102 : i1
      %and3A_104 = arith.andi %ne3A_103, %ne3A_99 : i1
      %add3A_105 = arith.addi %rem3A_97, %select_n3A_96 : i32
      %select_n3A_106 = arith.select %and3A_104, %add3A_105, %rem3A_97 : i32
      %mul3A_107 = arith.constant 16 : i32
      %mul3A_108 = arith.muli %select_n3A_106, %mul3A_107 : i32
      %broadcast_in_dim3A = arith.constant 0.000000e+00 : f32
      %broadcast_in_dim3A_109 = vector.broadcast %broadcast_in_dim3A : f32 to vector<16xf32>
      %swap3A = arith.constant 0 : i32
      %swap3A_110 = arith.index_cast %swap3A : i32 to index
      %swap3A_111 = arith.index_cast %select_n3A : i32 to index
      %swap3A_112 = arith.index_cast %mul3A_108 : i32 to index
      %swap3A_113 = tpu.vector_load %arg8[%swap3A_110, %swap3A_111, %swap3A_112] {strides = array<i32>} : memref<2x128x64xf32, #tpu.memory_space<vmem>>, vector<1x1x16xf32>,
      %swap3A_114 = vector.shape_cast %swap3A_113 : vector<1x1x16xf32> to vector<16xf32>
      %swap3A_115 = vector.shape_cast %broadcast_in_dim3A_109 : vector<16xf32> to vector<1x1x16xf32>
      tpu.vector_store %arg8[%swap3A_110, %swap3A_111, %swap3A_112], %swap3A_115 {strides = array<i32>} : memref<2x128x64xf32, #tpu.memory_space<vmem>>, vector<1x1x16xf32>,
    }
    %scan3A_11 = arith.constant 512 : i32
    %mul3A_12 = arith.constant 640 : i32
    %mul3A_13 = arith.muli %arg1, %mul3A_12 : i32
    %add3A_14 = arith.constant 0 : i32
    %add3A_15 = arith.addi %mul3A_13, %add3A_14 : i32
    %run_scoped3A = arith.constant 0 : i32
    "tpu.region"() ({
      %run_scoped3A_75 = tpu.sem_alloc : memref<!tpu.dma_semaphore, #tpu.memory_space<semaphore_mem>>
      %dma_start3A_76 = arith.constant 0 : i32
      %dma_start3A_77 = arith.constant 0 : i32
      %dma_start3A_78 = tpu.memref_slice %arg8[%run_scoped3A, %dma_start3A_76, %dma_start3A_77] : memref<2x128x64xf32, #tpu.memory_space<vmem>> -> memref<1x128x64xf32, #tpu.memory_space<vmem>>
      %dma_start3A_79 = tpu.memref_squeeze %dma_start3A_78 : memref<1x128x64xf32, #tpu.memory_space<vmem>> -> memref<128x64xf32, #tpu.memory_space<vmem>>
      %dma_start3A_80 = arith.constant 0 : i32
      %dma_start3A_81 = tpu.memref_slice %arg9[%add3A_15, %dma_start3A_80] : memref<10240x64xf32, #tpu.memory_space<vmem_shared>> -> memref<128x64xf32, #tpu.memory_space<vmem_shared>>
      %dma_start3A_82 = arith.constant 0 : i32
      %dma_start3A_83 = tpu.memref_slice %arg9[%add3A_15, %dma_start3A_82] : memref<10240x64xf32, #tpu.memory_space<vmem_shared>> -> memref<128x64xf32, #tpu.memory_space<vmem_shared>>
      %dma_start3A_84 = arith.constant 0 : i32
      %dma_start3A_85 = arith.constant 0 : i32
      %dma_start3A_86 = tpu.memref_slice %arg8[%run_scoped3A, %dma_start3A_84, %dma_start3A_85] : memref<2x128x64xf32, #tpu.memory_space<vmem>> -> memref<1x128x64xf32, #tpu.memory_space<vmem>>
      %dma_start3A_87 = tpu.memref_squeeze %dma_start3A_86 : memref<1x128x64xf32, #tpu.memory_space<vmem>> -> memref<128x64xf32, #tpu.memory_space<vmem>>
      tpu.enqueue_dma source(%dma_start3A_87 : memref<128x64xf32, #tpu.memory_space<vmem>>) target(%dma_start3A_83 : memref<128x64xf32, #tpu.memory_space<vmem_shared>>) target_semaphore(%run_scoped3A_75 : memref<!tpu.dma_semaphore, #tpu.memory_space<semaphore_mem>>)
      %dma_wait3A = arith.constant 0 : i32
      %dma_wait3A_88 = arith.constant 0 : i32
      %dma_wait3A_89 = tpu.memref_slice %arg8[%run_scoped3A, %dma_wait3A, %dma_wait3A_88] : memref<2x128x64xf32, #tpu.memory_space<vmem>> -> memref<1x128x64xf32, #tpu.memory_space<vmem>>
      %dma_wait3A_90 = tpu.memref_squeeze %dma_wait3A_89 : memref<1x128x64xf32, #tpu.memory_space<vmem>> -> memref<128x64xf32, #tpu.memory_space<vmem>>
      %dma_wait3A_91 = arith.constant 0 : i32
      %dma_wait3A_92 = tpu.memref_slice %arg9[%add3A_15, %dma_wait3A_91] : memref<10240x64xf32, #tpu.memory_space<vmem_shared>> -> memref<128x64xf32, #tpu.memory_space<vmem_shared>>
      %dma_wait3A_93 = arith.constant 0 : i32
      %dma_wait3A_94 = tpu.memref_slice %arg9[%add3A_15, %dma_wait3A_93] : memref<10240x64xf32, #tpu.memory_space<vmem_shared>> -> memref<128x64xf32, #tpu.memory_space<vmem_shared>>
      %dma_wait3A_95 = arith.constant 0 : i32
      %dma_wait3A_96 = arith.constant 0 : i32
      %dma_wait3A_97 = tpu.memref_slice %arg8[%run_scoped3A, %dma_wait3A_95, %dma_wait3A_96] : memref<2x128x64xf32, #tpu.memory_space<vmem>> -> memref<1x128x64xf32, #tpu.memory_space<vmem>>
      %dma_wait3A_98 = tpu.memref_squeeze %dma_wait3A_97 : memref<1x128x64xf32, #tpu.memory_space<vmem>> -> memref<128x64xf32, #tpu.memory_space<vmem>>
      tpu.wait_dma2 semaphore(%run_scoped3A_75 : memref<!tpu.dma_semaphore, #tpu.memory_space<semaphore_mem>>) src(%dma_wait3A_98 : memref<128x64xf32, #tpu.memory_space<vmem>>) dst(%dma_wait3A_94 : memref<128x64xf32, #tpu.memory_space<vmem_shared>>)
      tpu.yield
    }) : () -> ()
    %mul3A_16 = arith.constant 640 : i32
    %mul3A_17 = arith.muli %arg1, %mul3A_16 : i32
    %add3A_18 = arith.constant 128 : i32
    %add3A_19 = arith.addi %mul3A_17, %add3A_18 : i32
    %run_scoped3A_20 = arith.constant 0 : i32
    "tpu.region"() ({
      %run_scoped3A_75 = tpu.sem_alloc : memref<!tpu.dma_semaphore, #tpu.memory_space<semaphore_mem>>
      %dma_start3A_76 = arith.constant 0 : i32
      %dma_start3A_77 = arith.constant 0 : i32
      %dma_start3A_78 = tpu.memref_slice %arg8[%run_scoped3A_20, %dma_start3A_76, %dma_start3A_77] : memref<2x128x64xf32, #tpu.memory_space<vmem>> -> memref<1x128x64xf32, #tpu.memory_space<vmem>>
      %dma_start3A_79 = tpu.memref_squeeze %dma_start3A_78 : memref<1x128x64xf32, #tpu.memory_space<vmem>> -> memref<128x64xf32, #tpu.memory_space<vmem>>
      %dma_start3A_80 = arith.constant 0 : i32
      %dma_start3A_81 = tpu.memref_slice %arg9[%add3A_19, %dma_start3A_80] : memref<10240x64xf32, #tpu.memory_space<vmem_shared>> -> memref<128x64xf32, #tpu.memory_space<vmem_shared>>
      %dma_start3A_82 = arith.constant 0 : i32
      %dma_start3A_83 = tpu.memref_slice %arg9[%add3A_19, %dma_start3A_82] : memref<10240x64xf32, #tpu.memory_space<vmem_shared>> -> memref<128x64xf32, #tpu.memory_space<vmem_shared>>
      %dma_start3A_84 = arith.constant 0 : i32
      %dma_start3A_85 = arith.constant 0 : i32
      %dma_start3A_86 = tpu.memref_slice %arg8[%run_scoped3A_20, %dma_start3A_84, %dma_start3A_85] : memref<2x128x64xf32, #tpu.memory_space<vmem>> -> memref<1x128x64xf32, #tpu.memory_space<vmem>>
      %dma_start3A_87 = tpu.memref_squeeze %dma_start3A_86 : memref<1x128x64xf32, #tpu.memory_space<vmem>> -> memref<128x64xf32, #tpu.memory_space<vmem>>
      tpu.enqueue_dma source(%dma_start3A_87 : memref<128x64xf32, #tpu.memory_space<vmem>>) target(%dma_start3A_83 : memref<128x64xf32, #tpu.memory_space<vmem_shared>>) target_semaphore(%run_scoped3A_75 : memref<!tpu.dma_semaphore, #tpu.memory_space<semaphore_mem>>)
      %dma_wait3A = arith.constant 0 : i32
      %dma_wait3A_88 = arith.constant 0 : i32
      %dma_wait3A_89 = tpu.memref_slice %arg8[%run_scoped3A_20, %dma_wait3A, %dma_wait3A_88] : memref<2x128x64xf32, #tpu.memory_space<vmem>> -> memref<1x128x64xf32, #tpu.memory_space<vmem>>
      %dma_wait3A_90 = tpu.memref_squeeze %dma_wait3A_89 : memref<1x128x64xf32, #tpu.memory_space<vmem>> -> memref<128x64xf32, #tpu.memory_space<vmem>>
      %dma_wait3A_91 = arith.constant 0 : i32
      %dma_wait3A_92 = tpu.memref_slice %arg9[%add3A_19, %dma_wait3A_91] : memref<10240x64xf32, #tpu.memory_space<vmem_shared>> -> memref<128x64xf32, #tpu.memory_space<vmem_shared>>
      %dma_wait3A_93 = arith.constant 0 : i32
      %dma_wait3A_94 = tpu.memref_slice %arg9[%add3A_19, %dma_wait3A_93] : memref<10240x64xf32, #tpu.memory_space<vmem_shared>> -> memref<128x64xf32, #tpu.memory_space<vmem_shared>>
      %dma_wait3A_95 = arith.constant 0 : i32
      %dma_wait3A_96 = arith.constant 0 : i32
      %dma_wait3A_97 = tpu.memref_slice %arg8[%run_scoped3A_20, %dma_wait3A_95, %dma_wait3A_96] : memref<2x128x64xf32, #tpu.memory_space<vmem>> -> memref<1x128x64xf32, #tpu.memory_space<vmem>>
      %dma_wait3A_98 = tpu.memref_squeeze %dma_wait3A_97 : memref<1x128x64xf32, #tpu.memory_space<vmem>> -> memref<128x64xf32, #tpu.memory_space<vmem>>
      tpu.wait_dma2 semaphore(%run_scoped3A_75 : memref<!tpu.dma_semaphore, #tpu.memory_space<semaphore_mem>>) src(%dma_wait3A_98 : memref<128x64xf32, #tpu.memory_space<vmem>>) dst(%dma_wait3A_94 : memref<128x64xf32, #tpu.memory_space<vmem_shared>>)
      tpu.yield
    }) : () -> ()
    %mul3A_21 = arith.constant 640 : i32
    %mul3A_22 = arith.muli %arg1, %mul3A_21 : i32
    %add3A_23 = arith.constant 256 : i32
    %add3A_24 = arith.addi %mul3A_22, %add3A_23 : i32
    %run_scoped3A_25 = arith.constant 0 : i32
    "tpu.region"() ({
      %run_scoped3A_75 = tpu.sem_alloc : memref<!tpu.dma_semaphore, #tpu.memory_space<semaphore_mem>>
      %dma_start3A_76 = arith.constant 0 : i32
      %dma_start3A_77 = arith.constant 0 : i32
      %dma_start3A_78 = tpu.memref_slice %arg8[%run_scoped3A_25, %dma_start3A_76, %dma_start3A_77] : memref<2x128x64xf32, #tpu.memory_space<vmem>> -> memref<1x128x64xf32, #tpu.memory_space<vmem>>
      %dma_start3A_79 = tpu.memref_squeeze %dma_start3A_78 : memref<1x128x64xf32, #tpu.memory_space<vmem>> -> memref<128x64xf32, #tpu.memory_space<vmem>>
      %dma_start3A_80 = arith.constant 0 : i32
      %dma_start3A_81 = tpu.memref_slice %arg9[%add3A_24, %dma_start3A_80] : memref<10240x64xf32, #tpu.memory_space<vmem_shared>> -> memref<128x64xf32, #tpu.memory_space<vmem_shared>>
      %dma_start3A_82 = arith.constant 0 : i32
      %dma_start3A_83 = tpu.memref_slice %arg9[%add3A_24, %dma_start3A_82] : memref<10240x64xf32, #tpu.memory_space<vmem_shared>> -> memref<128x64xf32, #tpu.memory_space<vmem_shared>>
      %dma_start3A_84 = arith.constant 0 : i32
      %dma_start3A_85 = arith.constant 0 : i32
      %dma_start3A_86 = tpu.memref_slice %arg8[%run_scoped3A_25, %dma_start3A_84, %dma_start3A_85] : memref<2x128x64xf32, #tpu.memory_space<vmem>> -> memref<1x128x64xf32, #tpu.memory_space<vmem>>
      %dma_start3A_87 = tpu.memref_squeeze %dma_start3A_86 : memref<1x128x64xf32, #tpu.memory_space<vmem>> -> memref<128x64xf32, #tpu.memory_space<vmem>>
      tpu.enqueue_dma source(%dma_start3A_87 : memref<128x64xf32, #tpu.memory_space<vmem>>) target(%dma_start3A_83 : memref<128x64xf32, #tpu.memory_space<vmem_shared>>) target_semaphore(%run_scoped3A_75 : memref<!tpu.dma_semaphore, #tpu.memory_space<semaphore_mem>>)
      %dma_wait3A = arith.constant 0 : i32
      %dma_wait3A_88 = arith.constant 0 : i32
      %dma_wait3A_89 = tpu.memref_slice %arg8[%run_scoped3A_25, %dma_wait3A, %dma_wait3A_88] : memref<2x128x64xf32, #tpu.memory_space<vmem>> -> memref<1x128x64xf32, #tpu.memory_space<vmem>>
      %dma_wait3A_90 = tpu.memref_squeeze %dma_wait3A_89 : memref<1x128x64xf32, #tpu.memory_space<vmem>> -> memref<128x64xf32, #tpu.memory_space<vmem>>
      %dma_wait3A_91 = arith.constant 0 : i32
      %dma_wait3A_92 = tpu.memref_slice %arg9[%add3A_24, %dma_wait3A_91] : memref<10240x64xf32, #tpu.memory_space<vmem_shared>> -> memref<128x64xf32, #tpu.memory_space<vmem_shared>>
      %dma_wait3A_93 = arith.constant 0 : i32
      %dma_wait3A_94 = tpu.memref_slice %arg9[%add3A_24, %dma_wait3A_93] : memref<10240x64xf32, #tpu.memory_space<vmem_shared>> -> memref<128x64xf32, #tpu.memory_space<vmem_shared>>
      %dma_wait3A_95 = arith.constant 0 : i32
      %dma_wait3A_96 = arith.constant 0 : i32
      %dma_wait3A_97 = tpu.memref_slice %arg8[%run_scoped3A_25, %dma_wait3A_95, %dma_wait3A_96] : memref<2x128x64xf32, #tpu.memory_space<vmem>> -> memref<1x128x64xf32, #tpu.memory_space<vmem>>
      %dma_wait3A_98 = tpu.memref_squeeze %dma_wait3A_97 : memref<1x128x64xf32, #tpu.memory_space<vmem>> -> memref<128x64xf32, #tpu.memory_space<vmem>>
      tpu.wait_dma2 semaphore(%run_scoped3A_75 : memref<!tpu.dma_semaphore, #tpu.memory_space<semaphore_mem>>) src(%dma_wait3A_98 : memref<128x64xf32, #tpu.memory_space<vmem>>) dst(%dma_wait3A_94 : memref<128x64xf32, #tpu.memory_space<vmem_shared>>)
      tpu.yield
    }) : () -> ()
    %mul3A_26 = arith.constant 640 : i32
    %mul3A_27 = arith.muli %arg1, %mul3A_26 : i32
    %add3A_28 = arith.constant 384 : i32
    %add3A_29 = arith.addi %mul3A_27, %add3A_28 : i32
    %run_scoped3A_30 = arith.constant 0 : i32
    "tpu.region"() ({
      %run_scoped3A_75 = tpu.sem_alloc : memref<!tpu.dma_semaphore, #tpu.memory_space<semaphore_mem>>
      %dma_start3A_76 = arith.constant 0 : i32
      %dma_start3A_77 = arith.constant 0 : i32
      %dma_start3A_78 = tpu.memref_slice %arg8[%run_scoped3A_30, %dma_start3A_76, %dma_start3A_77] : memref<2x128x64xf32, #tpu.memory_space<vmem>> -> memref<1x128x64xf32, #tpu.memory_space<vmem>>
      %dma_start3A_79 = tpu.memref_squeeze %dma_start3A_78 : memref<1x128x64xf32, #tpu.memory_space<vmem>> -> memref<128x64xf32, #tpu.memory_space<vmem>>
      %dma_start3A_80 = arith.constant 0 : i32
      %dma_start3A_81 = tpu.memref_slice %arg9[%add3A_29, %dma_start3A_80] : memref<10240x64xf32, #tpu.memory_space<vmem_shared>> -> memref<128x64xf32, #tpu.memory_space<vmem_shared>>
      %dma_start3A_82 = arith.constant 0 : i32
      %dma_start3A_83 = tpu.memref_slice %arg9[%add3A_29, %dma_start3A_82] : memref<10240x64xf32, #tpu.memory_space<vmem_shared>> -> memref<128x64xf32, #tpu.memory_space<vmem_shared>>
      %dma_start3A_84 = arith.constant 0 : i32
      %dma_start3A_85 = arith.constant 0 : i32
      %dma_start3A_86 = tpu.memref_slice %arg8[%run_scoped3A_30, %dma_start3A_84, %dma_start3A_85] : memref<2x128x64xf32, #tpu.memory_space<vmem>> -> memref<1x128x64xf32, #tpu.memory_space<vmem>>
      %dma_start3A_87 = tpu.memref_squeeze %dma_start3A_86 : memref<1x128x64xf32, #tpu.memory_space<vmem>> -> memref<128x64xf32, #tpu.memory_space<vmem>>
      tpu.enqueue_dma source(%dma_start3A_87 : memref<128x64xf32, #tpu.memory_space<vmem>>) target(%dma_start3A_83 : memref<128x64xf32, #tpu.memory_space<vmem_shared>>) target_semaphore(%run_scoped3A_75 : memref<!tpu.dma_semaphore, #tpu.memory_space<semaphore_mem>>)
      %dma_wait3A = arith.constant 0 : i32
      %dma_wait3A_88 = arith.constant 0 : i32
      %dma_wait3A_89 = tpu.memref_slice %arg8[%run_scoped3A_30, %dma_wait3A, %dma_wait3A_88] : memref<2x128x64xf32, #tpu.memory_space<vmem>> -> memref<1x128x64xf32, #tpu.memory_space<vmem>>
      %dma_wait3A_90 = tpu.memref_squeeze %dma_wait3A_89 : memref<1x128x64xf32, #tpu.memory_space<vmem>> -> memref<128x64xf32, #tpu.memory_space<vmem>>
      %dma_wait3A_91 = arith.constant 0 : i32
      %dma_wait3A_92 = tpu.memref_slice %arg9[%add3A_29, %dma_wait3A_91] : memref<10240x64xf32, #tpu.memory_space<vmem_shared>> -> memref<128x64xf32, #tpu.memory_space<vmem_shared>>
      %dma_wait3A_93 = arith.constant 0 : i32
      %dma_wait3A_94 = tpu.memref_slice %arg9[%add3A_29, %dma_wait3A_93] : memref<10240x64xf32, #tpu.memory_space<vmem_shared>> -> memref<128x64xf32, #tpu.memory_space<vmem_shared>>
      %dma_wait3A_95 = arith.constant 0 : i32
      %dma_wait3A_96 = arith.constant 0 : i32
      %dma_wait3A_97 = tpu.memref_slice %arg8[%run_scoped3A_30, %dma_wait3A_95, %dma_wait3A_96] : memref<2x128x64xf32, #tpu.memory_space<vmem>> -> memref<1x128x64xf32, #tpu.memory_space<vmem>>
      %dma_wait3A_98 = tpu.memref_squeeze %dma_wait3A_97 : memref<1x128x64xf32, #tpu.memory_space<vmem>> -> memref<128x64xf32, #tpu.memory_space<vmem>>
      tpu.wait_dma2 semaphore(%run_scoped3A_75 : memref<!tpu.dma_semaphore, #tpu.memory_space<semaphore_mem>>) src(%dma_wait3A_98 : memref<128x64xf32, #tpu.memory_space<vmem>>) dst(%dma_wait3A_94 : memref<128x64xf32, #tpu.memory_space<vmem_shared>>)
      tpu.yield
    }) : () -> ()
    %mul3A_31 = arith.constant 640 : i32
    %mul3A_32 = arith.muli %arg1, %mul3A_31 : i32
    %add3A_33 = arith.constant 512 : i32
    %add3A_34 = arith.addi %mul3A_32, %add3A_33 : i32
    %run_scoped3A_35 = arith.constant 0 : i32
    "tpu.region"() ({
      %run_scoped3A_75 = tpu.sem_alloc : memref<!tpu.dma_semaphore, #tpu.memory_space<semaphore_mem>>
      %dma_start3A_76 = arith.constant 0 : i32
      %dma_start3A_77 = arith.constant 0 : i32
      %dma_start3A_78 = tpu.memref_slice %arg8[%run_scoped3A_35, %dma_start3A_76, %dma_start3A_77] : memref<2x128x64xf32, #tpu.memory_space<vmem>> -> memref<1x128x64xf32, #tpu.memory_space<vmem>>
      %dma_start3A_79 = tpu.memref_squeeze %dma_start3A_78 : memref<1x128x64xf32, #tpu.memory_space<vmem>> -> memref<128x64xf32, #tpu.memory_space<vmem>>
      %dma_start3A_80 = arith.constant 0 : i32
      %dma_start3A_81 = tpu.memref_slice %arg9[%add3A_34, %dma_start3A_80] : memref<10240x64xf32, #tpu.memory_space<vmem_shared>> -> memref<128x64xf32, #tpu.memory_space<vmem_shared>>
      %dma_start3A_82 = arith.constant 0 : i32
      %dma_start3A_83 = tpu.memref_slice %arg9[%add3A_34, %dma_start3A_82] : memref<10240x64xf32, #tpu.memory_space<vmem_shared>> -> memref<128x64xf32, #tpu.memory_space<vmem_shared>>
      %dma_start3A_84 = arith.constant 0 : i32
      %dma_start3A_85 = arith.constant 0 : i32
      %dma_start3A_86 = tpu.memref_slice %arg8[%run_scoped3A_35, %dma_start3A_84, %dma_start3A_85] : memref<2x128x64xf32, #tpu.memory_space<vmem>> -> memref<1x128x64xf32, #tpu.memory_space<vmem>>
      %dma_start3A_87 = tpu.memref_squeeze %dma_start3A_86 : memref<1x128x64xf32, #tpu.memory_space<vmem>> -> memref<128x64xf32, #tpu.memory_space<vmem>>
      tpu.enqueue_dma source(%dma_start3A_87 : memref<128x64xf32, #tpu.memory_space<vmem>>) target(%dma_start3A_83 : memref<128x64xf32, #tpu.memory_space<vmem_shared>>) target_semaphore(%run_scoped3A_75 : memref<!tpu.dma_semaphore, #tpu.memory_space<semaphore_mem>>)
      %dma_wait3A = arith.constant 0 : i32
      %dma_wait3A_88 = arith.constant 0 : i32
      %dma_wait3A_89 = tpu.memref_slice %arg8[%run_scoped3A_35, %dma_wait3A, %dma_wait3A_88] : memref<2x128x64xf32, #tpu.memory_space<vmem>> -> memref<1x128x64xf32, #tpu.memory_space<vmem>>
      %dma_wait3A_90 = tpu.memref_squeeze %dma_wait3A_89 : memref<1x128x64xf32, #tpu.memory_space<vmem>> -> memref<128x64xf32, #tpu.memory_space<vmem>>
      %dma_wait3A_91 = arith.constant 0 : i32
      %dma_wait3A_92 = tpu.memref_slice %arg9[%add3A_34, %dma_wait3A_91] : memref<10240x64xf32, #tpu.memory_space<vmem_shared>> -> memref<128x64xf32, #tpu.memory_space<vmem_shared>>
      %dma_wait3A_93 = arith.constant 0 : i32
      %dma_wait3A_94 = tpu.memref_slice %arg9[%add3A_34, %dma_wait3A_93] : memref<10240x64xf32, #tpu.memory_space<vmem_shared>> -> memref<128x64xf32, #tpu.memory_space<vmem_shared>>
      %dma_wait3A_95 = arith.constant 0 : i32
      %dma_wait3A_96 = arith.constant 0 : i32
      %dma_wait3A_97 = tpu.memref_slice %arg8[%run_scoped3A_35, %dma_wait3A_95, %dma_wait3A_96] : memref<2x128x64xf32, #tpu.memory_space<vmem>> -> memref<1x128x64xf32, #tpu.memory_space<vmem>>
      %dma_wait3A_98 = tpu.memref_squeeze %dma_wait3A_97 : memref<1x128x64xf32, #tpu.memory_space<vmem>> -> memref<128x64xf32, #tpu.memory_space<vmem>>
      tpu.wait_dma2 semaphore(%run_scoped3A_75 : memref<!tpu.dma_semaphore, #tpu.memory_space<semaphore_mem>>) src(%dma_wait3A_98 : memref<128x64xf32, #tpu.memory_space<vmem>>) dst(%dma_wait3A_94 : memref<128x64xf32, #tpu.memory_space<vmem_shared>>)
      tpu.yield
    }) : () -> ()
    %barrier3A = arith.constant 0 : index
    tpu.barrier barrier_id(%barrier3A)
    "tpu.region"() ({
      %run_scoped3A_75 = tpu.sem_alloc : memref<!tpu.dma_semaphore, #tpu.memory_space<semaphore_mem>>
      %dma_start3A_76 = arith.constant 0 : i32
      %dma_start3A_77 = arith.constant 0 : i32
      %dma_start3A_78 = tpu.memref_slice %arg3[%add3A, %dma_start3A_76, %dma_start3A_77] : memref<32x80x128xi32, #tpu.memory_space<hbm>> -> memref<1x80x128xi32, #tpu.memory_space<hbm>>
      %dma_start3A_79 = tpu.memref_squeeze %dma_start3A_78 : memref<1x80x128xi32, #tpu.memory_space<hbm>> -> memref<80x128xi32, #tpu.memory_space<hbm>>
      %dma_start3A_80 = arith.constant 0 : i32
      %dma_start3A_81 = arith.constant 0 : i32
      %dma_start3A_82 = tpu.memref_slice %arg3[%add3A, %dma_start3A_80, %dma_start3A_81] : memref<32x80x128xi32, #tpu.memory_space<hbm>> -> memref<1x80x128xi32, #tpu.memory_space<hbm>>
      %dma_start3A_83 = tpu.memref_squeeze %dma_start3A_82 : memref<1x80x128xi32, #tpu.memory_space<hbm>> -> memref<80x128xi32, #tpu.memory_space<hbm>>
      tpu.enqueue_dma source(%dma_start3A_83 : memref<80x128xi32, #tpu.memory_space<hbm>>) target(%arg6 : memref<80x128xi32, #tpu.memory_space<vmem>>) target_semaphore(%run_scoped3A_75 : memref<!tpu.dma_semaphore, #tpu.memory_space<semaphore_mem>>)
      %dma_wait3A = arith.constant 0 : i32
      %dma_wait3A_84 = arith.constant 0 : i32
      %dma_wait3A_85 = tpu.memref_slice %arg3[%add3A, %dma_wait3A, %dma_wait3A_84] : memref<32x80x128xi32, #tpu.memory_space<hbm>> -> memref<1x80x128xi32, #tpu.memory_space<hbm>>
      %dma_wait3A_86 = tpu.memref_squeeze %dma_wait3A_85 : memref<1x80x128xi32, #tpu.memory_space<hbm>> -> memref<80x128xi32, #tpu.memory_space<hbm>>
      %dma_wait3A_87 = arith.constant 0 : i32
      %dma_wait3A_88 = arith.constant 0 : i32
      %dma_wait3A_89 = tpu.memref_slice %arg3[%add3A, %dma_wait3A_87, %dma_wait3A_88] : memref<32x80x128xi32, #tpu.memory_space<hbm>> -> memref<1x80x128xi32, #tpu.memory_space<hbm>>
      %dma_wait3A_90 = tpu.memref_squeeze %dma_wait3A_89 : memref<1x80x128xi32, #tpu.memory_space<hbm>> -> memref<80x128xi32, #tpu.memory_space<hbm>>
      tpu.wait_dma2 semaphore(%run_scoped3A_75 : memref<!tpu.dma_semaphore, #tpu.memory_space<semaphore_mem>>) src(%dma_wait3A_90 : memref<80x128xi32, #tpu.memory_space<hbm>>) dst(%arg6 : memref<80x128xi32, #tpu.memory_space<vmem>>)
      tpu.yield
    }) : () -> ()
    "tpu.region"() ({
      %run_scoped3A_75 = tpu.sem_alloc : memref<!tpu.dma_semaphore, #tpu.memory_space<semaphore_mem>>
      %dma_start3A_76 = arith.constant 0 : i32
      %dma_start3A_77 = arith.constant 0 : i32
      %dma_start3A_78 = tpu.memref_slice %arg4[%add3A, %dma_start3A_76, %dma_start3A_77] : memref<32x80x128xi32, #tpu.memory_space<hbm>> -> memref<1x80x128xi32, #tpu.memory_space<hbm>>
      %dma_start3A_79 = tpu.memref_squeeze %dma_start3A_78 : memref<1x80x128xi32, #tpu.memory_space<hbm>> -> memref<80x128xi32, #tpu.memory_space<hbm>>
      %dma_start3A_80 = arith.constant 0 : i32
      %dma_start3A_81 = arith.constant 0 : i32
      %dma_start3A_82 = tpu.memref_slice %arg4[%add3A, %dma_start3A_80, %dma_start3A_81] : memref<32x80x128xi32, #tpu.memory_space<hbm>> -> memref<1x80x128xi32, #tpu.memory_space<hbm>>
      %dma_start3A_83 = tpu.memref_squeeze %dma_start3A_82 : memref<1x80x128xi32, #tpu.memory_space<hbm>> -> memref<80x128xi32, #tpu.memory_space<hbm>>
      tpu.enqueue_dma source(%dma_start3A_83 : memref<80x128xi32, #tpu.memory_space<hbm>>) target(%arg7 : memref<80x128xi32, #tpu.memory_space<vmem>>) target_semaphore(%run_scoped3A_75 : memref<!tpu.dma_semaphore, #tpu.memory_space<semaphore_mem>>)
      %dma_wait3A = arith.constant 0 : i32
      %dma_wait3A_84 = arith.constant 0 : i32
      %dma_wait3A_85 = tpu.memref_slice %arg4[%add3A, %dma_wait3A, %dma_wait3A_84] : memref<32x80x128xi32, #tpu.memory_space<hbm>> -> memref<1x80x128xi32, #tpu.memory_space<hbm>>
      %dma_wait3A_86 = tpu.memref_squeeze %dma_wait3A_85 : memref<1x80x128xi32, #tpu.memory_space<hbm>> -> memref<80x128xi32, #tpu.memory_space<hbm>>
      %dma_wait3A_87 = arith.constant 0 : i32
      %dma_wait3A_88 = arith.constant 0 : i32
      %dma_wait3A_89 = tpu.memref_slice %arg4[%add3A, %dma_wait3A_87, %dma_wait3A_88] : memref<32x80x128xi32, #tpu.memory_space<hbm>> -> memref<1x80x128xi32, #tpu.memory_space<hbm>>
      %dma_wait3A_90 = tpu.memref_squeeze %dma_wait3A_89 : memref<1x80x128xi32, #tpu.memory_space<hbm>> -> memref<80x128xi32, #tpu.memory_space<hbm>>
      tpu.wait_dma2 semaphore(%run_scoped3A_75 : memref<!tpu.dma_semaphore, #tpu.memory_space<semaphore_mem>>) src(%dma_wait3A_90 : memref<80x128xi32, #tpu.memory_space<hbm>>) dst(%arg7 : memref<80x128xi32, #tpu.memory_space<vmem>>)
      tpu.yield
    }) : () -> ()
    %dma_start3A = arith.constant 0 : i32
    %dma_start3A_36 = arith.constant 0 : i32
    %dma_start3A_37 = arith.constant 0 : i32
    %dma_start3A_38 = arith.constant 0 : i32
    %dma_start3A_39 = tpu.memref_slice %arg8[%dma_start3A_36, %dma_start3A_37, %dma_start3A_38] : memref<2x128x64xf32, #tpu.memory_space<vmem>> -> memref<1x128x64xf32, #tpu.memory_space<vmem>>
    %dma_start3A_40 = tpu.memref_squeeze %dma_start3A_39 : memref<1x128x64xf32, #tpu.memory_space<vmem>> -> memref<128x64xf32, #tpu.memory_space<vmem>>
    %dma_start3A_41 = arith.constant 0 : i32
    %dma_start3A_42 = tpu.memref_slice %arg6[%dma_start3A, %dma_start3A_41] : memref<80x128xi32, #tpu.memory_space<vmem>> -> memref<1x128xi32, #tpu.memory_space<vmem>>
    %dma_start3A_43 = tpu.memref_squeeze %dma_start3A_42 : memref<1x128xi32, #tpu.memory_space<vmem>> -> memref<128xi32, #tpu.memory_space<vmem>>
    %dma_start3A_44 = arith.constant 0 : i32
    %dma_start3A_45 = arith.constant 0 : i32
    %dma_start3A_46 = tpu.memref_slice %arg10[%dma_start3A_44, %dma_start3A_45] : memref<10000x64xf32, #tpu.memory_space<vmem_shared>> -> memref<10000x64xf32, #tpu.memory_space<vmem_shared>>
    tpu.enqueue_indirect_dma source(%dma_start3A_46 : memref<10000x64xf32, #tpu.memory_space<vmem_shared>>) target(%dma_start3A_40 : memref<128x64xf32, #tpu.memory_space<vmem>>) offsets(%dma_start3A_43 : memref<128xi32, #tpu.memory_space<vmem>>) semaphore(%arg11 : memref<!tpu.dma_semaphore, #tpu.memory_space<semaphore_mem>>)
    %dma_start3A_47 = arith.constant 1 : i32
    %dma_start3A_48 = arith.constant 1 : i32
    %dma_start3A_49 = arith.constant 0 : i32
    %dma_start3A_50 = arith.constant 0 : i32
    %dma_start3A_51 = tpu.memref_slice %arg8[%dma_start3A_48, %dma_start3A_49, %dma_start3A_50] : memref<2x128x64xf32, #tpu.memory_space<vmem>> -> memref<1x128x64xf32, #tpu.memory_space<vmem>>
    %dma_start3A_52 = tpu.memref_squeeze %dma_start3A_51 : memref<1x128x64xf32, #tpu.memory_space<vmem>> -> memref<128x64xf32, #tpu.memory_space<vmem>>
    %dma_start3A_53 = arith.constant 0 : i32
    %dma_start3A_54 = tpu.memref_slice %arg6[%dma_start3A_47, %dma_start3A_53] : memref<80x128xi32, #tpu.memory_space<vmem>> -> memref<1x128xi32, #tpu.memory_space<vmem>>
    %dma_start3A_55 = tpu.memref_squeeze %dma_start3A_54 : memref<1x128xi32, #tpu.memory_space<vmem>> -> memref<128xi32, #tpu.memory_space<vmem>>
    %dma_start3A_56 = arith.constant 0 : i32
    %dma_start3A_57 = arith.constant 0 : i32
    %dma_start3A_58 = tpu.memref_slice %arg10[%dma_start3A_56, %dma_start3A_57] : memref<10000x64xf32, #tpu.memory_space<vmem_shared>> -> memref<10000x64xf32, #tpu.memory_space<vmem_shared>>
    tpu.enqueue_indirect_dma source(%dma_start3A_58 : memref<10000x64xf32, #tpu.memory_space<vmem_shared>>) target(%dma_start3A_52 : memref<128x64xf32, #tpu.memory_space<vmem>>) offsets(%dma_start3A_55 : memref<128xi32, #tpu.memory_space<vmem>>) semaphore(%arg12 : memref<!tpu.dma_semaphore, #tpu.memory_space<semaphore_mem>>)
    %scan3A_59 = arith.constant 0 : i32
    %scan3A_60 = arith.constant 0 : i32
    %scan3A_61 = arith.constant 40 : i32
    %scan3A_62 = arith.addi %scan3A_60, %scan3A_61 : i32
    %scan3A_63 = arith.constant 1 : i32
    scf.for %scan3A_75 = %scan3A_60 to %scan3A_62 step %scan3A_63  : i32 {
      %mul3A_76 = arith.constant 2 : i32
      %mul3A_77 = arith.muli %scan3A_75, %mul3A_76 : i32
      %add3A_78 = arith.constant 0 : i32
      %add3A_79 = arith.addi %mul3A_77, %add3A_78 : i32
      %dma_wait3A = arith.constant 0 : i32
      %dma_wait3A_80 = arith.constant 0 : i32
      %dma_wait3A_81 = arith.constant 0 : i32
      %dma_wait3A_82 = tpu.memref_slice %arg8[%dma_wait3A, %dma_wait3A_80, %dma_wait3A_81] : memref<2x128x64xf32, #tpu.memory_space<vmem>> -> memref<1x128x64xf32, #tpu.memory_space<vmem>>
      %dma_wait3A_83 = tpu.memref_squeeze %dma_wait3A_82 : memref<1x128x64xf32, #tpu.memory_space<vmem>> -> memref<128x64xf32, #tpu.memory_space<vmem>>
      %dma_wait3A_84 = arith.constant 0 : i32
      %dma_wait3A_85 = tpu.memref_slice %arg6[%add3A_79, %dma_wait3A_84] : memref<80x128xi32, #tpu.memory_space<vmem>> -> memref<1x128xi32, #tpu.memory_space<vmem>>
      %dma_wait3A_86 = tpu.memref_squeeze %dma_wait3A_85 : memref<1x128xi32, #tpu.memory_space<vmem>> -> memref<128xi32, #tpu.memory_space<vmem>>
      %dma_wait3A_87 = arith.constant 0 : i32
      %dma_wait3A_88 = arith.constant 0 : i32
      %dma_wait3A_89 = tpu.memref_slice %arg10[%dma_wait3A_87, %dma_wait3A_88] : memref<10000x64xf32, #tpu.memory_space<vmem_shared>> -> memref<10000x64xf32, #tpu.memory_space<vmem_shared>>
      tpu.wait_indirect_dma semaphore(%arg11 : memref<!tpu.dma_semaphore, #tpu.memory_space<semaphore_mem>>) src(%dma_wait3A_89 : memref<10000x64xf32, #tpu.memory_space<vmem_shared>>) dst(%dma_wait3A_83 : memref<128x64xf32, #tpu.memory_space<vmem>>)
      %run_scoped3A_90 = arith.constant 0 : i32
      "tpu.region"() ({
        %run_scoped3A_118 = tpu.sem_alloc : memref<!tpu.dma_semaphore, #tpu.memory_space<semaphore_mem>>
        %dma_start3A_119 = arith.constant 0 : i32
        %dma_start3A_120 = arith.constant 0 : i32
        %dma_start3A_121 = tpu.memref_slice %arg8[%run_scoped3A_90, %dma_start3A_119, %dma_start3A_120] : memref<2x128x64xf32, #tpu.memory_space<vmem>> -> memref<1x128x64xf32, #tpu.memory_space<vmem>>
        %dma_start3A_122 = tpu.memref_squeeze %dma_start3A_121 : memref<1x128x64xf32, #tpu.memory_space<vmem>> -> memref<128x64xf32, #tpu.memory_space<vmem>>
        %dma_start3A_123 = arith.constant 0 : i32
        %dma_start3A_124 = tpu.memref_slice %arg7[%add3A_79, %dma_start3A_123] : memref<80x128xi32, #tpu.memory_space<vmem>> -> memref<1x128xi32, #tpu.memory_space<vmem>>
        %dma_start3A_125 = tpu.memref_squeeze %dma_start3A_124 : memref<1x128xi32, #tpu.memory_space<vmem>> -> memref<128xi32, #tpu.memory_space<vmem>>
        %dma_start3A_126 = arith.constant 0 : i32
        %dma_start3A_127 = arith.constant 0 : i32
        %dma_start3A_128 = tpu.memref_slice %arg9[%dma_start3A_126, %dma_start3A_127] : memref<10240x64xf32, #tpu.memory_space<vmem_shared>> -> memref<10240x64xf32, #tpu.memory_space<vmem_shared>>
        tpu.enqueue_indirect_dma source(%dma_start3A_122 : memref<128x64xf32, #tpu.memory_space<vmem>>) target(%dma_start3A_128 : memref<10240x64xf32, #tpu.memory_space<vmem_shared>>) offsets(%dma_start3A_125 : memref<128xi32, #tpu.memory_space<vmem>>) semaphore(%run_scoped3A_118 : memref<!tpu.dma_semaphore, #tpu.memory_space<semaphore_mem>>) {add = true}
        %dma_wait3A_129 = arith.constant 0 : i32
        %dma_wait3A_130 = arith.constant 0 : i32
        %dma_wait3A_131 = tpu.memref_slice %arg8[%run_scoped3A_90, %dma_wait3A_129, %dma_wait3A_130] : memref<2x128x64xf32, #tpu.memory_space<vmem>> -> memref<1x128x64xf32, #tpu.memory_space<vmem>>
        %dma_wait3A_132 = tpu.memref_squeeze %dma_wait3A_131 : memref<1x128x64xf32, #tpu.memory_space<vmem>> -> memref<128x64xf32, #tpu.memory_space<vmem>>
        %dma_wait3A_133 = arith.constant 0 : i32
        %dma_wait3A_134 = tpu.memref_slice %arg7[%add3A_79, %dma_wait3A_133] : memref<80x128xi32, #tpu.memory_space<vmem>> -> memref<1x128xi32, #tpu.memory_space<vmem>>
        %dma_wait3A_135 = tpu.memref_squeeze %dma_wait3A_134 : memref<1x128xi32, #tpu.memory_space<vmem>> -> memref<128xi32, #tpu.memory_space<vmem>>
        %dma_wait3A_136 = arith.constant 0 : i32
        %dma_wait3A_137 = arith.constant 0 : i32
        %dma_wait3A_138 = tpu.memref_slice %arg9[%dma_wait3A_136, %dma_wait3A_137] : memref<10240x64xf32, #tpu.memory_space<vmem_shared>> -> memref<10240x64xf32, #tpu.memory_space<vmem_shared>>
        tpu.wait_indirect_dma semaphore(%run_scoped3A_118 : memref<!tpu.dma_semaphore, #tpu.memory_space<semaphore_mem>>) src(%dma_wait3A_132 : memref<128x64xf32, #tpu.memory_space<vmem>>) dst(%dma_wait3A_138 : memref<10240x64xf32, #tpu.memory_space<vmem_shared>>)
        tpu.yield
      }) : () -> ()
      %add3A_91 = arith.constant 2 : i32
      %add3A_92 = arith.addi %add3A_79, %add3A_91 : i32
      %lt3A = arith.constant 80 : i32
      %lt3A_93 = arith.cmpi slt, %add3A_92, %lt3A : i32
      %convert_element_type3A_94 = arith.extui %lt3A_93 : i1 to i32
      %cond3A_95 = arith.constant 0 : i32
      %cond3A_96 = arith.cmpi ne, %convert_element_type3A_94, %cond3A_95 : i32
      scf.if %cond3A_96 {
        %add3A_118 = arith.constant 2 : i32
        %add3A_119 = arith.addi %add3A_79, %add3A_118 : i32
        %dma_start3A_120 = arith.constant 0 : i32
        %dma_start3A_121 = arith.constant 0 : i32
        %dma_start3A_122 = arith.constant 0 : i32
        %dma_start3A_123 = tpu.memref_slice %arg8[%dma_start3A_120, %dma_start3A_121, %dma_start3A_122] : memref<2x128x64xf32, #tpu.memory_space<vmem>> -> memref<1x128x64xf32, #tpu.memory_space<vmem>>
        %dma_start3A_124 = tpu.memref_squeeze %dma_start3A_123 : memref<1x128x64xf32, #tpu.memory_space<vmem>> -> memref<128x64xf32, #tpu.memory_space<vmem>>
        %dma_start3A_125 = arith.constant 0 : i32
        %dma_start3A_126 = tpu.memref_slice %arg6[%add3A_119, %dma_start3A_125] : memref<80x128xi32, #tpu.memory_space<vmem>> -> memref<1x128xi32, #tpu.memory_space<vmem>>
        %dma_start3A_127 = tpu.memref_squeeze %dma_start3A_126 : memref<1x128xi32, #tpu.memory_space<vmem>> -> memref<128xi32, #tpu.memory_space<vmem>>
        %dma_start3A_128 = arith.constant 0 : i32
        %dma_start3A_129 = arith.constant 0 : i32
        %dma_start3A_130 = tpu.memref_slice %arg10[%dma_start3A_128, %dma_start3A_129] : memref<10000x64xf32, #tpu.memory_space<vmem_shared>> -> memref<10000x64xf32, #tpu.memory_space<vmem_shared>>
        tpu.enqueue_indirect_dma source(%dma_start3A_130 : memref<10000x64xf32, #tpu.memory_space<vmem_shared>>) target(%dma_start3A_124 : memref<128x64xf32, #tpu.memory_space<vmem>>) offsets(%dma_start3A_127 : memref<128xi32, #tpu.memory_space<vmem>>) semaphore(%arg11 : memref<!tpu.dma_semaphore, #tpu.memory_space<semaphore_mem>>)
      } else {
      }
      %add3A_97 = arith.constant 1 : i32
      %add3A_98 = arith.addi %mul3A_77, %add3A_97 : i32
      %dma_wait3A_99 = arith.constant 1 : i32
      %dma_wait3A_100 = arith.constant 0 : i32
      %dma_wait3A_101 = arith.constant 0 : i32
      %dma_wait3A_102 = tpu.memref_slice %arg8[%dma_wait3A_99, %dma_wait3A_100, %dma_wait3A_101] : memref<2x128x64xf32, #tpu.memory_space<vmem>> -> memref<1x128x64xf32, #tpu.memory_space<vmem>>
      %dma_wait3A_103 = tpu.memref_squeeze %dma_wait3A_102 : memref<1x128x64xf32, #tpu.memory_space<vmem>> -> memref<128x64xf32, #tpu.memory_space<vmem>>
      %dma_wait3A_104 = arith.constant 0 : i32
      %dma_wait3A_105 = tpu.memref_slice %arg6[%add3A_98, %dma_wait3A_104] : memref<80x128xi32, #tpu.memory_space<vmem>> -> memref<1x128xi32, #tpu.memory_space<vmem>>
      %dma_wait3A_106 = tpu.memref_squeeze %dma_wait3A_105 : memref<1x128xi32, #tpu.memory_space<vmem>> -> memref<128xi32, #tpu.memory_space<vmem>>
      %dma_wait3A_107 = arith.constant 0 : i32
      %dma_wait3A_108 = arith.constant 0 : i32
      %dma_wait3A_109 = tpu.memref_slice %arg10[%dma_wait3A_107, %dma_wait3A_108] : memref<10000x64xf32, #tpu.memory_space<vmem_shared>> -> memref<10000x64xf32, #tpu.memory_space<vmem_shared>>
      tpu.wait_indirect_dma semaphore(%arg12 : memref<!tpu.dma_semaphore, #tpu.memory_space<semaphore_mem>>) src(%dma_wait3A_109 : memref<10000x64xf32, #tpu.memory_space<vmem_shared>>) dst(%dma_wait3A_103 : memref<128x64xf32, #tpu.memory_space<vmem>>)
      %run_scoped3A_110 = arith.constant 1 : i32
      "tpu.region"() ({
        %run_scoped3A_118 = tpu.sem_alloc : memref<!tpu.dma_semaphore, #tpu.memory_space<semaphore_mem>>
        %dma_start3A_119 = arith.constant 0 : i32
        %dma_start3A_120 = arith.constant 0 : i32
        %dma_start3A_121 = tpu.memref_slice %arg8[%run_scoped3A_110, %dma_start3A_119, %dma_start3A_120] : memref<2x128x64xf32, #tpu.memory_space<vmem>> -> memref<1x128x64xf32, #tpu.memory_space<vmem>>
        %dma_start3A_122 = tpu.memref_squeeze %dma_start3A_121 : memref<1x128x64xf32, #tpu.memory_space<vmem>> -> memref<128x64xf32, #tpu.memory_space<vmem>>
        %dma_start3A_123 = arith.constant 0 : i32
        %dma_start3A_124 = tpu.memref_slice %arg7[%add3A_98, %dma_start3A_123] : memref<80x128xi32, #tpu.memory_space<vmem>> -> memref<1x128xi32, #tpu.memory_space<vmem>>
        %dma_start3A_125 = tpu.memref_squeeze %dma_start3A_124 : memref<1x128xi32, #tpu.memory_space<vmem>> -> memref<128xi32, #tpu.memory_space<vmem>>
        %dma_start3A_126 = arith.constant 0 : i32
        %dma_start3A_127 = arith.constant 0 : i32
        %dma_start3A_128 = tpu.memref_slice %arg9[%dma_start3A_126, %dma_start3A_127] : memref<10240x64xf32, #tpu.memory_space<vmem_shared>> -> memref<10240x64xf32, #tpu.memory_space<vmem_shared>>
        tpu.enqueue_indirect_dma source(%dma_start3A_122 : memref<128x64xf32, #tpu.memory_space<vmem>>) target(%dma_start3A_128 : memref<10240x64xf32, #tpu.memory_space<vmem_shared>>) offsets(%dma_start3A_125 : memref<128xi32, #tpu.memory_space<vmem>>) semaphore(%run_scoped3A_118 : memref<!tpu.dma_semaphore, #tpu.memory_space<semaphore_mem>>) {add = true}
        %dma_wait3A_129 = arith.constant 0 : i32
        %dma_wait3A_130 = arith.constant 0 : i32
        %dma_wait3A_131 = tpu.memref_slice %arg8[%run_scoped3A_110, %dma_wait3A_129, %dma_wait3A_130] : memref<2x128x64xf32, #tpu.memory_space<vmem>> -> memref<1x128x64xf32, #tpu.memory_space<vmem>>
        %dma_wait3A_132 = tpu.memref_squeeze %dma_wait3A_131 : memref<1x128x64xf32, #tpu.memory_space<vmem>> -> memref<128x64xf32, #tpu.memory_space<vmem>>
        %dma_wait3A_133 = arith.constant 0 : i32
        %dma_wait3A_134 = tpu.memref_slice %arg7[%add3A_98, %dma_wait3A_133] : memref<80x128xi32, #tpu.memory_space<vmem>> -> memref<1x128xi32, #tpu.memory_space<vmem>>
        %dma_wait3A_135 = tpu.memref_squeeze %dma_wait3A_134 : memref<1x128xi32, #tpu.memory_space<vmem>> -> memref<128xi32, #tpu.memory_space<vmem>>
        %dma_wait3A_136 = arith.constant 0 : i32
        %dma_wait3A_137 = arith.constant 0 : i32
        %dma_wait3A_138 = tpu.memref_slice %arg9[%dma_wait3A_136, %dma_wait3A_137] : memref<10240x64xf32, #tpu.memory_space<vmem_shared>> -> memref<10240x64xf32, #tpu.memory_space<vmem_shared>>
        tpu.wait_indirect_dma semaphore(%run_scoped3A_118 : memref<!tpu.dma_semaphore, #tpu.memory_space<semaphore_mem>>) src(%dma_wait3A_132 : memref<128x64xf32, #tpu.memory_space<vmem>>) dst(%dma_wait3A_138 : memref<10240x64xf32, #tpu.memory_space<vmem_shared>>)
        tpu.yield
      }) : () -> ()
      %add3A_111 = arith.constant 2 : i32
      %add3A_112 = arith.addi %add3A_98, %add3A_111 : i32
      %lt3A_113 = arith.constant 80 : i32
      %lt3A_114 = arith.cmpi slt, %add3A_112, %lt3A_113 : i32
      %convert_element_type3A_115 = arith.extui %lt3A_114 : i1 to i32
      %cond3A_116 = arith.constant 0 : i32
      %cond3A_117 = arith.cmpi ne, %convert_element_type3A_115, %cond3A_116 : i32
      scf.if %cond3A_117 {
        %add3A_118 = arith.constant 2 : i32
        %add3A_119 = arith.addi %add3A_98, %add3A_118 : i32
        %dma_start3A_120 = arith.constant 1 : i32
        %dma_start3A_121 = arith.constant 0 : i32
        %dma_start3A_122 = arith.constant 0 : i32
        %dma_start3A_123 = tpu.memref_slice %arg8[%dma_start3A_120, %dma_start3A_121, %dma_start3A_122] : memref<2x128x64xf32, #tpu.memory_space<vmem>> -> memref<1x128x64xf32, #tpu.memory_space<vmem>>
        %dma_start3A_124 = tpu.memref_squeeze %dma_start3A_123 : memref<1x128x64xf32, #tpu.memory_space<vmem>> -> memref<128x64xf32, #tpu.memory_space<vmem>>
        %dma_start3A_125 = arith.constant 0 : i32
        %dma_start3A_126 = tpu.memref_slice %arg6[%add3A_119, %dma_start3A_125] : memref<80x128xi32, #tpu.memory_space<vmem>> -> memref<1x128xi32, #tpu.memory_space<vmem>>
        %dma_start3A_127 = tpu.memref_squeeze %dma_start3A_126 : memref<1x128xi32, #tpu.memory_space<vmem>> -> memref<128xi32, #tpu.memory_space<vmem>>
        %dma_start3A_128 = arith.constant 0 : i32
        %dma_start3A_129 = arith.constant 0 : i32
        %dma_start3A_130 = tpu.memref_slice %arg10[%dma_start3A_128, %dma_start3A_129] : memref<10000x64xf32, #tpu.memory_space<vmem_shared>> -> memref<10000x64xf32, #tpu.memory_space<vmem_shared>>
        tpu.enqueue_indirect_dma source(%dma_start3A_130 : memref<10000x64xf32, #tpu.memory_space<vmem_shared>>) target(%dma_start3A_124 : memref<128x64xf32, #tpu.memory_space<vmem>>) offsets(%dma_start3A_127 : memref<128xi32, #tpu.memory_space<vmem>>) semaphore(%arg12 : memref<!tpu.dma_semaphore, #tpu.memory_space<semaphore_mem>>)
      } else {
      }
    }
    %scan3A_64 = arith.constant 40 : i32
    %barrier3A_65 = arith.constant 0 : index
    tpu.barrier barrier_id(%barrier3A_65)
    %mul3A_66 = arith.constant 624 : i32
    %mul3A_67 = arith.muli %arg1, %mul3A_66 : i32
    %mul3A_68 = arith.constant 624 : i32
    %mul3A_69 = arith.muli %arg1, %mul3A_68 : i32
    "tpu.region"() ({
      %run_scoped3A_75 = tpu.sem_alloc : memref<!tpu.dma_semaphore, #tpu.memory_space<semaphore_mem>>
      %dma_start3A_76 = arith.constant 0 : i32
      %dma_start3A_77 = tpu.memref_slice %arg5[%arg0, %mul3A_69, %dma_start3A_76] : memref<2x10000x64xf32, #tpu.memory_space<hbm>> -> memref<1x624x64xf32, #tpu.memory_space<hbm>>
      %dma_start3A_78 = tpu.memref_squeeze %dma_start3A_77 : memref<1x624x64xf32, #tpu.memory_space<hbm>> -> memref<624x64xf32, #tpu.memory_space<hbm>>
      %dma_start3A_79 = arith.constant 0 : i32
      %dma_start3A_80 = tpu.memref_slice %arg9[%mul3A_67, %dma_start3A_79] : memref<10240x64xf32, #tpu.memory_space<vmem_shared>> -> memref<624x64xf32, #tpu.memory_space<vmem_shared>>
      tpu.enqueue_dma source(%dma_start3A_80 : memref<624x64xf32, #tpu.memory_space<vmem_shared>>) target(%dma_start3A_78 : memref<624x64xf32, #tpu.memory_space<hbm>>) target_semaphore(%run_scoped3A_75 : memref<!tpu.dma_semaphore, #tpu.memory_space<semaphore_mem>>)
      %dma_wait3A = arith.constant 0 : i32
      %dma_wait3A_81 = tpu.memref_slice %arg5[%arg0, %mul3A_69, %dma_wait3A] : memref<2x10000x64xf32, #tpu.memory_space<hbm>> -> memref<1x624x64xf32, #tpu.memory_space<hbm>>
      %dma_wait3A_82 = tpu.memref_squeeze %dma_wait3A_81 : memref<1x624x64xf32, #tpu.memory_space<hbm>> -> memref<624x64xf32, #tpu.memory_space<hbm>>
      %dma_wait3A_83 = arith.constant 0 : i32
      %dma_wait3A_84 = tpu.memref_slice %arg9[%mul3A_67, %dma_wait3A_83] : memref<10240x64xf32, #tpu.memory_space<vmem_shared>> -> memref<624x64xf32, #tpu.memory_space<vmem_shared>>
      tpu.wait_dma2 semaphore(%run_scoped3A_75 : memref<!tpu.dma_semaphore, #tpu.memory_space<semaphore_mem>>) src(%dma_wait3A_84 : memref<624x64xf32, #tpu.memory_space<vmem_shared>>) dst(%dma_wait3A_82 : memref<624x64xf32, #tpu.memory_space<hbm>>)
      tpu.yield
    }) : () -> ()
    %eq3A_70 = arith.constant 15 : i32
    %eq3A_71 = arith.cmpi eq, %arg1, %eq3A_70 : i32
    %convert_element_type3A_72 = arith.extui %eq3A_71 : i1 to i32
    %cond3A_73 = arith.constant 0 : i32
    %cond3A_74 = arith.cmpi ne, %convert_element_type3A_72, %cond3A_73 : i32
    scf.if %cond3A_74 {
      "tpu.region"() ({
        %run_scoped3A_75 = tpu.sem_alloc : memref<!tpu.dma_semaphore, #tpu.memory_space<semaphore_mem>>
        %dma_start3A_76 = arith.constant 9984 : i32
        %dma_start3A_77 = arith.constant 0 : i32
        %dma_start3A_78 = tpu.memref_slice %arg5[%arg0, %dma_start3A_76, %dma_start3A_77] : memref<2x10000x64xf32, #tpu.memory_space<hbm>> -> memref<1x16x64xf32, #tpu.memory_space<hbm>>
        %dma_start3A_79 = tpu.memref_squeeze %dma_start3A_78 : memref<1x16x64xf32, #tpu.memory_space<hbm>> -> memref<16x64xf32, #tpu.memory_space<hbm>>
        %dma_start3A_80 = arith.constant 9984 : i32
        %dma_start3A_81 = arith.constant 0 : i32
        %dma_start3A_82 = tpu.memref_slice %arg9[%dma_start3A_80, %dma_start3A_81] : memref<10240x64xf32, #tpu.memory_space<vmem_shared>> -> memref<16x64xf32, #tpu.memory_space<vmem_shared>>
        tpu.enqueue_dma source(%dma_start3A_82 : memref<16x64xf32, #tpu.memory_space<vmem_shared>>) target(%dma_start3A_79 : memref<16x64xf32, #tpu.memory_space<hbm>>) target_semaphore(%run_scoped3A_75 : memref<!tpu.dma_semaphore, #tpu.memory_space<semaphore_mem>>)
        %dma_wait3A = arith.constant 9984 : i32
        %dma_wait3A_83 = arith.constant 0 : i32
        %dma_wait3A_84 = tpu.memref_slice %arg5[%arg0, %dma_wait3A, %dma_wait3A_83] : memref<2x10000x64xf32, #tpu.memory_space<hbm>> -> memref<1x16x64xf32, #tpu.memory_space<hbm>>
        %dma_wait3A_85 = tpu.memref_squeeze %dma_wait3A_84 : memref<1x16x64xf32, #tpu.memory_space<hbm>> -> memref<16x64xf32, #tpu.memory_space<hbm>>
        %dma_wait3A_86 = arith.constant 9984 : i32
        %dma_wait3A_87 = arith.constant 0 : i32
        %dma_wait3A_88 = tpu.memref_slice %arg9[%dma_wait3A_86, %dma_wait3A_87] : memref<10240x64xf32, #tpu.memory_space<vmem_shared>> -> memref<16x64xf32, #tpu.memory_space<vmem_shared>>
        tpu.wait_dma2 semaphore(%run_scoped3A_75 : memref<!tpu.dma_semaphore, #tpu.memory_space<semaphore_mem>>) src(%dma_wait3A_88 : memref<16x64xf32, #tpu.memory_space<vmem_shared>>) dst(%dma_wait3A_85 : memref<16x64xf32, #tpu.memory_space<hbm>>)
        tpu.yield
      }) : () -> ()
    } else {
    }
    return
  }
}

#map = affine_map<(d0, d1) -> (0, 0, 0)>
module attributes {stable_mosaic.version = 14 : i64} {
  func.func @body(%arg0: i32, %arg1: i32, %arg2: memref<2x10000x64xf32, #tpu.memory_space<hbm>>, %arg3: memref<16x160x128xi32, #tpu.memory_space<hbm>>, %arg4: memref<16x160x128xi32, #tpu.memory_space<hbm>>, %arg5: memref<2x10000x64xf32, #tpu.memory_space<hbm>>, %arg6: memref<80x128xi32, #tpu.memory_space<vmem>>, %arg7: memref<80x128xi32, #tpu.memory_space<vmem>>, %arg8: memref<2x128x64xf32, #tpu.memory_space<vmem>>, %arg9: memref<10240x64xf32, #tpu.memory_space<vmem_shared>>, %arg10: memref<10000x64xf32, #tpu.memory_space<vmem_shared>>, %arg11: memref<!tpu.dma_semaphore, #tpu.memory_space<semaphore_mem>>, %arg12: memref<!tpu.dma_semaphore, #tpu.memory_space<semaphore_mem>>) attributes {dimension_semantics = [#tpu.dimension_semantics<core_parallel>, #tpu.dimension_semantics<subcore_parallel>], iteration_bounds = array<i64: 2, 16>, scalar_prefetch = 0 : i64, scratch_operands = 7 : i64, tpu.core_type = #tpu.core_type<sc_vector_subcore>, window_params = [{transform_indices = #map}, {transform_indices = #map}, {transform_indices = #map}, {transform_indices = #map}]} {
    %mul3A = arith.constant 624 : i32
    %mul3A_0 = arith.muli %arg1, %mul3A : i32
    %mul3A_1 = arith.constant 624 : i32
    %mul3A_2 = arith.muli %arg1, %mul3A_1 : i32
    "tpu.region"() ({
      %run_scoped3A_102 = tpu.sem_alloc : memref<!tpu.dma_semaphore, #tpu.memory_space<semaphore_mem>>
      %dma_start3A_103 = arith.constant 0 : i32
      %dma_start3A_104 = tpu.memref_slice %arg10[%mul3A_2, %dma_start3A_103] : memref<10000x64xf32, #tpu.memory_space<vmem_shared>> -> memref<624x64xf32, #tpu.memory_space<vmem_shared>>
      %dma_start3A_105 = arith.constant 0 : i32
      %dma_start3A_106 = arith.constant 0 : i32
      %dma_start3A_107 = tpu.memref_slice %arg2[%arg0, %dma_start3A_105, %dma_start3A_106] : memref<2x10000x64xf32, #tpu.memory_space<hbm>> -> memref<1x10000x64xf32, #tpu.memory_space<hbm>>
      %dma_start3A_108 = tpu.memref_squeeze %dma_start3A_107 : memref<1x10000x64xf32, #tpu.memory_space<hbm>> -> memref<10000x64xf32, #tpu.memory_space<hbm>>
      %dma_start3A_109 = arith.constant 0 : i32
      %dma_start3A_110 = tpu.memref_slice %dma_start3A_108[%mul3A_0, %dma_start3A_109] : memref<10000x64xf32, #tpu.memory_space<hbm>> -> memref<624x64xf32, #tpu.memory_space<hbm>>
      tpu.enqueue_dma source(%dma_start3A_110 : memref<624x64xf32, #tpu.memory_space<hbm>>) target(%dma_start3A_104 : memref<624x64xf32, #tpu.memory_space<vmem_shared>>) target_semaphore(%run_scoped3A_102 : memref<!tpu.dma_semaphore, #tpu.memory_space<semaphore_mem>>)
      %dma_wait3A = arith.constant 0 : i32
      %dma_wait3A_111 = tpu.memref_slice %arg10[%mul3A_2, %dma_wait3A] : memref<10000x64xf32, #tpu.memory_space<vmem_shared>> -> memref<624x64xf32, #tpu.memory_space<vmem_shared>>
      %dma_wait3A_112 = arith.constant 0 : i32
      %dma_wait3A_113 = arith.constant 0 : i32
      %dma_wait3A_114 = tpu.memref_slice %arg2[%arg0, %dma_wait3A_112, %dma_wait3A_113] : memref<2x10000x64xf32, #tpu.memory_space<hbm>> -> memref<1x10000x64xf32, #tpu.memory_space<hbm>>
      %dma_wait3A_115 = tpu.memref_squeeze %dma_wait3A_114 : memref<1x10000x64xf32, #tpu.memory_space<hbm>> -> memref<10000x64xf32, #tpu.memory_space<hbm>>
      %dma_wait3A_116 = arith.constant 0 : i32
      %dma_wait3A_117 = tpu.memref_slice %dma_wait3A_115[%mul3A_0, %dma_wait3A_116] : memref<10000x64xf32, #tpu.memory_space<hbm>> -> memref<624x64xf32, #tpu.memory_space<hbm>>
      tpu.wait_dma2 semaphore(%run_scoped3A_102 : memref<!tpu.dma_semaphore, #tpu.memory_space<semaphore_mem>>) src(%dma_wait3A_117 : memref<624x64xf32, #tpu.memory_space<hbm>>) dst(%dma_wait3A_111 : memref<624x64xf32, #tpu.memory_space<vmem_shared>>)
      tpu.yield
    }) : () -> ()
    %eq3A = arith.constant 15 : i32
    %eq3A_3 = arith.cmpi eq, %arg1, %eq3A : i32
    %convert_element_type3A = arith.extui %eq3A_3 : i1 to i32
    %cond3A = arith.constant 0 : i32
    %cond3A_4 = arith.cmpi ne, %convert_element_type3A, %cond3A : i32
    scf.if %cond3A_4 {
      "tpu.region"() ({
        %run_scoped3A_102 = tpu.sem_alloc : memref<!tpu.dma_semaphore, #tpu.memory_space<semaphore_mem>>
        %dma_start3A_103 = arith.constant 9984 : i32
        %dma_start3A_104 = arith.constant 0 : i32
        %dma_start3A_105 = tpu.memref_slice %arg10[%dma_start3A_103, %dma_start3A_104] : memref<10000x64xf32, #tpu.memory_space<vmem_shared>> -> memref<16x64xf32, #tpu.memory_space<vmem_shared>>
        %dma_start3A_106 = arith.constant 0 : i32
        %dma_start3A_107 = arith.constant 0 : i32
        %dma_start3A_108 = tpu.memref_slice %arg2[%arg0, %dma_start3A_106, %dma_start3A_107] : memref<2x10000x64xf32, #tpu.memory_space<hbm>> -> memref<1x10000x64xf32, #tpu.memory_space<hbm>>
        %dma_start3A_109 = tpu.memref_squeeze %dma_start3A_108 : memref<1x10000x64xf32, #tpu.memory_space<hbm>> -> memref<10000x64xf32, #tpu.memory_space<hbm>>
        %dma_start3A_110 = arith.constant 9984 : i32
        %dma_start3A_111 = arith.constant 0 : i32
        %dma_start3A_112 = tpu.memref_slice %dma_start3A_109[%dma_start3A_110, %dma_start3A_111] : memref<10000x64xf32, #tpu.memory_space<hbm>> -> memref<16x64xf32, #tpu.memory_space<hbm>>
        tpu.enqueue_dma source(%dma_start3A_112 : memref<16x64xf32, #tpu.memory_space<hbm>>) target(%dma_start3A_105 : memref<16x64xf32, #tpu.memory_space<vmem_shared>>) target_semaphore(%run_scoped3A_102 : memref<!tpu.dma_semaphore, #tpu.memory_space<semaphore_mem>>)
        %dma_wait3A = arith.constant 9984 : i32
        %dma_wait3A_113 = arith.constant 0 : i32
        %dma_wait3A_114 = tpu.memref_slice %arg10[%dma_wait3A, %dma_wait3A_113] : memref<10000x64xf32, #tpu.memory_space<vmem_shared>> -> memref<16x64xf32, #tpu.memory_space<vmem_shared>>
        %dma_wait3A_115 = arith.constant 0 : i32
        %dma_wait3A_116 = arith.constant 0 : i32
        %dma_wait3A_117 = tpu.memref_slice %arg2[%arg0, %dma_wait3A_115, %dma_wait3A_116] : memref<2x10000x64xf32, #tpu.memory_space<hbm>> -> memref<1x10000x64xf32, #tpu.memory_space<hbm>>
        %dma_wait3A_118 = tpu.memref_squeeze %dma_wait3A_117 : memref<1x10000x64xf32, #tpu.memory_space<hbm>> -> memref<10000x64xf32, #tpu.memory_space<hbm>>
        %dma_wait3A_119 = arith.constant 9984 : i32
        %dma_wait3A_120 = arith.constant 0 : i32
        %dma_wait3A_121 = tpu.memref_slice %dma_wait3A_118[%dma_wait3A_119, %dma_wait3A_120] : memref<10000x64xf32, #tpu.memory_space<hbm>> -> memref<16x64xf32, #tpu.memory_space<hbm>>
        tpu.wait_dma2 semaphore(%run_scoped3A_102 : memref<!tpu.dma_semaphore, #tpu.memory_space<semaphore_mem>>) src(%dma_wait3A_121 : memref<16x64xf32, #tpu.memory_space<hbm>>) dst(%dma_wait3A_114 : memref<16x64xf32, #tpu.memory_space<vmem_shared>>)
        tpu.yield
      }) : () -> ()
    } else {
    }
    %scan3A = arith.constant 0 : i32
    %scan3A_5 = arith.constant 0 : i32
    %scan3A_6 = arith.constant 512 : i32
    %scan3A_7 = arith.addi %scan3A_5, %scan3A_6 : i32
    %scan3A_8 = arith.constant 1 : i32
    scf.for %scan3A_102 = %scan3A_5 to %scan3A_7 step %scan3A_8  : i32 {
      %jit3A = arith.constant 4 : i32
      %div3A = arith.divsi %scan3A_102, %jit3A : i32
      %sign3A = arith.constant 0 : i32
      %sign3A_103 = arith.cmpi sgt, %scan3A_102, %sign3A : i32
      %sign3A_104 = arith.extui %sign3A_103 : i1 to i32
      %sign3A_105 = arith.constant 0 : i32
      %sign3A_106 = arith.cmpi slt, %scan3A_102, %sign3A_105 : i32
      %sign3A_107 = arith.extui %sign3A_106 : i1 to i32
      %sign3A_108 = arith.subi %sign3A_104, %sign3A_107 : i32
      %sign3A_109 = arith.constant 0 : i32
      %sign3A_110 = arith.cmpi sgt, %jit3A, %sign3A_109 : i32
      %sign3A_111 = arith.extui %sign3A_110 : i1 to i32
      %sign3A_112 = arith.constant 0 : i32
      %sign3A_113 = arith.cmpi slt, %jit3A, %sign3A_112 : i32
      %sign3A_114 = arith.extui %sign3A_113 : i1 to i32
      %sign3A_115 = arith.subi %sign3A_111, %sign3A_114 : i32
      %ne3A = arith.cmpi ne, %sign3A_108, %sign3A_115 : i32
      %rem3A = arith.remsi %scan3A_102, %jit3A : i32
      %ne3A_116 = arith.constant 0 : i32
      %ne3A_117 = arith.cmpi ne, %rem3A, %ne3A_116 : i32
      %and3A = arith.andi %ne3A, %ne3A_117 : i1
      %sub3A = arith.constant 1 : i32
      %sub3A_118 = arith.subi %div3A, %sub3A : i32
      %select_n3A = arith.select %and3A, %sub3A_118, %div3A : i32
      %jit3A_119 = arith.constant 4 : i32
      %eq3A_120 = arith.constant 0 : i32
      %eq3A_121 = arith.cmpi eq, %jit3A_119, %eq3A_120 : i32
      %jit3A_122 = arith.constant 1 : i32
      %select_n3A_123 = arith.select %eq3A_121, %jit3A_122, %jit3A_119 : i32
      %rem3A_124 = arith.remsi %scan3A_102, %select_n3A_123 : i32
      %ne3A_125 = arith.constant 0 : i32
      %ne3A_126 = arith.cmpi ne, %rem3A_124, %ne3A_125 : i32
      %lt3A = arith.constant 0 : i32
      %lt3A_127 = arith.cmpi slt, %rem3A_124, %lt3A : i32
      %lt3A_128 = arith.constant 0 : i32
      %lt3A_129 = arith.cmpi slt, %select_n3A_123, %lt3A_128 : i32
      %ne3A_130 = arith.xori %lt3A_127, %lt3A_129 : i1
      %and3A_131 = arith.andi %ne3A_130, %ne3A_126 : i1
      %add3A_132 = arith.addi %rem3A_124, %select_n3A_123 : i32
      %select_n3A_133 = arith.select %and3A_131, %add3A_132, %rem3A_124 : i32
      %mul3A_134 = arith.constant 16 : i32
      %mul3A_135 = arith.muli %select_n3A_133, %mul3A_134 : i32
      %broadcast_in_dim3A = arith.constant 0.000000e+00 : f32
      %broadcast_in_dim3A_136 = vector.broadcast %broadcast_in_dim3A : f32 to vector<16xf32>
      %swap3A = arith.constant 0 : i32
      %swap3A_137 = arith.index_cast %swap3A : i32 to index
      %swap3A_138 = arith.index_cast %select_n3A : i32 to index
      %swap3A_139 = arith.index_cast %mul3A_135 : i32 to index
      %swap3A_140 = tpu.vector_load %arg8[%swap3A_137, %swap3A_138, %swap3A_139] {strides = array<i32>} : memref<2x128x64xf32, #tpu.memory_space<vmem>>, vector<1x1x16xf32>,
      %swap3A_141 = vector.shape_cast %swap3A_140 : vector<1x1x16xf32> to vector<16xf32>
      %swap3A_142 = vector.shape_cast %broadcast_in_dim3A_136 : vector<16xf32> to vector<1x1x16xf32>
      tpu.vector_store %arg8[%swap3A_137, %swap3A_138, %swap3A_139], %swap3A_142 {strides = array<i32>} : memref<2x128x64xf32, #tpu.memory_space<vmem>>, vector<1x1x16xf32>,
    }
    %scan3A_9 = arith.constant 512 : i32
    %mul3A_10 = arith.constant 640 : i32
    %mul3A_11 = arith.muli %arg1, %mul3A_10 : i32
    %add3A = arith.constant 0 : i32
    %add3A_12 = arith.addi %mul3A_11, %add3A : i32
    %run_scoped3A = arith.constant 0 : i32
    "tpu.region"() ({
      %run_scoped3A_102 = tpu.sem_alloc : memref<!tpu.dma_semaphore, #tpu.memory_space<semaphore_mem>>
      %dma_start3A_103 = arith.constant 0 : i32
      %dma_start3A_104 = arith.constant 0 : i32
      %dma_start3A_105 = tpu.memref_slice %arg8[%run_scoped3A, %dma_start3A_103, %dma_start3A_104] : memref<2x128x64xf32, #tpu.memory_space<vmem>> -> memref<1x128x64xf32, #tpu.memory_space<vmem>>
      %dma_start3A_106 = tpu.memref_squeeze %dma_start3A_105 : memref<1x128x64xf32, #tpu.memory_space<vmem>> -> memref<128x64xf32, #tpu.memory_space<vmem>>
      %dma_start3A_107 = arith.constant 0 : i32
      %dma_start3A_108 = tpu.memref_slice %arg9[%add3A_12, %dma_start3A_107] : memref<10240x64xf32, #tpu.memory_space<vmem_shared>> -> memref<128x64xf32, #tpu.memory_space<vmem_shared>>
      %dma_start3A_109 = arith.constant 0 : i32
      %dma_start3A_110 = tpu.memref_slice %arg9[%add3A_12, %dma_start3A_109] : memref<10240x64xf32, #tpu.memory_space<vmem_shared>> -> memref<128x64xf32, #tpu.memory_space<vmem_shared>>
      %dma_start3A_111 = arith.constant 0 : i32
      %dma_start3A_112 = arith.constant 0 : i32
      %dma_start3A_113 = tpu.memref_slice %arg8[%run_scoped3A, %dma_start3A_111, %dma_start3A_112] : memref<2x128x64xf32, #tpu.memory_space<vmem>> -> memref<1x128x64xf32, #tpu.memory_space<vmem>>
      %dma_start3A_114 = tpu.memref_squeeze %dma_start3A_113 : memref<1x128x64xf32, #tpu.memory_space<vmem>> -> memref<128x64xf32, #tpu.memory_space<vmem>>
      tpu.enqueue_dma source(%dma_start3A_114 : memref<128x64xf32, #tpu.memory_space<vmem>>) target(%dma_start3A_110 : memref<128x64xf32, #tpu.memory_space<vmem_shared>>) target_semaphore(%run_scoped3A_102 : memref<!tpu.dma_semaphore, #tpu.memory_space<semaphore_mem>>)
      %dma_wait3A = arith.constant 0 : i32
      %dma_wait3A_115 = arith.constant 0 : i32
      %dma_wait3A_116 = tpu.memref_slice %arg8[%run_scoped3A, %dma_wait3A, %dma_wait3A_115] : memref<2x128x64xf32, #tpu.memory_space<vmem>> -> memref<1x128x64xf32, #tpu.memory_space<vmem>>
      %dma_wait3A_117 = tpu.memref_squeeze %dma_wait3A_116 : memref<1x128x64xf32, #tpu.memory_space<vmem>> -> memref<128x64xf32, #tpu.memory_space<vmem>>
      %dma_wait3A_118 = arith.constant 0 : i32
      %dma_wait3A_119 = tpu.memref_slice %arg9[%add3A_12, %dma_wait3A_118] : memref<10240x64xf32, #tpu.memory_space<vmem_shared>> -> memref<128x64xf32, #tpu.memory_space<vmem_shared>>
      %dma_wait3A_120 = arith.constant 0 : i32
      %dma_wait3A_121 = tpu.memref_slice %arg9[%add3A_12, %dma_wait3A_120] : memref<10240x64xf32, #tpu.memory_space<vmem_shared>> -> memref<128x64xf32, #tpu.memory_space<vmem_shared>>
      %dma_wait3A_122 = arith.constant 0 : i32
      %dma_wait3A_123 = arith.constant 0 : i32
      %dma_wait3A_124 = tpu.memref_slice %arg8[%run_scoped3A, %dma_wait3A_122, %dma_wait3A_123] : memref<2x128x64xf32, #tpu.memory_space<vmem>> -> memref<1x128x64xf32, #tpu.memory_space<vmem>>
      %dma_wait3A_125 = tpu.memref_squeeze %dma_wait3A_124 : memref<1x128x64xf32, #tpu.memory_space<vmem>> -> memref<128x64xf32, #tpu.memory_space<vmem>>
      tpu.wait_dma2 semaphore(%run_scoped3A_102 : memref<!tpu.dma_semaphore, #tpu.memory_space<semaphore_mem>>) src(%dma_wait3A_125 : memref<128x64xf32, #tpu.memory_space<vmem>>) dst(%dma_wait3A_121 : memref<128x64xf32, #tpu.memory_space<vmem_shared>>)
      tpu.yield
    }) : () -> ()
    %mul3A_13 = arith.constant 640 : i32
    %mul3A_14 = arith.muli %arg1, %mul3A_13 : i32
    %add3A_15 = arith.constant 128 : i32
    %add3A_16 = arith.addi %mul3A_14, %add3A_15 : i32
    %run_scoped3A_17 = arith.constant 0 : i32
    "tpu.region"() ({
      %run_scoped3A_102 = tpu.sem_alloc : memref<!tpu.dma_semaphore, #tpu.memory_space<semaphore_mem>>
      %dma_start3A_103 = arith.constant 0 : i32
      %dma_start3A_104 = arith.constant 0 : i32
      %dma_start3A_105 = tpu.memref_slice %arg8[%run_scoped3A_17, %dma_start3A_103, %dma_start3A_104] : memref<2x128x64xf32, #tpu.memory_space<vmem>> -> memref<1x128x64xf32, #tpu.memory_space<vmem>>
      %dma_start3A_106 = tpu.memref_squeeze %dma_start3A_105 : memref<1x128x64xf32, #tpu.memory_space<vmem>> -> memref<128x64xf32, #tpu.memory_space<vmem>>
      %dma_start3A_107 = arith.constant 0 : i32
      %dma_start3A_108 = tpu.memref_slice %arg9[%add3A_16, %dma_start3A_107] : memref<10240x64xf32, #tpu.memory_space<vmem_shared>> -> memref<128x64xf32, #tpu.memory_space<vmem_shared>>
      %dma_start3A_109 = arith.constant 0 : i32
      %dma_start3A_110 = tpu.memref_slice %arg9[%add3A_16, %dma_start3A_109] : memref<10240x64xf32, #tpu.memory_space<vmem_shared>> -> memref<128x64xf32, #tpu.memory_space<vmem_shared>>
      %dma_start3A_111 = arith.constant 0 : i32
      %dma_start3A_112 = arith.constant 0 : i32
      %dma_start3A_113 = tpu.memref_slice %arg8[%run_scoped3A_17, %dma_start3A_111, %dma_start3A_112] : memref<2x128x64xf32, #tpu.memory_space<vmem>> -> memref<1x128x64xf32, #tpu.memory_space<vmem>>
      %dma_start3A_114 = tpu.memref_squeeze %dma_start3A_113 : memref<1x128x64xf32, #tpu.memory_space<vmem>> -> memref<128x64xf32, #tpu.memory_space<vmem>>
      tpu.enqueue_dma source(%dma_start3A_114 : memref<128x64xf32, #tpu.memory_space<vmem>>) target(%dma_start3A_110 : memref<128x64xf32, #tpu.memory_space<vmem_shared>>) target_semaphore(%run_scoped3A_102 : memref<!tpu.dma_semaphore, #tpu.memory_space<semaphore_mem>>)
      %dma_wait3A = arith.constant 0 : i32
      %dma_wait3A_115 = arith.constant 0 : i32
      %dma_wait3A_116 = tpu.memref_slice %arg8[%run_scoped3A_17, %dma_wait3A, %dma_wait3A_115] : memref<2x128x64xf32, #tpu.memory_space<vmem>> -> memref<1x128x64xf32, #tpu.memory_space<vmem>>
      %dma_wait3A_117 = tpu.memref_squeeze %dma_wait3A_116 : memref<1x128x64xf32, #tpu.memory_space<vmem>> -> memref<128x64xf32, #tpu.memory_space<vmem>>
      %dma_wait3A_118 = arith.constant 0 : i32
      %dma_wait3A_119 = tpu.memref_slice %arg9[%add3A_16, %dma_wait3A_118] : memref<10240x64xf32, #tpu.memory_space<vmem_shared>> -> memref<128x64xf32, #tpu.memory_space<vmem_shared>>
      %dma_wait3A_120 = arith.constant 0 : i32
      %dma_wait3A_121 = tpu.memref_slice %arg9[%add3A_16, %dma_wait3A_120] : memref<10240x64xf32, #tpu.memory_space<vmem_shared>> -> memref<128x64xf32, #tpu.memory_space<vmem_shared>>
      %dma_wait3A_122 = arith.constant 0 : i32
      %dma_wait3A_123 = arith.constant 0 : i32
      %dma_wait3A_124 = tpu.memref_slice %arg8[%run_scoped3A_17, %dma_wait3A_122, %dma_wait3A_123] : memref<2x128x64xf32, #tpu.memory_space<vmem>> -> memref<1x128x64xf32, #tpu.memory_space<vmem>>
      %dma_wait3A_125 = tpu.memref_squeeze %dma_wait3A_124 : memref<1x128x64xf32, #tpu.memory_space<vmem>> -> memref<128x64xf32, #tpu.memory_space<vmem>>
      tpu.wait_dma2 semaphore(%run_scoped3A_102 : memref<!tpu.dma_semaphore, #tpu.memory_space<semaphore_mem>>) src(%dma_wait3A_125 : memref<128x64xf32, #tpu.memory_space<vmem>>) dst(%dma_wait3A_121 : memref<128x64xf32, #tpu.memory_space<vmem_shared>>)
      tpu.yield
    }) : () -> ()
    %mul3A_18 = arith.constant 640 : i32
    %mul3A_19 = arith.muli %arg1, %mul3A_18 : i32
    %add3A_20 = arith.constant 256 : i32
    %add3A_21 = arith.addi %mul3A_19, %add3A_20 : i32
    %run_scoped3A_22 = arith.constant 0 : i32
    "tpu.region"() ({
      %run_scoped3A_102 = tpu.sem_alloc : memref<!tpu.dma_semaphore, #tpu.memory_space<semaphore_mem>>
      %dma_start3A_103 = arith.constant 0 : i32
      %dma_start3A_104 = arith.constant 0 : i32
      %dma_start3A_105 = tpu.memref_slice %arg8[%run_scoped3A_22, %dma_start3A_103, %dma_start3A_104] : memref<2x128x64xf32, #tpu.memory_space<vmem>> -> memref<1x128x64xf32, #tpu.memory_space<vmem>>
      %dma_start3A_106 = tpu.memref_squeeze %dma_start3A_105 : memref<1x128x64xf32, #tpu.memory_space<vmem>> -> memref<128x64xf32, #tpu.memory_space<vmem>>
      %dma_start3A_107 = arith.constant 0 : i32
      %dma_start3A_108 = tpu.memref_slice %arg9[%add3A_21, %dma_start3A_107] : memref<10240x64xf32, #tpu.memory_space<vmem_shared>> -> memref<128x64xf32, #tpu.memory_space<vmem_shared>>
      %dma_start3A_109 = arith.constant 0 : i32
      %dma_start3A_110 = tpu.memref_slice %arg9[%add3A_21, %dma_start3A_109] : memref<10240x64xf32, #tpu.memory_space<vmem_shared>> -> memref<128x64xf32, #tpu.memory_space<vmem_shared>>
      %dma_start3A_111 = arith.constant 0 : i32
      %dma_start3A_112 = arith.constant 0 : i32
      %dma_start3A_113 = tpu.memref_slice %arg8[%run_scoped3A_22, %dma_start3A_111, %dma_start3A_112] : memref<2x128x64xf32, #tpu.memory_space<vmem>> -> memref<1x128x64xf32, #tpu.memory_space<vmem>>
      %dma_start3A_114 = tpu.memref_squeeze %dma_start3A_113 : memref<1x128x64xf32, #tpu.memory_space<vmem>> -> memref<128x64xf32, #tpu.memory_space<vmem>>
      tpu.enqueue_dma source(%dma_start3A_114 : memref<128x64xf32, #tpu.memory_space<vmem>>) target(%dma_start3A_110 : memref<128x64xf32, #tpu.memory_space<vmem_shared>>) target_semaphore(%run_scoped3A_102 : memref<!tpu.dma_semaphore, #tpu.memory_space<semaphore_mem>>)
      %dma_wait3A = arith.constant 0 : i32
      %dma_wait3A_115 = arith.constant 0 : i32
      %dma_wait3A_116 = tpu.memref_slice %arg8[%run_scoped3A_22, %dma_wait3A, %dma_wait3A_115] : memref<2x128x64xf32, #tpu.memory_space<vmem>> -> memref<1x128x64xf32, #tpu.memory_space<vmem>>
      %dma_wait3A_117 = tpu.memref_squeeze %dma_wait3A_116 : memref<1x128x64xf32, #tpu.memory_space<vmem>> -> memref<128x64xf32, #tpu.memory_space<vmem>>
      %dma_wait3A_118 = arith.constant 0 : i32
      %dma_wait3A_119 = tpu.memref_slice %arg9[%add3A_21, %dma_wait3A_118] : memref<10240x64xf32, #tpu.memory_space<vmem_shared>> -> memref<128x64xf32, #tpu.memory_space<vmem_shared>>
      %dma_wait3A_120 = arith.constant 0 : i32
      %dma_wait3A_121 = tpu.memref_slice %arg9[%add3A_21, %dma_wait3A_120] : memref<10240x64xf32, #tpu.memory_space<vmem_shared>> -> memref<128x64xf32, #tpu.memory_space<vmem_shared>>
      %dma_wait3A_122 = arith.constant 0 : i32
      %dma_wait3A_123 = arith.constant 0 : i32
      %dma_wait3A_124 = tpu.memref_slice %arg8[%run_scoped3A_22, %dma_wait3A_122, %dma_wait3A_123] : memref<2x128x64xf32, #tpu.memory_space<vmem>> -> memref<1x128x64xf32, #tpu.memory_space<vmem>>
      %dma_wait3A_125 = tpu.memref_squeeze %dma_wait3A_124 : memref<1x128x64xf32, #tpu.memory_space<vmem>> -> memref<128x64xf32, #tpu.memory_space<vmem>>
      tpu.wait_dma2 semaphore(%run_scoped3A_102 : memref<!tpu.dma_semaphore, #tpu.memory_space<semaphore_mem>>) src(%dma_wait3A_125 : memref<128x64xf32, #tpu.memory_space<vmem>>) dst(%dma_wait3A_121 : memref<128x64xf32, #tpu.memory_space<vmem_shared>>)
      tpu.yield
    }) : () -> ()
    %mul3A_23 = arith.constant 640 : i32
    %mul3A_24 = arith.muli %arg1, %mul3A_23 : i32
    %add3A_25 = arith.constant 384 : i32
    %add3A_26 = arith.addi %mul3A_24, %add3A_25 : i32
    %run_scoped3A_27 = arith.constant 0 : i32
    "tpu.region"() ({
      %run_scoped3A_102 = tpu.sem_alloc : memref<!tpu.dma_semaphore, #tpu.memory_space<semaphore_mem>>
      %dma_start3A_103 = arith.constant 0 : i32
      %dma_start3A_104 = arith.constant 0 : i32
      %dma_start3A_105 = tpu.memref_slice %arg8[%run_scoped3A_27, %dma_start3A_103, %dma_start3A_104] : memref<2x128x64xf32, #tpu.memory_space<vmem>> -> memref<1x128x64xf32, #tpu.memory_space<vmem>>
      %dma_start3A_106 = tpu.memref_squeeze %dma_start3A_105 : memref<1x128x64xf32, #tpu.memory_space<vmem>> -> memref<128x64xf32, #tpu.memory_space<vmem>>
      %dma_start3A_107 = arith.constant 0 : i32
      %dma_start3A_108 = tpu.memref_slice %arg9[%add3A_26, %dma_start3A_107] : memref<10240x64xf32, #tpu.memory_space<vmem_shared>> -> memref<128x64xf32, #tpu.memory_space<vmem_shared>>
      %dma_start3A_109 = arith.constant 0 : i32
      %dma_start3A_110 = tpu.memref_slice %arg9[%add3A_26, %dma_start3A_109] : memref<10240x64xf32, #tpu.memory_space<vmem_shared>> -> memref<128x64xf32, #tpu.memory_space<vmem_shared>>
      %dma_start3A_111 = arith.constant 0 : i32
      %dma_start3A_112 = arith.constant 0 : i32
      %dma_start3A_113 = tpu.memref_slice %arg8[%run_scoped3A_27, %dma_start3A_111, %dma_start3A_112] : memref<2x128x64xf32, #tpu.memory_space<vmem>> -> memref<1x128x64xf32, #tpu.memory_space<vmem>>
      %dma_start3A_114 = tpu.memref_squeeze %dma_start3A_113 : memref<1x128x64xf32, #tpu.memory_space<vmem>> -> memref<128x64xf32, #tpu.memory_space<vmem>>
      tpu.enqueue_dma source(%dma_start3A_114 : memref<128x64xf32, #tpu.memory_space<vmem>>) target(%dma_start3A_110 : memref<128x64xf32, #tpu.memory_space<vmem_shared>>) target_semaphore(%run_scoped3A_102 : memref<!tpu.dma_semaphore, #tpu.memory_space<semaphore_mem>>)
      %dma_wait3A = arith.constant 0 : i32
      %dma_wait3A_115 = arith.constant 0 : i32
      %dma_wait3A_116 = tpu.memref_slice %arg8[%run_scoped3A_27, %dma_wait3A, %dma_wait3A_115] : memref<2x128x64xf32, #tpu.memory_space<vmem>> -> memref<1x128x64xf32, #tpu.memory_space<vmem>>
      %dma_wait3A_117 = tpu.memref_squeeze %dma_wait3A_116 : memref<1x128x64xf32, #tpu.memory_space<vmem>> -> memref<128x64xf32, #tpu.memory_space<vmem>>
      %dma_wait3A_118 = arith.constant 0 : i32
      %dma_wait3A_119 = tpu.memref_slice %arg9[%add3A_26, %dma_wait3A_118] : memref<10240x64xf32, #tpu.memory_space<vmem_shared>> -> memref<128x64xf32, #tpu.memory_space<vmem_shared>>
      %dma_wait3A_120 = arith.constant 0 : i32
      %dma_wait3A_121 = tpu.memref_slice %arg9[%add3A_26, %dma_wait3A_120] : memref<10240x64xf32, #tpu.memory_space<vmem_shared>> -> memref<128x64xf32, #tpu.memory_space<vmem_shared>>
      %dma_wait3A_122 = arith.constant 0 : i32
      %dma_wait3A_123 = arith.constant 0 : i32
      %dma_wait3A_124 = tpu.memref_slice %arg8[%run_scoped3A_27, %dma_wait3A_122, %dma_wait3A_123] : memref<2x128x64xf32, #tpu.memory_space<vmem>> -> memref<1x128x64xf32, #tpu.memory_space<vmem>>
      %dma_wait3A_125 = tpu.memref_squeeze %dma_wait3A_124 : memref<1x128x64xf32, #tpu.memory_space<vmem>> -> memref<128x64xf32, #tpu.memory_space<vmem>>
      tpu.wait_dma2 semaphore(%run_scoped3A_102 : memref<!tpu.dma_semaphore, #tpu.memory_space<semaphore_mem>>) src(%dma_wait3A_125 : memref<128x64xf32, #tpu.memory_space<vmem>>) dst(%dma_wait3A_121 : memref<128x64xf32, #tpu.memory_space<vmem_shared>>)
      tpu.yield
    }) : () -> ()
    %mul3A_28 = arith.constant 640 : i32
    %mul3A_29 = arith.muli %arg1, %mul3A_28 : i32
    %add3A_30 = arith.constant 512 : i32
    %add3A_31 = arith.addi %mul3A_29, %add3A_30 : i32
    %run_scoped3A_32 = arith.constant 0 : i32
    "tpu.region"() ({
      %run_scoped3A_102 = tpu.sem_alloc : memref<!tpu.dma_semaphore, #tpu.memory_space<semaphore_mem>>
      %dma_start3A_103 = arith.constant 0 : i32
      %dma_start3A_104 = arith.constant 0 : i32
      %dma_start3A_105 = tpu.memref_slice %arg8[%run_scoped3A_32, %dma_start3A_103, %dma_start3A_104] : memref<2x128x64xf32, #tpu.memory_space<vmem>> -> memref<1x128x64xf32, #tpu.memory_space<vmem>>
      %dma_start3A_106 = tpu.memref_squeeze %dma_start3A_105 : memref<1x128x64xf32, #tpu.memory_space<vmem>> -> memref<128x64xf32, #tpu.memory_space<vmem>>
      %dma_start3A_107 = arith.constant 0 : i32
      %dma_start3A_108 = tpu.memref_slice %arg9[%add3A_31, %dma_start3A_107] : memref<10240x64xf32, #tpu.memory_space<vmem_shared>> -> memref<128x64xf32, #tpu.memory_space<vmem_shared>>
      %dma_start3A_109 = arith.constant 0 : i32
      %dma_start3A_110 = tpu.memref_slice %arg9[%add3A_31, %dma_start3A_109] : memref<10240x64xf32, #tpu.memory_space<vmem_shared>> -> memref<128x64xf32, #tpu.memory_space<vmem_shared>>
      %dma_start3A_111 = arith.constant 0 : i32
      %dma_start3A_112 = arith.constant 0 : i32
      %dma_start3A_113 = tpu.memref_slice %arg8[%run_scoped3A_32, %dma_start3A_111, %dma_start3A_112] : memref<2x128x64xf32, #tpu.memory_space<vmem>> -> memref<1x128x64xf32, #tpu.memory_space<vmem>>
      %dma_start3A_114 = tpu.memref_squeeze %dma_start3A_113 : memref<1x128x64xf32, #tpu.memory_space<vmem>> -> memref<128x64xf32, #tpu.memory_space<vmem>>
      tpu.enqueue_dma source(%dma_start3A_114 : memref<128x64xf32, #tpu.memory_space<vmem>>) target(%dma_start3A_110 : memref<128x64xf32, #tpu.memory_space<vmem_shared>>) target_semaphore(%run_scoped3A_102 : memref<!tpu.dma_semaphore, #tpu.memory_space<semaphore_mem>>)
      %dma_wait3A = arith.constant 0 : i32
      %dma_wait3A_115 = arith.constant 0 : i32
      %dma_wait3A_116 = tpu.memref_slice %arg8[%run_scoped3A_32, %dma_wait3A, %dma_wait3A_115] : memref<2x128x64xf32, #tpu.memory_space<vmem>> -> memref<1x128x64xf32, #tpu.memory_space<vmem>>
      %dma_wait3A_117 = tpu.memref_squeeze %dma_wait3A_116 : memref<1x128x64xf32, #tpu.memory_space<vmem>> -> memref<128x64xf32, #tpu.memory_space<vmem>>
      %dma_wait3A_118 = arith.constant 0 : i32
      %dma_wait3A_119 = tpu.memref_slice %arg9[%add3A_31, %dma_wait3A_118] : memref<10240x64xf32, #tpu.memory_space<vmem_shared>> -> memref<128x64xf32, #tpu.memory_space<vmem_shared>>
      %dma_wait3A_120 = arith.constant 0 : i32
      %dma_wait3A_121 = tpu.memref_slice %arg9[%add3A_31, %dma_wait3A_120] : memref<10240x64xf32, #tpu.memory_space<vmem_shared>> -> memref<128x64xf32, #tpu.memory_space<vmem_shared>>
      %dma_wait3A_122 = arith.constant 0 : i32
      %dma_wait3A_123 = arith.constant 0 : i32
      %dma_wait3A_124 = tpu.memref_slice %arg8[%run_scoped3A_32, %dma_wait3A_122, %dma_wait3A_123] : memref<2x128x64xf32, #tpu.memory_space<vmem>> -> memref<1x128x64xf32, #tpu.memory_space<vmem>>
      %dma_wait3A_125 = tpu.memref_squeeze %dma_wait3A_124 : memref<1x128x64xf32, #tpu.memory_space<vmem>> -> memref<128x64xf32, #tpu.memory_space<vmem>>
      tpu.wait_dma2 semaphore(%run_scoped3A_102 : memref<!tpu.dma_semaphore, #tpu.memory_space<semaphore_mem>>) src(%dma_wait3A_125 : memref<128x64xf32, #tpu.memory_space<vmem>>) dst(%dma_wait3A_121 : memref<128x64xf32, #tpu.memory_space<vmem_shared>>)
      tpu.yield
    }) : () -> ()
    %barrier3A = arith.constant 0 : index
    tpu.barrier barrier_id(%barrier3A)
    "tpu.region"() ({
      %run_scoped3A_102 = tpu.sem_alloc : memref<!tpu.dma_semaphore, #tpu.memory_space<semaphore_mem>>
      %dma_start3A_103 = arith.constant 0 : i32
      %dma_start3A_104 = arith.constant 0 : i32
      %dma_start3A_105 = tpu.memref_slice %arg3[%arg1, %dma_start3A_103, %dma_start3A_104] : memref<16x160x128xi32, #tpu.memory_space<hbm>> -> memref<1x80x128xi32, #tpu.memory_space<hbm>>
      %dma_start3A_106 = tpu.memref_squeeze %dma_start3A_105 : memref<1x80x128xi32, #tpu.memory_space<hbm>> -> memref<80x128xi32, #tpu.memory_space<hbm>>
      %dma_start3A_107 = arith.constant 0 : i32
      %dma_start3A_108 = arith.constant 0 : i32
      %dma_start3A_109 = tpu.memref_slice %arg3[%arg1, %dma_start3A_107, %dma_start3A_108] : memref<16x160x128xi32, #tpu.memory_space<hbm>> -> memref<1x80x128xi32, #tpu.memory_space<hbm>>
      %dma_start3A_110 = tpu.memref_squeeze %dma_start3A_109 : memref<1x80x128xi32, #tpu.memory_space<hbm>> -> memref<80x128xi32, #tpu.memory_space<hbm>>
      tpu.enqueue_dma source(%dma_start3A_110 : memref<80x128xi32, #tpu.memory_space<hbm>>) target(%arg6 : memref<80x128xi32, #tpu.memory_space<vmem>>) target_semaphore(%run_scoped3A_102 : memref<!tpu.dma_semaphore, #tpu.memory_space<semaphore_mem>>)
      %dma_wait3A = arith.constant 0 : i32
      %dma_wait3A_111 = arith.constant 0 : i32
      %dma_wait3A_112 = tpu.memref_slice %arg3[%arg1, %dma_wait3A, %dma_wait3A_111] : memref<16x160x128xi32, #tpu.memory_space<hbm>> -> memref<1x80x128xi32, #tpu.memory_space<hbm>>
      %dma_wait3A_113 = tpu.memref_squeeze %dma_wait3A_112 : memref<1x80x128xi32, #tpu.memory_space<hbm>> -> memref<80x128xi32, #tpu.memory_space<hbm>>
      %dma_wait3A_114 = arith.constant 0 : i32
      %dma_wait3A_115 = arith.constant 0 : i32
      %dma_wait3A_116 = tpu.memref_slice %arg3[%arg1, %dma_wait3A_114, %dma_wait3A_115] : memref<16x160x128xi32, #tpu.memory_space<hbm>> -> memref<1x80x128xi32, #tpu.memory_space<hbm>>
      %dma_wait3A_117 = tpu.memref_squeeze %dma_wait3A_116 : memref<1x80x128xi32, #tpu.memory_space<hbm>> -> memref<80x128xi32, #tpu.memory_space<hbm>>
      tpu.wait_dma2 semaphore(%run_scoped3A_102 : memref<!tpu.dma_semaphore, #tpu.memory_space<semaphore_mem>>) src(%dma_wait3A_117 : memref<80x128xi32, #tpu.memory_space<hbm>>) dst(%arg6 : memref<80x128xi32, #tpu.memory_space<vmem>>)
      tpu.yield
    }) : () -> ()
    "tpu.region"() ({
      %run_scoped3A_102 = tpu.sem_alloc : memref<!tpu.dma_semaphore, #tpu.memory_space<semaphore_mem>>
      %dma_start3A_103 = arith.constant 0 : i32
      %dma_start3A_104 = arith.constant 0 : i32
      %dma_start3A_105 = tpu.memref_slice %arg4[%arg1, %dma_start3A_103, %dma_start3A_104] : memref<16x160x128xi32, #tpu.memory_space<hbm>> -> memref<1x80x128xi32, #tpu.memory_space<hbm>>
      %dma_start3A_106 = tpu.memref_squeeze %dma_start3A_105 : memref<1x80x128xi32, #tpu.memory_space<hbm>> -> memref<80x128xi32, #tpu.memory_space<hbm>>
      %dma_start3A_107 = arith.constant 0 : i32
      %dma_start3A_108 = arith.constant 0 : i32
      %dma_start3A_109 = tpu.memref_slice %arg4[%arg1, %dma_start3A_107, %dma_start3A_108] : memref<16x160x128xi32, #tpu.memory_space<hbm>> -> memref<1x80x128xi32, #tpu.memory_space<hbm>>
      %dma_start3A_110 = tpu.memref_squeeze %dma_start3A_109 : memref<1x80x128xi32, #tpu.memory_space<hbm>> -> memref<80x128xi32, #tpu.memory_space<hbm>>
      tpu.enqueue_dma source(%dma_start3A_110 : memref<80x128xi32, #tpu.memory_space<hbm>>) target(%arg7 : memref<80x128xi32, #tpu.memory_space<vmem>>) target_semaphore(%run_scoped3A_102 : memref<!tpu.dma_semaphore, #tpu.memory_space<semaphore_mem>>)
      %dma_wait3A = arith.constant 0 : i32
      %dma_wait3A_111 = arith.constant 0 : i32
      %dma_wait3A_112 = tpu.memref_slice %arg4[%arg1, %dma_wait3A, %dma_wait3A_111] : memref<16x160x128xi32, #tpu.memory_space<hbm>> -> memref<1x80x128xi32, #tpu.memory_space<hbm>>
      %dma_wait3A_113 = tpu.memref_squeeze %dma_wait3A_112 : memref<1x80x128xi32, #tpu.memory_space<hbm>> -> memref<80x128xi32, #tpu.memory_space<hbm>>
      %dma_wait3A_114 = arith.constant 0 : i32
      %dma_wait3A_115 = arith.constant 0 : i32
      %dma_wait3A_116 = tpu.memref_slice %arg4[%arg1, %dma_wait3A_114, %dma_wait3A_115] : memref<16x160x128xi32, #tpu.memory_space<hbm>> -> memref<1x80x128xi32, #tpu.memory_space<hbm>>
      %dma_wait3A_117 = tpu.memref_squeeze %dma_wait3A_116 : memref<1x80x128xi32, #tpu.memory_space<hbm>> -> memref<80x128xi32, #tpu.memory_space<hbm>>
      tpu.wait_dma2 semaphore(%run_scoped3A_102 : memref<!tpu.dma_semaphore, #tpu.memory_space<semaphore_mem>>) src(%dma_wait3A_117 : memref<80x128xi32, #tpu.memory_space<hbm>>) dst(%arg7 : memref<80x128xi32, #tpu.memory_space<vmem>>)
      tpu.yield
    }) : () -> ()
    %dma_start3A = arith.constant 0 : i32
    %dma_start3A_33 = arith.constant 0 : i32
    %dma_start3A_34 = arith.constant 0 : i32
    %dma_start3A_35 = arith.constant 0 : i32
    %dma_start3A_36 = tpu.memref_slice %arg8[%dma_start3A_33, %dma_start3A_34, %dma_start3A_35] : memref<2x128x64xf32, #tpu.memory_space<vmem>> -> memref<1x128x64xf32, #tpu.memory_space<vmem>>
    %dma_start3A_37 = tpu.memref_squeeze %dma_start3A_36 : memref<1x128x64xf32, #tpu.memory_space<vmem>> -> memref<128x64xf32, #tpu.memory_space<vmem>>
    %dma_start3A_38 = arith.constant 0 : i32
    %dma_start3A_39 = tpu.memref_slice %arg6[%dma_start3A, %dma_start3A_38] : memref<80x128xi32, #tpu.memory_space<vmem>> -> memref<1x128xi32, #tpu.memory_space<vmem>>
    %dma_start3A_40 = tpu.memref_squeeze %dma_start3A_39 : memref<1x128xi32, #tpu.memory_space<vmem>> -> memref<128xi32, #tpu.memory_space<vmem>>
    %dma_start3A_41 = arith.constant 0 : i32
    %dma_start3A_42 = arith.constant 0 : i32
    %dma_start3A_43 = tpu.memref_slice %arg10[%dma_start3A_41, %dma_start3A_42] : memref<10000x64xf32, #tpu.memory_space<vmem_shared>> -> memref<10000x64xf32, #tpu.memory_space<vmem_shared>>
    tpu.enqueue_indirect_dma source(%dma_start3A_43 : memref<10000x64xf32, #tpu.memory_space<vmem_shared>>) target(%dma_start3A_37 : memref<128x64xf32, #tpu.memory_space<vmem>>) offsets(%dma_start3A_40 : memref<128xi32, #tpu.memory_space<vmem>>) semaphore(%arg11 : memref<!tpu.dma_semaphore, #tpu.memory_space<semaphore_mem>>)
    %dma_start3A_44 = arith.constant 1 : i32
    %dma_start3A_45 = arith.constant 1 : i32
    %dma_start3A_46 = arith.constant 0 : i32
    %dma_start3A_47 = arith.constant 0 : i32
    %dma_start3A_48 = tpu.memref_slice %arg8[%dma_start3A_45, %dma_start3A_46, %dma_start3A_47] : memref<2x128x64xf32, #tpu.memory_space<vmem>> -> memref<1x128x64xf32, #tpu.memory_space<vmem>>
    %dma_start3A_49 = tpu.memref_squeeze %dma_start3A_48 : memref<1x128x64xf32, #tpu.memory_space<vmem>> -> memref<128x64xf32, #tpu.memory_space<vmem>>
    %dma_start3A_50 = arith.constant 0 : i32
    %dma_start3A_51 = tpu.memref_slice %arg6[%dma_start3A_44, %dma_start3A_50] : memref<80x128xi32, #tpu.memory_space<vmem>> -> memref<1x128xi32, #tpu.memory_space<vmem>>
    %dma_start3A_52 = tpu.memref_squeeze %dma_start3A_51 : memref<1x128xi32, #tpu.memory_space<vmem>> -> memref<128xi32, #tpu.memory_space<vmem>>
    %dma_start3A_53 = arith.constant 0 : i32
    %dma_start3A_54 = arith.constant 0 : i32
    %dma_start3A_55 = tpu.memref_slice %arg10[%dma_start3A_53, %dma_start3A_54] : memref<10000x64xf32, #tpu.memory_space<vmem_shared>> -> memref<10000x64xf32, #tpu.memory_space<vmem_shared>>
    tpu.enqueue_indirect_dma source(%dma_start3A_55 : memref<10000x64xf32, #tpu.memory_space<vmem_shared>>) target(%dma_start3A_49 : memref<128x64xf32, #tpu.memory_space<vmem>>) offsets(%dma_start3A_52 : memref<128xi32, #tpu.memory_space<vmem>>) semaphore(%arg12 : memref<!tpu.dma_semaphore, #tpu.memory_space<semaphore_mem>>)
    %scan3A_56 = arith.constant 0 : i32
    %scan3A_57 = arith.constant 0 : i32
    %scan3A_58 = arith.constant 40 : i32
    %scan3A_59 = arith.addi %scan3A_57, %scan3A_58 : i32
    %scan3A_60 = arith.constant 1 : i32
    scf.for %scan3A_102 = %scan3A_57 to %scan3A_59 step %scan3A_60  : i32 {
      %mul3A_103 = arith.constant 2 : i32
      %mul3A_104 = arith.muli %scan3A_102, %mul3A_103 : i32
      %add3A_105 = arith.constant 0 : i32
      %add3A_106 = arith.addi %mul3A_104, %add3A_105 : i32
      %dma_wait3A = arith.constant 0 : i32
      %dma_wait3A_107 = arith.constant 0 : i32
      %dma_wait3A_108 = arith.constant 0 : i32
      %dma_wait3A_109 = tpu.memref_slice %arg8[%dma_wait3A, %dma_wait3A_107, %dma_wait3A_108] : memref<2x128x64xf32, #tpu.memory_space<vmem>> -> memref<1x128x64xf32, #tpu.memory_space<vmem>>
      %dma_wait3A_110 = tpu.memref_squeeze %dma_wait3A_109 : memref<1x128x64xf32, #tpu.memory_space<vmem>> -> memref<128x64xf32, #tpu.memory_space<vmem>>
      %dma_wait3A_111 = arith.constant 0 : i32
      %dma_wait3A_112 = tpu.memref_slice %arg6[%add3A_106, %dma_wait3A_111] : memref<80x128xi32, #tpu.memory_space<vmem>> -> memref<1x128xi32, #tpu.memory_space<vmem>>
      %dma_wait3A_113 = tpu.memref_squeeze %dma_wait3A_112 : memref<1x128xi32, #tpu.memory_space<vmem>> -> memref<128xi32, #tpu.memory_space<vmem>>
      %dma_wait3A_114 = arith.constant 0 : i32
      %dma_wait3A_115 = arith.constant 0 : i32
      %dma_wait3A_116 = tpu.memref_slice %arg10[%dma_wait3A_114, %dma_wait3A_115] : memref<10000x64xf32, #tpu.memory_space<vmem_shared>> -> memref<10000x64xf32, #tpu.memory_space<vmem_shared>>
      tpu.wait_indirect_dma semaphore(%arg11 : memref<!tpu.dma_semaphore, #tpu.memory_space<semaphore_mem>>) src(%dma_wait3A_116 : memref<10000x64xf32, #tpu.memory_space<vmem_shared>>) dst(%dma_wait3A_110 : memref<128x64xf32, #tpu.memory_space<vmem>>)
      %run_scoped3A_117 = arith.constant 0 : i32
      "tpu.region"() ({
        %run_scoped3A_145 = tpu.sem_alloc : memref<!tpu.dma_semaphore, #tpu.memory_space<semaphore_mem>>
        %dma_start3A_146 = arith.constant 0 : i32
        %dma_start3A_147 = arith.constant 0 : i32
        %dma_start3A_148 = tpu.memref_slice %arg8[%run_scoped3A_117, %dma_start3A_146, %dma_start3A_147] : memref<2x128x64xf32, #tpu.memory_space<vmem>> -> memref<1x128x64xf32, #tpu.memory_space<vmem>>
        %dma_start3A_149 = tpu.memref_squeeze %dma_start3A_148 : memref<1x128x64xf32, #tpu.memory_space<vmem>> -> memref<128x64xf32, #tpu.memory_space<vmem>>
        %dma_start3A_150 = arith.constant 0 : i32
        %dma_start3A_151 = tpu.memref_slice %arg7[%add3A_106, %dma_start3A_150] : memref<80x128xi32, #tpu.memory_space<vmem>> -> memref<1x128xi32, #tpu.memory_space<vmem>>
        %dma_start3A_152 = tpu.memref_squeeze %dma_start3A_151 : memref<1x128xi32, #tpu.memory_space<vmem>> -> memref<128xi32, #tpu.memory_space<vmem>>
        %dma_start3A_153 = arith.constant 0 : i32
        %dma_start3A_154 = arith.constant 0 : i32
        %dma_start3A_155 = tpu.memref_slice %arg9[%dma_start3A_153, %dma_start3A_154] : memref<10240x64xf32, #tpu.memory_space<vmem_shared>> -> memref<10240x64xf32, #tpu.memory_space<vmem_shared>>
        tpu.enqueue_indirect_dma source(%dma_start3A_149 : memref<128x64xf32, #tpu.memory_space<vmem>>) target(%dma_start3A_155 : memref<10240x64xf32, #tpu.memory_space<vmem_shared>>) offsets(%dma_start3A_152 : memref<128xi32, #tpu.memory_space<vmem>>) semaphore(%run_scoped3A_145 : memref<!tpu.dma_semaphore, #tpu.memory_space<semaphore_mem>>) {add = true}
        %dma_wait3A_156 = arith.constant 0 : i32
        %dma_wait3A_157 = arith.constant 0 : i32
        %dma_wait3A_158 = tpu.memref_slice %arg8[%run_scoped3A_117, %dma_wait3A_156, %dma_wait3A_157] : memref<2x128x64xf32, #tpu.memory_space<vmem>> -> memref<1x128x64xf32, #tpu.memory_space<vmem>>
        %dma_wait3A_159 = tpu.memref_squeeze %dma_wait3A_158 : memref<1x128x64xf32, #tpu.memory_space<vmem>> -> memref<128x64xf32, #tpu.memory_space<vmem>>
        %dma_wait3A_160 = arith.constant 0 : i32
        %dma_wait3A_161 = tpu.memref_slice %arg7[%add3A_106, %dma_wait3A_160] : memref<80x128xi32, #tpu.memory_space<vmem>> -> memref<1x128xi32, #tpu.memory_space<vmem>>
        %dma_wait3A_162 = tpu.memref_squeeze %dma_wait3A_161 : memref<1x128xi32, #tpu.memory_space<vmem>> -> memref<128xi32, #tpu.memory_space<vmem>>
        %dma_wait3A_163 = arith.constant 0 : i32
        %dma_wait3A_164 = arith.constant 0 : i32
        %dma_wait3A_165 = tpu.memref_slice %arg9[%dma_wait3A_163, %dma_wait3A_164] : memref<10240x64xf32, #tpu.memory_space<vmem_shared>> -> memref<10240x64xf32, #tpu.memory_space<vmem_shared>>
        tpu.wait_indirect_dma semaphore(%run_scoped3A_145 : memref<!tpu.dma_semaphore, #tpu.memory_space<semaphore_mem>>) src(%dma_wait3A_159 : memref<128x64xf32, #tpu.memory_space<vmem>>) dst(%dma_wait3A_165 : memref<10240x64xf32, #tpu.memory_space<vmem_shared>>)
        tpu.yield
      }) : () -> ()
      %add3A_118 = arith.constant 2 : i32
      %add3A_119 = arith.addi %add3A_106, %add3A_118 : i32
      %lt3A = arith.constant 80 : i32
      %lt3A_120 = arith.cmpi slt, %add3A_119, %lt3A : i32
      %convert_element_type3A_121 = arith.extui %lt3A_120 : i1 to i32
      %cond3A_122 = arith.constant 0 : i32
      %cond3A_123 = arith.cmpi ne, %convert_element_type3A_121, %cond3A_122 : i32
      scf.if %cond3A_123 {
        %add3A_145 = arith.constant 2 : i32
        %add3A_146 = arith.addi %add3A_106, %add3A_145 : i32
        %dma_start3A_147 = arith.constant 0 : i32
        %dma_start3A_148 = arith.constant 0 : i32
        %dma_start3A_149 = arith.constant 0 : i32
        %dma_start3A_150 = tpu.memref_slice %arg8[%dma_start3A_147, %dma_start3A_148, %dma_start3A_149] : memref<2x128x64xf32, #tpu.memory_space<vmem>> -> memref<1x128x64xf32, #tpu.memory_space<vmem>>
        %dma_start3A_151 = tpu.memref_squeeze %dma_start3A_150 : memref<1x128x64xf32, #tpu.memory_space<vmem>> -> memref<128x64xf32, #tpu.memory_space<vmem>>
        %dma_start3A_152 = arith.constant 0 : i32
        %dma_start3A_153 = tpu.memref_slice %arg6[%add3A_146, %dma_start3A_152] : memref<80x128xi32, #tpu.memory_space<vmem>> -> memref<1x128xi32, #tpu.memory_space<vmem>>
        %dma_start3A_154 = tpu.memref_squeeze %dma_start3A_153 : memref<1x128xi32, #tpu.memory_space<vmem>> -> memref<128xi32, #tpu.memory_space<vmem>>
        %dma_start3A_155 = arith.constant 0 : i32
        %dma_start3A_156 = arith.constant 0 : i32
        %dma_start3A_157 = tpu.memref_slice %arg10[%dma_start3A_155, %dma_start3A_156] : memref<10000x64xf32, #tpu.memory_space<vmem_shared>> -> memref<10000x64xf32, #tpu.memory_space<vmem_shared>>
        tpu.enqueue_indirect_dma source(%dma_start3A_157 : memref<10000x64xf32, #tpu.memory_space<vmem_shared>>) target(%dma_start3A_151 : memref<128x64xf32, #tpu.memory_space<vmem>>) offsets(%dma_start3A_154 : memref<128xi32, #tpu.memory_space<vmem>>) semaphore(%arg11 : memref<!tpu.dma_semaphore, #tpu.memory_space<semaphore_mem>>)
      } else {
      }
      %add3A_124 = arith.constant 1 : i32
      %add3A_125 = arith.addi %mul3A_104, %add3A_124 : i32
      %dma_wait3A_126 = arith.constant 1 : i32
      %dma_wait3A_127 = arith.constant 0 : i32
      %dma_wait3A_128 = arith.constant 0 : i32
      %dma_wait3A_129 = tpu.memref_slice %arg8[%dma_wait3A_126, %dma_wait3A_127, %dma_wait3A_128] : memref<2x128x64xf32, #tpu.memory_space<vmem>> -> memref<1x128x64xf32, #tpu.memory_space<vmem>>
      %dma_wait3A_130 = tpu.memref_squeeze %dma_wait3A_129 : memref<1x128x64xf32, #tpu.memory_space<vmem>> -> memref<128x64xf32, #tpu.memory_space<vmem>>
      %dma_wait3A_131 = arith.constant 0 : i32
      %dma_wait3A_132 = tpu.memref_slice %arg6[%add3A_125, %dma_wait3A_131] : memref<80x128xi32, #tpu.memory_space<vmem>> -> memref<1x128xi32, #tpu.memory_space<vmem>>
      %dma_wait3A_133 = tpu.memref_squeeze %dma_wait3A_132 : memref<1x128xi32, #tpu.memory_space<vmem>> -> memref<128xi32, #tpu.memory_space<vmem>>
      %dma_wait3A_134 = arith.constant 0 : i32
      %dma_wait3A_135 = arith.constant 0 : i32
      %dma_wait3A_136 = tpu.memref_slice %arg10[%dma_wait3A_134, %dma_wait3A_135] : memref<10000x64xf32, #tpu.memory_space<vmem_shared>> -> memref<10000x64xf32, #tpu.memory_space<vmem_shared>>
      tpu.wait_indirect_dma semaphore(%arg12 : memref<!tpu.dma_semaphore, #tpu.memory_space<semaphore_mem>>) src(%dma_wait3A_136 : memref<10000x64xf32, #tpu.memory_space<vmem_shared>>) dst(%dma_wait3A_130 : memref<128x64xf32, #tpu.memory_space<vmem>>)
      %run_scoped3A_137 = arith.constant 1 : i32
      "tpu.region"() ({
        %run_scoped3A_145 = tpu.sem_alloc : memref<!tpu.dma_semaphore, #tpu.memory_space<semaphore_mem>>
        %dma_start3A_146 = arith.constant 0 : i32
        %dma_start3A_147 = arith.constant 0 : i32
        %dma_start3A_148 = tpu.memref_slice %arg8[%run_scoped3A_137, %dma_start3A_146, %dma_start3A_147] : memref<2x128x64xf32, #tpu.memory_space<vmem>> -> memref<1x128x64xf32, #tpu.memory_space<vmem>>
        %dma_start3A_149 = tpu.memref_squeeze %dma_start3A_148 : memref<1x128x64xf32, #tpu.memory_space<vmem>> -> memref<128x64xf32, #tpu.memory_space<vmem>>
        %dma_start3A_150 = arith.constant 0 : i32
        %dma_start3A_151 = tpu.memref_slice %arg7[%add3A_125, %dma_start3A_150] : memref<80x128xi32, #tpu.memory_space<vmem>> -> memref<1x128xi32, #tpu.memory_space<vmem>>
        %dma_start3A_152 = tpu.memref_squeeze %dma_start3A_151 : memref<1x128xi32, #tpu.memory_space<vmem>> -> memref<128xi32, #tpu.memory_space<vmem>>
        %dma_start3A_153 = arith.constant 0 : i32
        %dma_start3A_154 = arith.constant 0 : i32
        %dma_start3A_155 = tpu.memref_slice %arg9[%dma_start3A_153, %dma_start3A_154] : memref<10240x64xf32, #tpu.memory_space<vmem_shared>> -> memref<10240x64xf32, #tpu.memory_space<vmem_shared>>
        tpu.enqueue_indirect_dma source(%dma_start3A_149 : memref<128x64xf32, #tpu.memory_space<vmem>>) target(%dma_start3A_155 : memref<10240x64xf32, #tpu.memory_space<vmem_shared>>) offsets(%dma_start3A_152 : memref<128xi32, #tpu.memory_space<vmem>>) semaphore(%run_scoped3A_145 : memref<!tpu.dma_semaphore, #tpu.memory_space<semaphore_mem>>) {add = true}
        %dma_wait3A_156 = arith.constant 0 : i32
        %dma_wait3A_157 = arith.constant 0 : i32
        %dma_wait3A_158 = tpu.memref_slice %arg8[%run_scoped3A_137, %dma_wait3A_156, %dma_wait3A_157] : memref<2x128x64xf32, #tpu.memory_space<vmem>> -> memref<1x128x64xf32, #tpu.memory_space<vmem>>
        %dma_wait3A_159 = tpu.memref_squeeze %dma_wait3A_158 : memref<1x128x64xf32, #tpu.memory_space<vmem>> -> memref<128x64xf32, #tpu.memory_space<vmem>>
        %dma_wait3A_160 = arith.constant 0 : i32
        %dma_wait3A_161 = tpu.memref_slice %arg7[%add3A_125, %dma_wait3A_160] : memref<80x128xi32, #tpu.memory_space<vmem>> -> memref<1x128xi32, #tpu.memory_space<vmem>>
        %dma_wait3A_162 = tpu.memref_squeeze %dma_wait3A_161 : memref<1x128xi32, #tpu.memory_space<vmem>> -> memref<128xi32, #tpu.memory_space<vmem>>
        %dma_wait3A_163 = arith.constant 0 : i32
        %dma_wait3A_164 = arith.constant 0 : i32
        %dma_wait3A_165 = tpu.memref_slice %arg9[%dma_wait3A_163, %dma_wait3A_164] : memref<10240x64xf32, #tpu.memory_space<vmem_shared>> -> memref<10240x64xf32, #tpu.memory_space<vmem_shared>>
        tpu.wait_indirect_dma semaphore(%run_scoped3A_145 : memref<!tpu.dma_semaphore, #tpu.memory_space<semaphore_mem>>) src(%dma_wait3A_159 : memref<128x64xf32, #tpu.memory_space<vmem>>) dst(%dma_wait3A_165 : memref<10240x64xf32, #tpu.memory_space<vmem_shared>>)
        tpu.yield
      }) : () -> ()
      %add3A_138 = arith.constant 2 : i32
      %add3A_139 = arith.addi %add3A_125, %add3A_138 : i32
      %lt3A_140 = arith.constant 80 : i32
      %lt3A_141 = arith.cmpi slt, %add3A_139, %lt3A_140 : i32
      %convert_element_type3A_142 = arith.extui %lt3A_141 : i1 to i32
      %cond3A_143 = arith.constant 0 : i32
      %cond3A_144 = arith.cmpi ne, %convert_element_type3A_142, %cond3A_143 : i32
      scf.if %cond3A_144 {
        %add3A_145 = arith.constant 2 : i32
        %add3A_146 = arith.addi %add3A_125, %add3A_145 : i32
        %dma_start3A_147 = arith.constant 1 : i32
        %dma_start3A_148 = arith.constant 0 : i32
        %dma_start3A_149 = arith.constant 0 : i32
        %dma_start3A_150 = tpu.memref_slice %arg8[%dma_start3A_147, %dma_start3A_148, %dma_start3A_149] : memref<2x128x64xf32, #tpu.memory_space<vmem>> -> memref<1x128x64xf32, #tpu.memory_space<vmem>>
        %dma_start3A_151 = tpu.memref_squeeze %dma_start3A_150 : memref<1x128x64xf32, #tpu.memory_space<vmem>> -> memref<128x64xf32, #tpu.memory_space<vmem>>
        %dma_start3A_152 = arith.constant 0 : i32
        %dma_start3A_153 = tpu.memref_slice %arg6[%add3A_146, %dma_start3A_152] : memref<80x128xi32, #tpu.memory_space<vmem>> -> memref<1x128xi32, #tpu.memory_space<vmem>>
        %dma_start3A_154 = tpu.memref_squeeze %dma_start3A_153 : memref<1x128xi32, #tpu.memory_space<vmem>> -> memref<128xi32, #tpu.memory_space<vmem>>
        %dma_start3A_155 = arith.constant 0 : i32
        %dma_start3A_156 = arith.constant 0 : i32
        %dma_start3A_157 = tpu.memref_slice %arg10[%dma_start3A_155, %dma_start3A_156] : memref<10000x64xf32, #tpu.memory_space<vmem_shared>> -> memref<10000x64xf32, #tpu.memory_space<vmem_shared>>
        tpu.enqueue_indirect_dma source(%dma_start3A_157 : memref<10000x64xf32, #tpu.memory_space<vmem_shared>>) target(%dma_start3A_151 : memref<128x64xf32, #tpu.memory_space<vmem>>) offsets(%dma_start3A_154 : memref<128xi32, #tpu.memory_space<vmem>>) semaphore(%arg12 : memref<!tpu.dma_semaphore, #tpu.memory_space<semaphore_mem>>)
      } else {
      }
    }
    %scan3A_61 = arith.constant 40 : i32
    "tpu.region"() ({
      %run_scoped3A_102 = tpu.sem_alloc : memref<!tpu.dma_semaphore, #tpu.memory_space<semaphore_mem>>
      %dma_start3A_103 = arith.constant 80 : i32
      %dma_start3A_104 = arith.constant 0 : i32
      %dma_start3A_105 = tpu.memref_slice %arg3[%arg1, %dma_start3A_103, %dma_start3A_104] : memref<16x160x128xi32, #tpu.memory_space<hbm>> -> memref<1x80x128xi32, #tpu.memory_space<hbm>>
      %dma_start3A_106 = tpu.memref_squeeze %dma_start3A_105 : memref<1x80x128xi32, #tpu.memory_space<hbm>> -> memref<80x128xi32, #tpu.memory_space<hbm>>
      %dma_start3A_107 = arith.constant 80 : i32
      %dma_start3A_108 = arith.constant 0 : i32
      %dma_start3A_109 = tpu.memref_slice %arg3[%arg1, %dma_start3A_107, %dma_start3A_108] : memref<16x160x128xi32, #tpu.memory_space<hbm>> -> memref<1x80x128xi32, #tpu.memory_space<hbm>>
      %dma_start3A_110 = tpu.memref_squeeze %dma_start3A_109 : memref<1x80x128xi32, #tpu.memory_space<hbm>> -> memref<80x128xi32, #tpu.memory_space<hbm>>
      tpu.enqueue_dma source(%dma_start3A_110 : memref<80x128xi32, #tpu.memory_space<hbm>>) target(%arg6 : memref<80x128xi32, #tpu.memory_space<vmem>>) target_semaphore(%run_scoped3A_102 : memref<!tpu.dma_semaphore, #tpu.memory_space<semaphore_mem>>)
      %dma_wait3A = arith.constant 80 : i32
      %dma_wait3A_111 = arith.constant 0 : i32
      %dma_wait3A_112 = tpu.memref_slice %arg3[%arg1, %dma_wait3A, %dma_wait3A_111] : memref<16x160x128xi32, #tpu.memory_space<hbm>> -> memref<1x80x128xi32, #tpu.memory_space<hbm>>
      %dma_wait3A_113 = tpu.memref_squeeze %dma_wait3A_112 : memref<1x80x128xi32, #tpu.memory_space<hbm>> -> memref<80x128xi32, #tpu.memory_space<hbm>>
      %dma_wait3A_114 = arith.constant 80 : i32
      %dma_wait3A_115 = arith.constant 0 : i32
      %dma_wait3A_116 = tpu.memref_slice %arg3[%arg1, %dma_wait3A_114, %dma_wait3A_115] : memref<16x160x128xi32, #tpu.memory_space<hbm>> -> memref<1x80x128xi32, #tpu.memory_space<hbm>>
      %dma_wait3A_117 = tpu.memref_squeeze %dma_wait3A_116 : memref<1x80x128xi32, #tpu.memory_space<hbm>> -> memref<80x128xi32, #tpu.memory_space<hbm>>
      tpu.wait_dma2 semaphore(%run_scoped3A_102 : memref<!tpu.dma_semaphore, #tpu.memory_space<semaphore_mem>>) src(%dma_wait3A_117 : memref<80x128xi32, #tpu.memory_space<hbm>>) dst(%arg6 : memref<80x128xi32, #tpu.memory_space<vmem>>)
      tpu.yield
    }) : () -> ()
    "tpu.region"() ({
      %run_scoped3A_102 = tpu.sem_alloc : memref<!tpu.dma_semaphore, #tpu.memory_space<semaphore_mem>>
      %dma_start3A_103 = arith.constant 80 : i32
      %dma_start3A_104 = arith.constant 0 : i32
      %dma_start3A_105 = tpu.memref_slice %arg4[%arg1, %dma_start3A_103, %dma_start3A_104] : memref<16x160x128xi32, #tpu.memory_space<hbm>> -> memref<1x80x128xi32, #tpu.memory_space<hbm>>
      %dma_start3A_106 = tpu.memref_squeeze %dma_start3A_105 : memref<1x80x128xi32, #tpu.memory_space<hbm>> -> memref<80x128xi32, #tpu.memory_space<hbm>>
      %dma_start3A_107 = arith.constant 80 : i32
      %dma_start3A_108 = arith.constant 0 : i32
      %dma_start3A_109 = tpu.memref_slice %arg4[%arg1, %dma_start3A_107, %dma_start3A_108] : memref<16x160x128xi32, #tpu.memory_space<hbm>> -> memref<1x80x128xi32, #tpu.memory_space<hbm>>
      %dma_start3A_110 = tpu.memref_squeeze %dma_start3A_109 : memref<1x80x128xi32, #tpu.memory_space<hbm>> -> memref<80x128xi32, #tpu.memory_space<hbm>>
      tpu.enqueue_dma source(%dma_start3A_110 : memref<80x128xi32, #tpu.memory_space<hbm>>) target(%arg7 : memref<80x128xi32, #tpu.memory_space<vmem>>) target_semaphore(%run_scoped3A_102 : memref<!tpu.dma_semaphore, #tpu.memory_space<semaphore_mem>>)
      %dma_wait3A = arith.constant 80 : i32
      %dma_wait3A_111 = arith.constant 0 : i32
      %dma_wait3A_112 = tpu.memref_slice %arg4[%arg1, %dma_wait3A, %dma_wait3A_111] : memref<16x160x128xi32, #tpu.memory_space<hbm>> -> memref<1x80x128xi32, #tpu.memory_space<hbm>>
      %dma_wait3A_113 = tpu.memref_squeeze %dma_wait3A_112 : memref<1x80x128xi32, #tpu.memory_space<hbm>> -> memref<80x128xi32, #tpu.memory_space<hbm>>
      %dma_wait3A_114 = arith.constant 80 : i32
      %dma_wait3A_115 = arith.constant 0 : i32
      %dma_wait3A_116 = tpu.memref_slice %arg4[%arg1, %dma_wait3A_114, %dma_wait3A_115] : memref<16x160x128xi32, #tpu.memory_space<hbm>> -> memref<1x80x128xi32, #tpu.memory_space<hbm>>
      %dma_wait3A_117 = tpu.memref_squeeze %dma_wait3A_116 : memref<1x80x128xi32, #tpu.memory_space<hbm>> -> memref<80x128xi32, #tpu.memory_space<hbm>>
      tpu.wait_dma2 semaphore(%run_scoped3A_102 : memref<!tpu.dma_semaphore, #tpu.memory_space<semaphore_mem>>) src(%dma_wait3A_117 : memref<80x128xi32, #tpu.memory_space<hbm>>) dst(%arg7 : memref<80x128xi32, #tpu.memory_space<vmem>>)
      tpu.yield
    }) : () -> ()
    %dma_start3A_62 = arith.constant 0 : i32
    %dma_start3A_63 = arith.constant 0 : i32
    %dma_start3A_64 = arith.constant 0 : i32
    %dma_start3A_65 = arith.constant 0 : i32
    %dma_start3A_66 = tpu.memref_slice %arg8[%dma_start3A_63, %dma_start3A_64, %dma_start3A_65] : memref<2x128x64xf32, #tpu.memory_space<vmem>> -> memref<1x128x64xf32, #tpu.memory_space<vmem>>
    %dma_start3A_67 = tpu.memref_squeeze %dma_start3A_66 : memref<1x128x64xf32, #tpu.memory_space<vmem>> -> memref<128x64xf32, #tpu.memory_space<vmem>>
    %dma_start3A_68 = arith.constant 0 : i32
    %dma_start3A_69 = tpu.memref_slice %arg6[%dma_start3A_62, %dma_start3A_68] : memref<80x128xi32, #tpu.memory_space<vmem>> -> memref<1x128xi32, #tpu.memory_space<vmem>>
    %dma_start3A_70 = tpu.memref_squeeze %dma_start3A_69 : memref<1x128xi32, #tpu.memory_space<vmem>> -> memref<128xi32, #tpu.memory_space<vmem>>
    %dma_start3A_71 = arith.constant 0 : i32
    %dma_start3A_72 = arith.constant 0 : i32
    %dma_start3A_73 = tpu.memref_slice %arg10[%dma_start3A_71, %dma_start3A_72] : memref<10000x64xf32, #tpu.memory_space<vmem_shared>> -> memref<10000x64xf32, #tpu.memory_space<vmem_shared>>
    tpu.enqueue_indirect_dma source(%dma_start3A_73 : memref<10000x64xf32, #tpu.memory_space<vmem_shared>>) target(%dma_start3A_67 : memref<128x64xf32, #tpu.memory_space<vmem>>) offsets(%dma_start3A_70 : memref<128xi32, #tpu.memory_space<vmem>>) semaphore(%arg11 : memref<!tpu.dma_semaphore, #tpu.memory_space<semaphore_mem>>)
    %dma_start3A_74 = arith.constant 1 : i32
    %dma_start3A_75 = arith.constant 1 : i32
    %dma_start3A_76 = arith.constant 0 : i32
    %dma_start3A_77 = arith.constant 0 : i32
    %dma_start3A_78 = tpu.memref_slice %arg8[%dma_start3A_75, %dma_start3A_76, %dma_start3A_77] : memref<2x128x64xf32, #tpu.memory_space<vmem>> -> memref<1x128x64xf32, #tpu.memory_space<vmem>>
    %dma_start3A_79 = tpu.memref_squeeze %dma_start3A_78 : memref<1x128x64xf32, #tpu.memory_space<vmem>> -> memref<128x64xf32, #tpu.memory_space<vmem>>
    %dma_start3A_80 = arith.constant 0 : i32
    %dma_start3A_81 = tpu.memref_slice %arg6[%dma_start3A_74, %dma_start3A_80] : memref<80x128xi32, #tpu.memory_space<vmem>> -> memref<1x128xi32, #tpu.memory_space<vmem>>
    %dma_start3A_82 = tpu.memref_squeeze %dma_start3A_81 : memref<1x128xi32, #tpu.memory_space<vmem>> -> memref<128xi32, #tpu.memory_space<vmem>>
    %dma_start3A_83 = arith.constant 0 : i32
    %dma_start3A_84 = arith.constant 0 : i32
    %dma_start3A_85 = tpu.memref_slice %arg10[%dma_start3A_83, %dma_start3A_84] : memref<10000x64xf32, #tpu.memory_space<vmem_shared>> -> memref<10000x64xf32, #tpu.memory_space<vmem_shared>>
    tpu.enqueue_indirect_dma source(%dma_start3A_85 : memref<10000x64xf32, #tpu.memory_space<vmem_shared>>) target(%dma_start3A_79 : memref<128x64xf32, #tpu.memory_space<vmem>>) offsets(%dma_start3A_82 : memref<128xi32, #tpu.memory_space<vmem>>) semaphore(%arg12 : memref<!tpu.dma_semaphore, #tpu.memory_space<semaphore_mem>>)
    %scan3A_86 = arith.constant 0 : i32
    %scan3A_87 = arith.constant 0 : i32
    %scan3A_88 = arith.constant 40 : i32
    %scan3A_89 = arith.addi %scan3A_87, %scan3A_88 : i32
    %scan3A_90 = arith.constant 1 : i32
    scf.for %scan3A_102 = %scan3A_87 to %scan3A_89 step %scan3A_90  : i32 {
      %mul3A_103 = arith.constant 2 : i32
      %mul3A_104 = arith.muli %scan3A_102, %mul3A_103 : i32
      %add3A_105 = arith.constant 0 : i32
      %add3A_106 = arith.addi %mul3A_104, %add3A_105 : i32
      %dma_wait3A = arith.constant 0 : i32
      %dma_wait3A_107 = arith.constant 0 : i32
      %dma_wait3A_108 = arith.constant 0 : i32
      %dma_wait3A_109 = tpu.memref_slice %arg8[%dma_wait3A, %dma_wait3A_107, %dma_wait3A_108] : memref<2x128x64xf32, #tpu.memory_space<vmem>> -> memref<1x128x64xf32, #tpu.memory_space<vmem>>
      %dma_wait3A_110 = tpu.memref_squeeze %dma_wait3A_109 : memref<1x128x64xf32, #tpu.memory_space<vmem>> -> memref<128x64xf32, #tpu.memory_space<vmem>>
      %dma_wait3A_111 = arith.constant 0 : i32
      %dma_wait3A_112 = tpu.memref_slice %arg6[%add3A_106, %dma_wait3A_111] : memref<80x128xi32, #tpu.memory_space<vmem>> -> memref<1x128xi32, #tpu.memory_space<vmem>>
      %dma_wait3A_113 = tpu.memref_squeeze %dma_wait3A_112 : memref<1x128xi32, #tpu.memory_space<vmem>> -> memref<128xi32, #tpu.memory_space<vmem>>
      %dma_wait3A_114 = arith.constant 0 : i32
      %dma_wait3A_115 = arith.constant 0 : i32
      %dma_wait3A_116 = tpu.memref_slice %arg10[%dma_wait3A_114, %dma_wait3A_115] : memref<10000x64xf32, #tpu.memory_space<vmem_shared>> -> memref<10000x64xf32, #tpu.memory_space<vmem_shared>>
      tpu.wait_indirect_dma semaphore(%arg11 : memref<!tpu.dma_semaphore, #tpu.memory_space<semaphore_mem>>) src(%dma_wait3A_116 : memref<10000x64xf32, #tpu.memory_space<vmem_shared>>) dst(%dma_wait3A_110 : memref<128x64xf32, #tpu.memory_space<vmem>>)
      %run_scoped3A_117 = arith.constant 0 : i32
      "tpu.region"() ({
        %run_scoped3A_145 = tpu.sem_alloc : memref<!tpu.dma_semaphore, #tpu.memory_space<semaphore_mem>>
        %dma_start3A_146 = arith.constant 0 : i32
        %dma_start3A_147 = arith.constant 0 : i32
        %dma_start3A_148 = tpu.memref_slice %arg8[%run_scoped3A_117, %dma_start3A_146, %dma_start3A_147] : memref<2x128x64xf32, #tpu.memory_space<vmem>> -> memref<1x128x64xf32, #tpu.memory_space<vmem>>
        %dma_start3A_149 = tpu.memref_squeeze %dma_start3A_148 : memref<1x128x64xf32, #tpu.memory_space<vmem>> -> memref<128x64xf32, #tpu.memory_space<vmem>>
        %dma_start3A_150 = arith.constant 0 : i32
        %dma_start3A_151 = tpu.memref_slice %arg7[%add3A_106, %dma_start3A_150] : memref<80x128xi32, #tpu.memory_space<vmem>> -> memref<1x128xi32, #tpu.memory_space<vmem>>
        %dma_start3A_152 = tpu.memref_squeeze %dma_start3A_151 : memref<1x128xi32, #tpu.memory_space<vmem>> -> memref<128xi32, #tpu.memory_space<vmem>>
        %dma_start3A_153 = arith.constant 0 : i32
        %dma_start3A_154 = arith.constant 0 : i32
        %dma_start3A_155 = tpu.memref_slice %arg9[%dma_start3A_153, %dma_start3A_154] : memref<10240x64xf32, #tpu.memory_space<vmem_shared>> -> memref<10240x64xf32, #tpu.memory_space<vmem_shared>>
        tpu.enqueue_indirect_dma source(%dma_start3A_149 : memref<128x64xf32, #tpu.memory_space<vmem>>) target(%dma_start3A_155 : memref<10240x64xf32, #tpu.memory_space<vmem_shared>>) offsets(%dma_start3A_152 : memref<128xi32, #tpu.memory_space<vmem>>) semaphore(%run_scoped3A_145 : memref<!tpu.dma_semaphore, #tpu.memory_space<semaphore_mem>>) {add = true}
        %dma_wait3A_156 = arith.constant 0 : i32
        %dma_wait3A_157 = arith.constant 0 : i32
        %dma_wait3A_158 = tpu.memref_slice %arg8[%run_scoped3A_117, %dma_wait3A_156, %dma_wait3A_157] : memref<2x128x64xf32, #tpu.memory_space<vmem>> -> memref<1x128x64xf32, #tpu.memory_space<vmem>>
        %dma_wait3A_159 = tpu.memref_squeeze %dma_wait3A_158 : memref<1x128x64xf32, #tpu.memory_space<vmem>> -> memref<128x64xf32, #tpu.memory_space<vmem>>
        %dma_wait3A_160 = arith.constant 0 : i32
        %dma_wait3A_161 = tpu.memref_slice %arg7[%add3A_106, %dma_wait3A_160] : memref<80x128xi32, #tpu.memory_space<vmem>> -> memref<1x128xi32, #tpu.memory_space<vmem>>
        %dma_wait3A_162 = tpu.memref_squeeze %dma_wait3A_161 : memref<1x128xi32, #tpu.memory_space<vmem>> -> memref<128xi32, #tpu.memory_space<vmem>>
        %dma_wait3A_163 = arith.constant 0 : i32
        %dma_wait3A_164 = arith.constant 0 : i32
        %dma_wait3A_165 = tpu.memref_slice %arg9[%dma_wait3A_163, %dma_wait3A_164] : memref<10240x64xf32, #tpu.memory_space<vmem_shared>> -> memref<10240x64xf32, #tpu.memory_space<vmem_shared>>
        tpu.wait_indirect_dma semaphore(%run_scoped3A_145 : memref<!tpu.dma_semaphore, #tpu.memory_space<semaphore_mem>>) src(%dma_wait3A_159 : memref<128x64xf32, #tpu.memory_space<vmem>>) dst(%dma_wait3A_165 : memref<10240x64xf32, #tpu.memory_space<vmem_shared>>)
        tpu.yield
      }) : () -> ()
      %add3A_118 = arith.constant 2 : i32
      %add3A_119 = arith.addi %add3A_106, %add3A_118 : i32
      %lt3A = arith.constant 80 : i32
      %lt3A_120 = arith.cmpi slt, %add3A_119, %lt3A : i32
      %convert_element_type3A_121 = arith.extui %lt3A_120 : i1 to i32
      %cond3A_122 = arith.constant 0 : i32
      %cond3A_123 = arith.cmpi ne, %convert_element_type3A_121, %cond3A_122 : i32
      scf.if %cond3A_123 {
        %add3A_145 = arith.constant 2 : i32
        %add3A_146 = arith.addi %add3A_106, %add3A_145 : i32
        %dma_start3A_147 = arith.constant 0 : i32
        %dma_start3A_148 = arith.constant 0 : i32
        %dma_start3A_149 = arith.constant 0 : i32
        %dma_start3A_150 = tpu.memref_slice %arg8[%dma_start3A_147, %dma_start3A_148, %dma_start3A_149] : memref<2x128x64xf32, #tpu.memory_space<vmem>> -> memref<1x128x64xf32, #tpu.memory_space<vmem>>
        %dma_start3A_151 = tpu.memref_squeeze %dma_start3A_150 : memref<1x128x64xf32, #tpu.memory_space<vmem>> -> memref<128x64xf32, #tpu.memory_space<vmem>>
        %dma_start3A_152 = arith.constant 0 : i32
        %dma_start3A_153 = tpu.memref_slice %arg6[%add3A_146, %dma_start3A_152] : memref<80x128xi32, #tpu.memory_space<vmem>> -> memref<1x128xi32, #tpu.memory_space<vmem>>
        %dma_start3A_154 = tpu.memref_squeeze %dma_start3A_153 : memref<1x128xi32, #tpu.memory_space<vmem>> -> memref<128xi32, #tpu.memory_space<vmem>>
        %dma_start3A_155 = arith.constant 0 : i32
        %dma_start3A_156 = arith.constant 0 : i32
        %dma_start3A_157 = tpu.memref_slice %arg10[%dma_start3A_155, %dma_start3A_156] : memref<10000x64xf32, #tpu.memory_space<vmem_shared>> -> memref<10000x64xf32, #tpu.memory_space<vmem_shared>>
        tpu.enqueue_indirect_dma source(%dma_start3A_157 : memref<10000x64xf32, #tpu.memory_space<vmem_shared>>) target(%dma_start3A_151 : memref<128x64xf32, #tpu.memory_space<vmem>>) offsets(%dma_start3A_154 : memref<128xi32, #tpu.memory_space<vmem>>) semaphore(%arg11 : memref<!tpu.dma_semaphore, #tpu.memory_space<semaphore_mem>>)
      } else {
      }
      %add3A_124 = arith.constant 1 : i32
      %add3A_125 = arith.addi %mul3A_104, %add3A_124 : i32
      %dma_wait3A_126 = arith.constant 1 : i32
      %dma_wait3A_127 = arith.constant 0 : i32
      %dma_wait3A_128 = arith.constant 0 : i32
      %dma_wait3A_129 = tpu.memref_slice %arg8[%dma_wait3A_126, %dma_wait3A_127, %dma_wait3A_128] : memref<2x128x64xf32, #tpu.memory_space<vmem>> -> memref<1x128x64xf32, #tpu.memory_space<vmem>>
      %dma_wait3A_130 = tpu.memref_squeeze %dma_wait3A_129 : memref<1x128x64xf32, #tpu.memory_space<vmem>> -> memref<128x64xf32, #tpu.memory_space<vmem>>
      %dma_wait3A_131 = arith.constant 0 : i32
      %dma_wait3A_132 = tpu.memref_slice %arg6[%add3A_125, %dma_wait3A_131] : memref<80x128xi32, #tpu.memory_space<vmem>> -> memref<1x128xi32, #tpu.memory_space<vmem>>
      %dma_wait3A_133 = tpu.memref_squeeze %dma_wait3A_132 : memref<1x128xi32, #tpu.memory_space<vmem>> -> memref<128xi32, #tpu.memory_space<vmem>>
      %dma_wait3A_134 = arith.constant 0 : i32
      %dma_wait3A_135 = arith.constant 0 : i32
      %dma_wait3A_136 = tpu.memref_slice %arg10[%dma_wait3A_134, %dma_wait3A_135] : memref<10000x64xf32, #tpu.memory_space<vmem_shared>> -> memref<10000x64xf32, #tpu.memory_space<vmem_shared>>
      tpu.wait_indirect_dma semaphore(%arg12 : memref<!tpu.dma_semaphore, #tpu.memory_space<semaphore_mem>>) src(%dma_wait3A_136 : memref<10000x64xf32, #tpu.memory_space<vmem_shared>>) dst(%dma_wait3A_130 : memref<128x64xf32, #tpu.memory_space<vmem>>)
      %run_scoped3A_137 = arith.constant 1 : i32
      "tpu.region"() ({
        %run_scoped3A_145 = tpu.sem_alloc : memref<!tpu.dma_semaphore, #tpu.memory_space<semaphore_mem>>
        %dma_start3A_146 = arith.constant 0 : i32
        %dma_start3A_147 = arith.constant 0 : i32
        %dma_start3A_148 = tpu.memref_slice %arg8[%run_scoped3A_137, %dma_start3A_146, %dma_start3A_147] : memref<2x128x64xf32, #tpu.memory_space<vmem>> -> memref<1x128x64xf32, #tpu.memory_space<vmem>>
        %dma_start3A_149 = tpu.memref_squeeze %dma_start3A_148 : memref<1x128x64xf32, #tpu.memory_space<vmem>> -> memref<128x64xf32, #tpu.memory_space<vmem>>
        %dma_start3A_150 = arith.constant 0 : i32
        %dma_start3A_151 = tpu.memref_slice %arg7[%add3A_125, %dma_start3A_150] : memref<80x128xi32, #tpu.memory_space<vmem>> -> memref<1x128xi32, #tpu.memory_space<vmem>>
        %dma_start3A_152 = tpu.memref_squeeze %dma_start3A_151 : memref<1x128xi32, #tpu.memory_space<vmem>> -> memref<128xi32, #tpu.memory_space<vmem>>
        %dma_start3A_153 = arith.constant 0 : i32
        %dma_start3A_154 = arith.constant 0 : i32
        %dma_start3A_155 = tpu.memref_slice %arg9[%dma_start3A_153, %dma_start3A_154] : memref<10240x64xf32, #tpu.memory_space<vmem_shared>> -> memref<10240x64xf32, #tpu.memory_space<vmem_shared>>
        tpu.enqueue_indirect_dma source(%dma_start3A_149 : memref<128x64xf32, #tpu.memory_space<vmem>>) target(%dma_start3A_155 : memref<10240x64xf32, #tpu.memory_space<vmem_shared>>) offsets(%dma_start3A_152 : memref<128xi32, #tpu.memory_space<vmem>>) semaphore(%run_scoped3A_145 : memref<!tpu.dma_semaphore, #tpu.memory_space<semaphore_mem>>) {add = true}
        %dma_wait3A_156 = arith.constant 0 : i32
        %dma_wait3A_157 = arith.constant 0 : i32
        %dma_wait3A_158 = tpu.memref_slice %arg8[%run_scoped3A_137, %dma_wait3A_156, %dma_wait3A_157] : memref<2x128x64xf32, #tpu.memory_space<vmem>> -> memref<1x128x64xf32, #tpu.memory_space<vmem>>
        %dma_wait3A_159 = tpu.memref_squeeze %dma_wait3A_158 : memref<1x128x64xf32, #tpu.memory_space<vmem>> -> memref<128x64xf32, #tpu.memory_space<vmem>>
        %dma_wait3A_160 = arith.constant 0 : i32
        %dma_wait3A_161 = tpu.memref_slice %arg7[%add3A_125, %dma_wait3A_160] : memref<80x128xi32, #tpu.memory_space<vmem>> -> memref<1x128xi32, #tpu.memory_space<vmem>>
        %dma_wait3A_162 = tpu.memref_squeeze %dma_wait3A_161 : memref<1x128xi32, #tpu.memory_space<vmem>> -> memref<128xi32, #tpu.memory_space<vmem>>
        %dma_wait3A_163 = arith.constant 0 : i32
        %dma_wait3A_164 = arith.constant 0 : i32
        %dma_wait3A_165 = tpu.memref_slice %arg9[%dma_wait3A_163, %dma_wait3A_164] : memref<10240x64xf32, #tpu.memory_space<vmem_shared>> -> memref<10240x64xf32, #tpu.memory_space<vmem_shared>>
        tpu.wait_indirect_dma semaphore(%run_scoped3A_145 : memref<!tpu.dma_semaphore, #tpu.memory_space<semaphore_mem>>) src(%dma_wait3A_159 : memref<128x64xf32, #tpu.memory_space<vmem>>) dst(%dma_wait3A_165 : memref<10240x64xf32, #tpu.memory_space<vmem_shared>>)
        tpu.yield
      }) : () -> ()
      %add3A_138 = arith.constant 2 : i32
      %add3A_139 = arith.addi %add3A_125, %add3A_138 : i32
      %lt3A_140 = arith.constant 80 : i32
      %lt3A_141 = arith.cmpi slt, %add3A_139, %lt3A_140 : i32
      %convert_element_type3A_142 = arith.extui %lt3A_141 : i1 to i32
      %cond3A_143 = arith.constant 0 : i32
      %cond3A_144 = arith.cmpi ne, %convert_element_type3A_142, %cond3A_143 : i32
      scf.if %cond3A_144 {
        %add3A_145 = arith.constant 2 : i32
        %add3A_146 = arith.addi %add3A_125, %add3A_145 : i32
        %dma_start3A_147 = arith.constant 1 : i32
        %dma_start3A_148 = arith.constant 0 : i32
        %dma_start3A_149 = arith.constant 0 : i32
        %dma_start3A_150 = tpu.memref_slice %arg8[%dma_start3A_147, %dma_start3A_148, %dma_start3A_149] : memref<2x128x64xf32, #tpu.memory_space<vmem>> -> memref<1x128x64xf32, #tpu.memory_space<vmem>>
        %dma_start3A_151 = tpu.memref_squeeze %dma_start3A_150 : memref<1x128x64xf32, #tpu.memory_space<vmem>> -> memref<128x64xf32, #tpu.memory_space<vmem>>
        %dma_start3A_152 = arith.constant 0 : i32
        %dma_start3A_153 = tpu.memref_slice %arg6[%add3A_146, %dma_start3A_152] : memref<80x128xi32, #tpu.memory_space<vmem>> -> memref<1x128xi32, #tpu.memory_space<vmem>>
        %dma_start3A_154 = tpu.memref_squeeze %dma_start3A_153 : memref<1x128xi32, #tpu.memory_space<vmem>> -> memref<128xi32, #tpu.memory_space<vmem>>
        %dma_start3A_155 = arith.constant 0 : i32
        %dma_start3A_156 = arith.constant 0 : i32
        %dma_start3A_157 = tpu.memref_slice %arg10[%dma_start3A_155, %dma_start3A_156] : memref<10000x64xf32, #tpu.memory_space<vmem_shared>> -> memref<10000x64xf32, #tpu.memory_space<vmem_shared>>
        tpu.enqueue_indirect_dma source(%dma_start3A_157 : memref<10000x64xf32, #tpu.memory_space<vmem_shared>>) target(%dma_start3A_151 : memref<128x64xf32, #tpu.memory_space<vmem>>) offsets(%dma_start3A_154 : memref<128xi32, #tpu.memory_space<vmem>>) semaphore(%arg12 : memref<!tpu.dma_semaphore, #tpu.memory_space<semaphore_mem>>)
      } else {
      }
    }
    %scan3A_91 = arith.constant 40 : i32
    %barrier3A_92 = arith.constant 0 : index
    tpu.barrier barrier_id(%barrier3A_92)
    %mul3A_93 = arith.constant 624 : i32
    %mul3A_94 = arith.muli %arg1, %mul3A_93 : i32
    %mul3A_95 = arith.constant 624 : i32
    %mul3A_96 = arith.muli %arg1, %mul3A_95 : i32
    "tpu.region"() ({
      %run_scoped3A_102 = tpu.sem_alloc : memref<!tpu.dma_semaphore, #tpu.memory_space<semaphore_mem>>
      %dma_start3A_103 = arith.constant 0 : i32
      %dma_start3A_104 = tpu.memref_slice %arg5[%arg0, %mul3A_96, %dma_start3A_103] : memref<2x10000x64xf32, #tpu.memory_space<hbm>> -> memref<1x624x64xf32, #tpu.memory_space<hbm>>
      %dma_start3A_105 = tpu.memref_squeeze %dma_start3A_104 : memref<1x624x64xf32, #tpu.memory_space<hbm>> -> memref<624x64xf32, #tpu.memory_space<hbm>>
      %dma_start3A_106 = arith.constant 0 : i32
      %dma_start3A_107 = tpu.memref_slice %arg9[%mul3A_94, %dma_start3A_106] : memref<10240x64xf32, #tpu.memory_space<vmem_shared>> -> memref<624x64xf32, #tpu.memory_space<vmem_shared>>
      tpu.enqueue_dma source(%dma_start3A_107 : memref<624x64xf32, #tpu.memory_space<vmem_shared>>) target(%dma_start3A_105 : memref<624x64xf32, #tpu.memory_space<hbm>>) target_semaphore(%run_scoped3A_102 : memref<!tpu.dma_semaphore, #tpu.memory_space<semaphore_mem>>)
      %dma_wait3A = arith.constant 0 : i32
      %dma_wait3A_108 = tpu.memref_slice %arg5[%arg0, %mul3A_96, %dma_wait3A] : memref<2x10000x64xf32, #tpu.memory_space<hbm>> -> memref<1x624x64xf32, #tpu.memory_space<hbm>>
      %dma_wait3A_109 = tpu.memref_squeeze %dma_wait3A_108 : memref<1x624x64xf32, #tpu.memory_space<hbm>> -> memref<624x64xf32, #tpu.memory_space<hbm>>
      %dma_wait3A_110 = arith.constant 0 : i32
      %dma_wait3A_111 = tpu.memref_slice %arg9[%mul3A_94, %dma_wait3A_110] : memref<10240x64xf32, #tpu.memory_space<vmem_shared>> -> memref<624x64xf32, #tpu.memory_space<vmem_shared>>
      tpu.wait_dma2 semaphore(%run_scoped3A_102 : memref<!tpu.dma_semaphore, #tpu.memory_space<semaphore_mem>>) src(%dma_wait3A_111 : memref<624x64xf32, #tpu.memory_space<vmem_shared>>) dst(%dma_wait3A_109 : memref<624x64xf32, #tpu.memory_space<hbm>>)
      tpu.yield
    }) : () -> ()
    %eq3A_97 = arith.constant 15 : i32
    %eq3A_98 = arith.cmpi eq, %arg1, %eq3A_97 : i32
    %convert_element_type3A_99 = arith.extui %eq3A_98 : i1 to i32
    %cond3A_100 = arith.constant 0 : i32
    %cond3A_101 = arith.cmpi ne, %convert_element_type3A_99, %cond3A_100 : i32
    scf.if %cond3A_101 {
      "tpu.region"() ({
        %run_scoped3A_102 = tpu.sem_alloc : memref<!tpu.dma_semaphore, #tpu.memory_space<semaphore_mem>>
        %dma_start3A_103 = arith.constant 9984 : i32
        %dma_start3A_104 = arith.constant 0 : i32
        %dma_start3A_105 = tpu.memref_slice %arg5[%arg0, %dma_start3A_103, %dma_start3A_104] : memref<2x10000x64xf32, #tpu.memory_space<hbm>> -> memref<1x16x64xf32, #tpu.memory_space<hbm>>
        %dma_start3A_106 = tpu.memref_squeeze %dma_start3A_105 : memref<1x16x64xf32, #tpu.memory_space<hbm>> -> memref<16x64xf32, #tpu.memory_space<hbm>>
        %dma_start3A_107 = arith.constant 9984 : i32
        %dma_start3A_108 = arith.constant 0 : i32
        %dma_start3A_109 = tpu.memref_slice %arg9[%dma_start3A_107, %dma_start3A_108] : memref<10240x64xf32, #tpu.memory_space<vmem_shared>> -> memref<16x64xf32, #tpu.memory_space<vmem_shared>>
        tpu.enqueue_dma source(%dma_start3A_109 : memref<16x64xf32, #tpu.memory_space<vmem_shared>>) target(%dma_start3A_106 : memref<16x64xf32, #tpu.memory_space<hbm>>) target_semaphore(%run_scoped3A_102 : memref<!tpu.dma_semaphore, #tpu.memory_space<semaphore_mem>>)
        %dma_wait3A = arith.constant 9984 : i32
        %dma_wait3A_110 = arith.constant 0 : i32
        %dma_wait3A_111 = tpu.memref_slice %arg5[%arg0, %dma_wait3A, %dma_wait3A_110] : memref<2x10000x64xf32, #tpu.memory_space<hbm>> -> memref<1x16x64xf32, #tpu.memory_space<hbm>>
        %dma_wait3A_112 = tpu.memref_squeeze %dma_wait3A_111 : memref<1x16x64xf32, #tpu.memory_space<hbm>> -> memref<16x64xf32, #tpu.memory_space<hbm>>
        %dma_wait3A_113 = arith.constant 9984 : i32
        %dma_wait3A_114 = arith.constant 0 : i32
        %dma_wait3A_115 = tpu.memref_slice %arg9[%dma_wait3A_113, %dma_wait3A_114] : memref<10240x64xf32, #tpu.memory_space<vmem_shared>> -> memref<16x64xf32, #tpu.memory_space<vmem_shared>>
        tpu.wait_dma2 semaphore(%run_scoped3A_102 : memref<!tpu.dma_semaphore, #tpu.memory_space<semaphore_mem>>) src(%dma_wait3A_115 : memref<16x64xf32, #tpu.memory_space<vmem_shared>>) dst(%dma_wait3A_112 : memref<16x64xf32, #tpu.memory_space<hbm>>)
        tpu.yield
      }) : () -> ()
    } else {
    }
    return
  }
}

#map = affine_map<(d0, d1) -> (0, 0)>
#map1 = affine_map<(d0, d1) -> (0, 0, 0)>
module attributes {stable_mosaic.version = 14 : i64} {
  func.func @body(%arg0: i32, %arg1: i32, %arg2: memref<10000x64xf32, #tpu.memory_space<hbm>>, %arg3: memref<32x80x128xi32, #tpu.memory_space<hbm>>, %arg4: memref<32x80x128xi32, #tpu.memory_space<hbm>>, %arg5: memref<2x10000x64xf32, #tpu.memory_space<hbm>>, %arg6: memref<80x128xi32, #tpu.memory_space<vmem>>, %arg7: memref<80x128xi32, #tpu.memory_space<vmem>>, %arg8: memref<2x128x64xf32, #tpu.memory_space<vmem>>, %arg9: memref<10240x64xf32, #tpu.memory_space<vmem_shared>>, %arg10: memref<10000x64xf32, #tpu.memory_space<vmem_shared>>, %arg11: memref<!tpu.dma_semaphore, #tpu.memory_space<semaphore_mem>>, %arg12: memref<!tpu.dma_semaphore, #tpu.memory_space<semaphore_mem>>) attributes {dimension_semantics = [#tpu.dimension_semantics<core_parallel>, #tpu.dimension_semantics<subcore_parallel>], iteration_bounds = array<i64: 2, 16>, scalar_prefetch = 0 : i64, scratch_operands = 7 : i64, tpu.core_type = #tpu.core_type<sc_vector_subcore>, window_params = [{transform_indices = #map}, {transform_indices = #map1}, {transform_indices = #map1}, {transform_indices = #map1}]} {
    %mul3A = arith.constant 16 : i32
    %mul3A_0 = arith.muli %arg0, %mul3A : i32
    %add3A = arith.addi %mul3A_0, %arg1 : i32
    %mul3A_1 = arith.constant 624 : i32
    %mul3A_2 = arith.muli %arg1, %mul3A_1 : i32
    %mul3A_3 = arith.constant 624 : i32
    %mul3A_4 = arith.muli %arg1, %mul3A_3 : i32
    "tpu.region"() ({
      %run_scoped3A_75 = tpu.sem_alloc : memref<!tpu.dma_semaphore, #tpu.memory_space<semaphore_mem>>
      %dma_start3A_76 = arith.constant 0 : i32
      %dma_start3A_77 = tpu.memref_slice %arg10[%mul3A_4, %dma_start3A_76] : memref<10000x64xf32, #tpu.memory_space<vmem_shared>> -> memref<624x64xf32, #tpu.memory_space<vmem_shared>>
      %dma_start3A_78 = arith.constant 0 : i32
      %dma_start3A_79 = tpu.memref_slice %arg2[%mul3A_2, %dma_start3A_78] : memref<10000x64xf32, #tpu.memory_space<hbm>> -> memref<624x64xf32, #tpu.memory_space<hbm>>
      tpu.enqueue_dma source(%dma_start3A_79 : memref<624x64xf32, #tpu.memory_space<hbm>>) target(%dma_start3A_77 : memref<624x64xf32, #tpu.memory_space<vmem_shared>>) target_semaphore(%run_scoped3A_75 : memref<!tpu.dma_semaphore, #tpu.memory_space<semaphore_mem>>)
      %dma_wait3A = arith.constant 0 : i32
      %dma_wait3A_80 = tpu.memref_slice %arg10[%mul3A_4, %dma_wait3A] : memref<10000x64xf32, #tpu.memory_space<vmem_shared>> -> memref<624x64xf32, #tpu.memory_space<vmem_shared>>
      %dma_wait3A_81 = arith.constant 0 : i32
      %dma_wait3A_82 = tpu.memref_slice %arg2[%mul3A_2, %dma_wait3A_81] : memref<10000x64xf32, #tpu.memory_space<hbm>> -> memref<624x64xf32, #tpu.memory_space<hbm>>
      tpu.wait_dma2 semaphore(%run_scoped3A_75 : memref<!tpu.dma_semaphore, #tpu.memory_space<semaphore_mem>>) src(%dma_wait3A_82 : memref<624x64xf32, #tpu.memory_space<hbm>>) dst(%dma_wait3A_80 : memref<624x64xf32, #tpu.memory_space<vmem_shared>>)
      tpu.yield
    }) : () -> ()
    %eq3A = arith.constant 15 : i32
    %eq3A_5 = arith.cmpi eq, %arg1, %eq3A : i32
    %convert_element_type3A = arith.extui %eq3A_5 : i1 to i32
    %cond3A = arith.constant 0 : i32
    %cond3A_6 = arith.cmpi ne, %convert_element_type3A, %cond3A : i32
    scf.if %cond3A_6 {
      "tpu.region"() ({
        %run_scoped3A_75 = tpu.sem_alloc : memref<!tpu.dma_semaphore, #tpu.memory_space<semaphore_mem>>
        %dma_start3A_76 = arith.constant 9984 : i32
        %dma_start3A_77 = arith.constant 0 : i32
        %dma_start3A_78 = tpu.memref_slice %arg10[%dma_start3A_76, %dma_start3A_77] : memref<10000x64xf32, #tpu.memory_space<vmem_shared>> -> memref<16x64xf32, #tpu.memory_space<vmem_shared>>
        %dma_start3A_79 = arith.constant 9984 : i32
        %dma_start3A_80 = arith.constant 0 : i32
        %dma_start3A_81 = tpu.memref_slice %arg2[%dma_start3A_79, %dma_start3A_80] : memref<10000x64xf32, #tpu.memory_space<hbm>> -> memref<16x64xf32, #tpu.memory_space<hbm>>
        tpu.enqueue_dma source(%dma_start3A_81 : memref<16x64xf32, #tpu.memory_space<hbm>>) target(%dma_start3A_78 : memref<16x64xf32, #tpu.memory_space<vmem_shared>>) target_semaphore(%run_scoped3A_75 : memref<!tpu.dma_semaphore, #tpu.memory_space<semaphore_mem>>)
        %dma_wait3A = arith.constant 9984 : i32
        %dma_wait3A_82 = arith.constant 0 : i32
        %dma_wait3A_83 = tpu.memref_slice %arg10[%dma_wait3A, %dma_wait3A_82] : memref<10000x64xf32, #tpu.memory_space<vmem_shared>> -> memref<16x64xf32, #tpu.memory_space<vmem_shared>>
        %dma_wait3A_84 = arith.constant 9984 : i32
        %dma_wait3A_85 = arith.constant 0 : i32
        %dma_wait3A_86 = tpu.memref_slice %arg2[%dma_wait3A_84, %dma_wait3A_85] : memref<10000x64xf32, #tpu.memory_space<hbm>> -> memref<16x64xf32, #tpu.memory_space<hbm>>
        tpu.wait_dma2 semaphore(%run_scoped3A_75 : memref<!tpu.dma_semaphore, #tpu.memory_space<semaphore_mem>>) src(%dma_wait3A_86 : memref<16x64xf32, #tpu.memory_space<hbm>>) dst(%dma_wait3A_83 : memref<16x64xf32, #tpu.memory_space<vmem_shared>>)
        tpu.yield
      }) : () -> ()
    } else {
    }
    %scan3A = arith.constant 0 : i32
    %scan3A_7 = arith.constant 0 : i32
    %scan3A_8 = arith.constant 512 : i32
    %scan3A_9 = arith.addi %scan3A_7, %scan3A_8 : i32
    %scan3A_10 = arith.constant 1 : i32
    scf.for %scan3A_75 = %scan3A_7 to %scan3A_9 step %scan3A_10  : i32 {
      %jit3A = arith.constant 4 : i32
      %div3A = arith.divsi %scan3A_75, %jit3A : i32
      %sign3A = arith.constant 0 : i32
      %sign3A_76 = arith.cmpi sgt, %scan3A_75, %sign3A : i32
      %sign3A_77 = arith.extui %sign3A_76 : i1 to i32
      %sign3A_78 = arith.constant 0 : i32
      %sign3A_79 = arith.cmpi slt, %scan3A_75, %sign3A_78 : i32
      %sign3A_80 = arith.extui %sign3A_79 : i1 to i32
      %sign3A_81 = arith.subi %sign3A_77, %sign3A_80 : i32
      %sign3A_82 = arith.constant 0 : i32
      %sign3A_83 = arith.cmpi sgt, %jit3A, %sign3A_82 : i32
      %sign3A_84 = arith.extui %sign3A_83 : i1 to i32
      %sign3A_85 = arith.constant 0 : i32
      %sign3A_86 = arith.cmpi slt, %jit3A, %sign3A_85 : i32
      %sign3A_87 = arith.extui %sign3A_86 : i1 to i32
      %sign3A_88 = arith.subi %sign3A_84, %sign3A_87 : i32
      %ne3A = arith.cmpi ne, %sign3A_81, %sign3A_88 : i32
      %rem3A = arith.remsi %scan3A_75, %jit3A : i32
      %ne3A_89 = arith.constant 0 : i32
      %ne3A_90 = arith.cmpi ne, %rem3A, %ne3A_89 : i32
      %and3A = arith.andi %ne3A, %ne3A_90 : i1
      %sub3A = arith.constant 1 : i32
      %sub3A_91 = arith.subi %div3A, %sub3A : i32
      %select_n3A = arith.select %and3A, %sub3A_91, %div3A : i32
      %jit3A_92 = arith.constant 4 : i32
      %eq3A_93 = arith.constant 0 : i32
      %eq3A_94 = arith.cmpi eq, %jit3A_92, %eq3A_93 : i32
      %jit3A_95 = arith.constant 1 : i32
      %select_n3A_96 = arith.select %eq3A_94, %jit3A_95, %jit3A_92 : i32
      %rem3A_97 = arith.remsi %scan3A_75, %select_n3A_96 : i32
      %ne3A_98 = arith.constant 0 : i32
      %ne3A_99 = arith.cmpi ne, %rem3A_97, %ne3A_98 : i32
      %lt3A = arith.constant 0 : i32
      %lt3A_100 = arith.cmpi slt, %rem3A_97, %lt3A : i32
      %lt3A_101 = arith.constant 0 : i32
      %lt3A_102 = arith.cmpi slt, %select_n3A_96, %lt3A_101 : i32
      %ne3A_103 = arith.xori %lt3A_100, %lt3A_102 : i1
      %and3A_104 = arith.andi %ne3A_103, %ne3A_99 : i1
      %add3A_105 = arith.addi %rem3A_97, %select_n3A_96 : i32
      %select_n3A_106 = arith.select %and3A_104, %add3A_105, %rem3A_97 : i32
      %mul3A_107 = arith.constant 16 : i32
      %mul3A_108 = arith.muli %select_n3A_106, %mul3A_107 : i32
      %broadcast_in_dim3A = arith.constant 0.000000e+00 : f32
      %broadcast_in_dim3A_109 = vector.broadcast %broadcast_in_dim3A : f32 to vector<16xf32>
      %swap3A = arith.constant 0 : i32
      %swap3A_110 = arith.index_cast %swap3A : i32 to index
      %swap3A_111 = arith.index_cast %select_n3A : i32 to index
      %swap3A_112 = arith.index_cast %mul3A_108 : i32 to index
      %swap3A_113 = tpu.vector_load %arg8[%swap3A_110, %swap3A_111, %swap3A_112] {strides = array<i32>} : memref<2x128x64xf32, #tpu.memory_space<vmem>>, vector<1x1x16xf32>,
      %swap3A_114 = vector.shape_cast %swap3A_113 : vector<1x1x16xf32> to vector<16xf32>
      %swap3A_115 = vector.shape_cast %broadcast_in_dim3A_109 : vector<16xf32> to vector<1x1x16xf32>
      tpu.vector_store %arg8[%swap3A_110, %swap3A_111, %swap3A_112], %swap3A_115 {strides = array<i32>} : memref<2x128x64xf32, #tpu.memory_space<vmem>>, vector<1x1x16xf32>,
    }
    %scan3A_11 = arith.constant 512 : i32
    %mul3A_12 = arith.constant 640 : i32
    %mul3A_13 = arith.muli %arg1, %mul3A_12 : i32
    %add3A_14 = arith.constant 0 : i32
    %add3A_15 = arith.addi %mul3A_13, %add3A_14 : i32
    %run_scoped3A = arith.constant 0 : i32
    "tpu.region"() ({
      %run_scoped3A_75 = tpu.sem_alloc : memref<!tpu.dma_semaphore, #tpu.memory_space<semaphore_mem>>
      %dma_start3A_76 = arith.constant 0 : i32
      %dma_start3A_77 = arith.constant 0 : i32
      %dma_start3A_78 = tpu.memref_slice %arg8[%run_scoped3A, %dma_start3A_76, %dma_start3A_77] : memref<2x128x64xf32, #tpu.memory_space<vmem>> -> memref<1x128x64xf32, #tpu.memory_space<vmem>>
      %dma_start3A_79 = tpu.memref_squeeze %dma_start3A_78 : memref<1x128x64xf32, #tpu.memory_space<vmem>> -> memref<128x64xf32, #tpu.memory_space<vmem>>
      %dma_start3A_80 = arith.constant 0 : i32
      %dma_start3A_81 = tpu.memref_slice %arg9[%add3A_15, %dma_start3A_80] : memref<10240x64xf32, #tpu.memory_space<vmem_shared>> -> memref<128x64xf32, #tpu.memory_space<vmem_shared>>
      %dma_start3A_82 = arith.constant 0 : i32
      %dma_start3A_83 = tpu.memref_slice %arg9[%add3A_15, %dma_start3A_82] : memref<10240x64xf32, #tpu.memory_space<vmem_shared>> -> memref<128x64xf32, #tpu.memory_space<vmem_shared>>
      %dma_start3A_84 = arith.constant 0 : i32
      %dma_start3A_85 = arith.constant 0 : i32
      %dma_start3A_86 = tpu.memref_slice %arg8[%run_scoped3A, %dma_start3A_84, %dma_start3A_85] : memref<2x128x64xf32, #tpu.memory_space<vmem>> -> memref<1x128x64xf32, #tpu.memory_space<vmem>>
      %dma_start3A_87 = tpu.memref_squeeze %dma_start3A_86 : memref<1x128x64xf32, #tpu.memory_space<vmem>> -> memref<128x64xf32, #tpu.memory_space<vmem>>
      tpu.enqueue_dma source(%dma_start3A_87 : memref<128x64xf32, #tpu.memory_space<vmem>>) target(%dma_start3A_83 : memref<128x64xf32, #tpu.memory_space<vmem_shared>>) target_semaphore(%run_scoped3A_75 : memref<!tpu.dma_semaphore, #tpu.memory_space<semaphore_mem>>)
      %dma_wait3A = arith.constant 0 : i32
      %dma_wait3A_88 = arith.constant 0 : i32
      %dma_wait3A_89 = tpu.memref_slice %arg8[%run_scoped3A, %dma_wait3A, %dma_wait3A_88] : memref<2x128x64xf32, #tpu.memory_space<vmem>> -> memref<1x128x64xf32, #tpu.memory_space<vmem>>
      %dma_wait3A_90 = tpu.memref_squeeze %dma_wait3A_89 : memref<1x128x64xf32, #tpu.memory_space<vmem>> -> memref<128x64xf32, #tpu.memory_space<vmem>>
      %dma_wait3A_91 = arith.constant 0 : i32
      %dma_wait3A_92 = tpu.memref_slice %arg9[%add3A_15, %dma_wait3A_91] : memref<10240x64xf32, #tpu.memory_space<vmem_shared>> -> memref<128x64xf32, #tpu.memory_space<vmem_shared>>
      %dma_wait3A_93 = arith.constant 0 : i32
      %dma_wait3A_94 = tpu.memref_slice %arg9[%add3A_15, %dma_wait3A_93] : memref<10240x64xf32, #tpu.memory_space<vmem_shared>> -> memref<128x64xf32, #tpu.memory_space<vmem_shared>>
      %dma_wait3A_95 = arith.constant 0 : i32
      %dma_wait3A_96 = arith.constant 0 : i32
      %dma_wait3A_97 = tpu.memref_slice %arg8[%run_scoped3A, %dma_wait3A_95, %dma_wait3A_96] : memref<2x128x64xf32, #tpu.memory_space<vmem>> -> memref<1x128x64xf32, #tpu.memory_space<vmem>>
      %dma_wait3A_98 = tpu.memref_squeeze %dma_wait3A_97 : memref<1x128x64xf32, #tpu.memory_space<vmem>> -> memref<128x64xf32, #tpu.memory_space<vmem>>
      tpu.wait_dma2 semaphore(%run_scoped3A_75 : memref<!tpu.dma_semaphore, #tpu.memory_space<semaphore_mem>>) src(%dma_wait3A_98 : memref<128x64xf32, #tpu.memory_space<vmem>>) dst(%dma_wait3A_94 : memref<128x64xf32, #tpu.memory_space<vmem_shared>>)
      tpu.yield
    }) : () -> ()
    %mul3A_16 = arith.constant 640 : i32
    %mul3A_17 = arith.muli %arg1, %mul3A_16 : i32
    %add3A_18 = arith.constant 128 : i32
    %add3A_19 = arith.addi %mul3A_17, %add3A_18 : i32
    %run_scoped3A_20 = arith.constant 0 : i32
    "tpu.region"() ({
      %run_scoped3A_75 = tpu.sem_alloc : memref<!tpu.dma_semaphore, #tpu.memory_space<semaphore_mem>>
      %dma_start3A_76 = arith.constant 0 : i32
      %dma_start3A_77 = arith.constant 0 : i32
      %dma_start3A_78 = tpu.memref_slice %arg8[%run_scoped3A_20, %dma_start3A_76, %dma_start3A_77] : memref<2x128x64xf32, #tpu.memory_space<vmem>> -> memref<1x128x64xf32, #tpu.memory_space<vmem>>
      %dma_start3A_79 = tpu.memref_squeeze %dma_start3A_78 : memref<1x128x64xf32, #tpu.memory_space<vmem>> -> memref<128x64xf32, #tpu.memory_space<vmem>>
      %dma_start3A_80 = arith.constant 0 : i32
      %dma_start3A_81 = tpu.memref_slice %arg9[%add3A_19, %dma_start3A_80] : memref<10240x64xf32, #tpu.memory_space<vmem_shared>> -> memref<128x64xf32, #tpu.memory_space<vmem_shared>>
      %dma_start3A_82 = arith.constant 0 : i32
      %dma_start3A_83 = tpu.memref_slice %arg9[%add3A_19, %dma_start3A_82] : memref<10240x64xf32, #tpu.memory_space<vmem_shared>> -> memref<128x64xf32, #tpu.memory_space<vmem_shared>>
      %dma_start3A_84 = arith.constant 0 : i32
      %dma_start3A_85 = arith.constant 0 : i32
      %dma_start3A_86 = tpu.memref_slice %arg8[%run_scoped3A_20, %dma_start3A_84, %dma_start3A_85] : memref<2x128x64xf32, #tpu.memory_space<vmem>> -> memref<1x128x64xf32, #tpu.memory_space<vmem>>
      %dma_start3A_87 = tpu.memref_squeeze %dma_start3A_86 : memref<1x128x64xf32, #tpu.memory_space<vmem>> -> memref<128x64xf32, #tpu.memory_space<vmem>>
      tpu.enqueue_dma source(%dma_start3A_87 : memref<128x64xf32, #tpu.memory_space<vmem>>) target(%dma_start3A_83 : memref<128x64xf32, #tpu.memory_space<vmem_shared>>) target_semaphore(%run_scoped3A_75 : memref<!tpu.dma_semaphore, #tpu.memory_space<semaphore_mem>>)
      %dma_wait3A = arith.constant 0 : i32
      %dma_wait3A_88 = arith.constant 0 : i32
      %dma_wait3A_89 = tpu.memref_slice %arg8[%run_scoped3A_20, %dma_wait3A, %dma_wait3A_88] : memref<2x128x64xf32, #tpu.memory_space<vmem>> -> memref<1x128x64xf32, #tpu.memory_space<vmem>>
      %dma_wait3A_90 = tpu.memref_squeeze %dma_wait3A_89 : memref<1x128x64xf32, #tpu.memory_space<vmem>> -> memref<128x64xf32, #tpu.memory_space<vmem>>
      %dma_wait3A_91 = arith.constant 0 : i32
      %dma_wait3A_92 = tpu.memref_slice %arg9[%add3A_19, %dma_wait3A_91] : memref<10240x64xf32, #tpu.memory_space<vmem_shared>> -> memref<128x64xf32, #tpu.memory_space<vmem_shared>>
      %dma_wait3A_93 = arith.constant 0 : i32
      %dma_wait3A_94 = tpu.memref_slice %arg9[%add3A_19, %dma_wait3A_93] : memref<10240x64xf32, #tpu.memory_space<vmem_shared>> -> memref<128x64xf32, #tpu.memory_space<vmem_shared>>
      %dma_wait3A_95 = arith.constant 0 : i32
      %dma_wait3A_96 = arith.constant 0 : i32
      %dma_wait3A_97 = tpu.memref_slice %arg8[%run_scoped3A_20, %dma_wait3A_95, %dma_wait3A_96] : memref<2x128x64xf32, #tpu.memory_space<vmem>> -> memref<1x128x64xf32, #tpu.memory_space<vmem>>
      %dma_wait3A_98 = tpu.memref_squeeze %dma_wait3A_97 : memref<1x128x64xf32, #tpu.memory_space<vmem>> -> memref<128x64xf32, #tpu.memory_space<vmem>>
      tpu.wait_dma2 semaphore(%run_scoped3A_75 : memref<!tpu.dma_semaphore, #tpu.memory_space<semaphore_mem>>) src(%dma_wait3A_98 : memref<128x64xf32, #tpu.memory_space<vmem>>) dst(%dma_wait3A_94 : memref<128x64xf32, #tpu.memory_space<vmem_shared>>)
      tpu.yield
    }) : () -> ()
    %mul3A_21 = arith.constant 640 : i32
    %mul3A_22 = arith.muli %arg1, %mul3A_21 : i32
    %add3A_23 = arith.constant 256 : i32
    %add3A_24 = arith.addi %mul3A_22, %add3A_23 : i32
    %run_scoped3A_25 = arith.constant 0 : i32
    "tpu.region"() ({
      %run_scoped3A_75 = tpu.sem_alloc : memref<!tpu.dma_semaphore, #tpu.memory_space<semaphore_mem>>
      %dma_start3A_76 = arith.constant 0 : i32
      %dma_start3A_77 = arith.constant 0 : i32
      %dma_start3A_78 = tpu.memref_slice %arg8[%run_scoped3A_25, %dma_start3A_76, %dma_start3A_77] : memref<2x128x64xf32, #tpu.memory_space<vmem>> -> memref<1x128x64xf32, #tpu.memory_space<vmem>>
      %dma_start3A_79 = tpu.memref_squeeze %dma_start3A_78 : memref<1x128x64xf32, #tpu.memory_space<vmem>> -> memref<128x64xf32, #tpu.memory_space<vmem>>
      %dma_start3A_80 = arith.constant 0 : i32
      %dma_start3A_81 = tpu.memref_slice %arg9[%add3A_24, %dma_start3A_80] : memref<10240x64xf32, #tpu.memory_space<vmem_shared>> -> memref<128x64xf32, #tpu.memory_space<vmem_shared>>
      %dma_start3A_82 = arith.constant 0 : i32
      %dma_start3A_83 = tpu.memref_slice %arg9[%add3A_24, %dma_start3A_82] : memref<10240x64xf32, #tpu.memory_space<vmem_shared>> -> memref<128x64xf32, #tpu.memory_space<vmem_shared>>
      %dma_start3A_84 = arith.constant 0 : i32
      %dma_start3A_85 = arith.constant 0 : i32
      %dma_start3A_86 = tpu.memref_slice %arg8[%run_scoped3A_25, %dma_start3A_84, %dma_start3A_85] : memref<2x128x64xf32, #tpu.memory_space<vmem>> -> memref<1x128x64xf32, #tpu.memory_space<vmem>>
      %dma_start3A_87 = tpu.memref_squeeze %dma_start3A_86 : memref<1x128x64xf32, #tpu.memory_space<vmem>> -> memref<128x64xf32, #tpu.memory_space<vmem>>
      tpu.enqueue_dma source(%dma_start3A_87 : memref<128x64xf32, #tpu.memory_space<vmem>>) target(%dma_start3A_83 : memref<128x64xf32, #tpu.memory_space<vmem_shared>>) target_semaphore(%run_scoped3A_75 : memref<!tpu.dma_semaphore, #tpu.memory_space<semaphore_mem>>)
      %dma_wait3A = arith.constant 0 : i32
      %dma_wait3A_88 = arith.constant 0 : i32
      %dma_wait3A_89 = tpu.memref_slice %arg8[%run_scoped3A_25, %dma_wait3A, %dma_wait3A_88] : memref<2x128x64xf32, #tpu.memory_space<vmem>> -> memref<1x128x64xf32, #tpu.memory_space<vmem>>
      %dma_wait3A_90 = tpu.memref_squeeze %dma_wait3A_89 : memref<1x128x64xf32, #tpu.memory_space<vmem>> -> memref<128x64xf32, #tpu.memory_space<vmem>>
      %dma_wait3A_91 = arith.constant 0 : i32
      %dma_wait3A_92 = tpu.memref_slice %arg9[%add3A_24, %dma_wait3A_91] : memref<10240x64xf32, #tpu.memory_space<vmem_shared>> -> memref<128x64xf32, #tpu.memory_space<vmem_shared>>
      %dma_wait3A_93 = arith.constant 0 : i32
      %dma_wait3A_94 = tpu.memref_slice %arg9[%add3A_24, %dma_wait3A_93] : memref<10240x64xf32, #tpu.memory_space<vmem_shared>> -> memref<128x64xf32, #tpu.memory_space<vmem_shared>>
      %dma_wait3A_95 = arith.constant 0 : i32
      %dma_wait3A_96 = arith.constant 0 : i32
      %dma_wait3A_97 = tpu.memref_slice %arg8[%run_scoped3A_25, %dma_wait3A_95, %dma_wait3A_96] : memref<2x128x64xf32, #tpu.memory_space<vmem>> -> memref<1x128x64xf32, #tpu.memory_space<vmem>>
      %dma_wait3A_98 = tpu.memref_squeeze %dma_wait3A_97 : memref<1x128x64xf32, #tpu.memory_space<vmem>> -> memref<128x64xf32, #tpu.memory_space<vmem>>
      tpu.wait_dma2 semaphore(%run_scoped3A_75 : memref<!tpu.dma_semaphore, #tpu.memory_space<semaphore_mem>>) src(%dma_wait3A_98 : memref<128x64xf32, #tpu.memory_space<vmem>>) dst(%dma_wait3A_94 : memref<128x64xf32, #tpu.memory_space<vmem_shared>>)
      tpu.yield
    }) : () -> ()
    %mul3A_26 = arith.constant 640 : i32
    %mul3A_27 = arith.muli %arg1, %mul3A_26 : i32
    %add3A_28 = arith.constant 384 : i32
    %add3A_29 = arith.addi %mul3A_27, %add3A_28 : i32
    %run_scoped3A_30 = arith.constant 0 : i32
    "tpu.region"() ({
      %run_scoped3A_75 = tpu.sem_alloc : memref<!tpu.dma_semaphore, #tpu.memory_space<semaphore_mem>>
      %dma_start3A_76 = arith.constant 0 : i32
      %dma_start3A_77 = arith.constant 0 : i32
      %dma_start3A_78 = tpu.memref_slice %arg8[%run_scoped3A_30, %dma_start3A_76, %dma_start3A_77] : memref<2x128x64xf32, #tpu.memory_space<vmem>> -> memref<1x128x64xf32, #tpu.memory_space<vmem>>
      %dma_start3A_79 = tpu.memref_squeeze %dma_start3A_78 : memref<1x128x64xf32, #tpu.memory_space<vmem>> -> memref<128x64xf32, #tpu.memory_space<vmem>>
      %dma_start3A_80 = arith.constant 0 : i32
      %dma_start3A_81 = tpu.memref_slice %arg9[%add3A_29, %dma_start3A_80] : memref<10240x64xf32, #tpu.memory_space<vmem_shared>> -> memref<128x64xf32, #tpu.memory_space<vmem_shared>>
      %dma_start3A_82 = arith.constant 0 : i32
      %dma_start3A_83 = tpu.memref_slice %arg9[%add3A_29, %dma_start3A_82] : memref<10240x64xf32, #tpu.memory_space<vmem_shared>> -> memref<128x64xf32, #tpu.memory_space<vmem_shared>>
      %dma_start3A_84 = arith.constant 0 : i32
      %dma_start3A_85 = arith.constant 0 : i32
      %dma_start3A_86 = tpu.memref_slice %arg8[%run_scoped3A_30, %dma_start3A_84, %dma_start3A_85] : memref<2x128x64xf32, #tpu.memory_space<vmem>> -> memref<1x128x64xf32, #tpu.memory_space<vmem>>
      %dma_start3A_87 = tpu.memref_squeeze %dma_start3A_86 : memref<1x128x64xf32, #tpu.memory_space<vmem>> -> memref<128x64xf32, #tpu.memory_space<vmem>>
      tpu.enqueue_dma source(%dma_start3A_87 : memref<128x64xf32, #tpu.memory_space<vmem>>) target(%dma_start3A_83 : memref<128x64xf32, #tpu.memory_space<vmem_shared>>) target_semaphore(%run_scoped3A_75 : memref<!tpu.dma_semaphore, #tpu.memory_space<semaphore_mem>>)
      %dma_wait3A = arith.constant 0 : i32
      %dma_wait3A_88 = arith.constant 0 : i32
      %dma_wait3A_89 = tpu.memref_slice %arg8[%run_scoped3A_30, %dma_wait3A, %dma_wait3A_88] : memref<2x128x64xf32, #tpu.memory_space<vmem>> -> memref<1x128x64xf32, #tpu.memory_space<vmem>>
      %dma_wait3A_90 = tpu.memref_squeeze %dma_wait3A_89 : memref<1x128x64xf32, #tpu.memory_space<vmem>> -> memref<128x64xf32, #tpu.memory_space<vmem>>
      %dma_wait3A_91 = arith.constant 0 : i32
      %dma_wait3A_92 = tpu.memref_slice %arg9[%add3A_29, %dma_wait3A_91] : memref<10240x64xf32, #tpu.memory_space<vmem_shared>> -> memref<128x64xf32, #tpu.memory_space<vmem_shared>>
      %dma_wait3A_93 = arith.constant 0 : i32
      %dma_wait3A_94 = tpu.memref_slice %arg9[%add3A_29, %dma_wait3A_93] : memref<10240x64xf32, #tpu.memory_space<vmem_shared>> -> memref<128x64xf32, #tpu.memory_space<vmem_shared>>
      %dma_wait3A_95 = arith.constant 0 : i32
      %dma_wait3A_96 = arith.constant 0 : i32
      %dma_wait3A_97 = tpu.memref_slice %arg8[%run_scoped3A_30, %dma_wait3A_95, %dma_wait3A_96] : memref<2x128x64xf32, #tpu.memory_space<vmem>> -> memref<1x128x64xf32, #tpu.memory_space<vmem>>
      %dma_wait3A_98 = tpu.memref_squeeze %dma_wait3A_97 : memref<1x128x64xf32, #tpu.memory_space<vmem>> -> memref<128x64xf32, #tpu.memory_space<vmem>>
      tpu.wait_dma2 semaphore(%run_scoped3A_75 : memref<!tpu.dma_semaphore, #tpu.memory_space<semaphore_mem>>) src(%dma_wait3A_98 : memref<128x64xf32, #tpu.memory_space<vmem>>) dst(%dma_wait3A_94 : memref<128x64xf32, #tpu.memory_space<vmem_shared>>)
      tpu.yield
    }) : () -> ()
    %mul3A_31 = arith.constant 640 : i32
    %mul3A_32 = arith.muli %arg1, %mul3A_31 : i32
    %add3A_33 = arith.constant 512 : i32
    %add3A_34 = arith.addi %mul3A_32, %add3A_33 : i32
    %run_scoped3A_35 = arith.constant 0 : i32
    "tpu.region"() ({
      %run_scoped3A_75 = tpu.sem_alloc : memref<!tpu.dma_semaphore, #tpu.memory_space<semaphore_mem>>
      %dma_start3A_76 = arith.constant 0 : i32
      %dma_start3A_77 = arith.constant 0 : i32
      %dma_start3A_78 = tpu.memref_slice %arg8[%run_scoped3A_35, %dma_start3A_76, %dma_start3A_77] : memref<2x128x64xf32, #tpu.memory_space<vmem>> -> memref<1x128x64xf32, #tpu.memory_space<vmem>>
      %dma_start3A_79 = tpu.memref_squeeze %dma_start3A_78 : memref<1x128x64xf32, #tpu.memory_space<vmem>> -> memref<128x64xf32, #tpu.memory_space<vmem>>
      %dma_start3A_80 = arith.constant 0 : i32
      %dma_start3A_81 = tpu.memref_slice %arg9[%add3A_34, %dma_start3A_80] : memref<10240x64xf32, #tpu.memory_space<vmem_shared>> -> memref<128x64xf32, #tpu.memory_space<vmem_shared>>
      %dma_start3A_82 = arith.constant 0 : i32
      %dma_start3A_83 = tpu.memref_slice %arg9[%add3A_34, %dma_start3A_82] : memref<10240x64xf32, #tpu.memory_space<vmem_shared>> -> memref<128x64xf32, #tpu.memory_space<vmem_shared>>
      %dma_start3A_84 = arith.constant 0 : i32
      %dma_start3A_85 = arith.constant 0 : i32
      %dma_start3A_86 = tpu.memref_slice %arg8[%run_scoped3A_35, %dma_start3A_84, %dma_start3A_85] : memref<2x128x64xf32, #tpu.memory_space<vmem>> -> memref<1x128x64xf32, #tpu.memory_space<vmem>>
      %dma_start3A_87 = tpu.memref_squeeze %dma_start3A_86 : memref<1x128x64xf32, #tpu.memory_space<vmem>> -> memref<128x64xf32, #tpu.memory_space<vmem>>
      tpu.enqueue_dma source(%dma_start3A_87 : memref<128x64xf32, #tpu.memory_space<vmem>>) target(%dma_start3A_83 : memref<128x64xf32, #tpu.memory_space<vmem_shared>>) target_semaphore(%run_scoped3A_75 : memref<!tpu.dma_semaphore, #tpu.memory_space<semaphore_mem>>)
      %dma_wait3A = arith.constant 0 : i32
      %dma_wait3A_88 = arith.constant 0 : i32
      %dma_wait3A_89 = tpu.memref_slice %arg8[%run_scoped3A_35, %dma_wait3A, %dma_wait3A_88] : memref<2x128x64xf32, #tpu.memory_space<vmem>> -> memref<1x128x64xf32, #tpu.memory_space<vmem>>
      %dma_wait3A_90 = tpu.memref_squeeze %dma_wait3A_89 : memref<1x128x64xf32, #tpu.memory_space<vmem>> -> memref<128x64xf32, #tpu.memory_space<vmem>>
      %dma_wait3A_91 = arith.constant 0 : i32
      %dma_wait3A_92 = tpu.memref_slice %arg9[%add3A_34, %dma_wait3A_91] : memref<10240x64xf32, #tpu.memory_space<vmem_shared>> -> memref<128x64xf32, #tpu.memory_space<vmem_shared>>
      %dma_wait3A_93 = arith.constant 0 : i32
      %dma_wait3A_94 = tpu.memref_slice %arg9[%add3A_34, %dma_wait3A_93] : memref<10240x64xf32, #tpu.memory_space<vmem_shared>> -> memref<128x64xf32, #tpu.memory_space<vmem_shared>>
      %dma_wait3A_95 = arith.constant 0 : i32
      %dma_wait3A_96 = arith.constant 0 : i32
      %dma_wait3A_97 = tpu.memref_slice %arg8[%run_scoped3A_35, %dma_wait3A_95, %dma_wait3A_96] : memref<2x128x64xf32, #tpu.memory_space<vmem>> -> memref<1x128x64xf32, #tpu.memory_space<vmem>>
      %dma_wait3A_98 = tpu.memref_squeeze %dma_wait3A_97 : memref<1x128x64xf32, #tpu.memory_space<vmem>> -> memref<128x64xf32, #tpu.memory_space<vmem>>
      tpu.wait_dma2 semaphore(%run_scoped3A_75 : memref<!tpu.dma_semaphore, #tpu.memory_space<semaphore_mem>>) src(%dma_wait3A_98 : memref<128x64xf32, #tpu.memory_space<vmem>>) dst(%dma_wait3A_94 : memref<128x64xf32, #tpu.memory_space<vmem_shared>>)
      tpu.yield
    }) : () -> ()
    %barrier3A = arith.constant 0 : index
    tpu.barrier barrier_id(%barrier3A)
    "tpu.region"() ({
      %run_scoped3A_75 = tpu.sem_alloc : memref<!tpu.dma_semaphore, #tpu.memory_space<semaphore_mem>>
      %dma_start3A_76 = arith.constant 0 : i32
      %dma_start3A_77 = arith.constant 0 : i32
      %dma_start3A_78 = tpu.memref_slice %arg3[%add3A, %dma_start3A_76, %dma_start3A_77] : memref<32x80x128xi32, #tpu.memory_space<hbm>> -> memref<1x80x128xi32, #tpu.memory_space<hbm>>
      %dma_start3A_79 = tpu.memref_squeeze %dma_start3A_78 : memref<1x80x128xi32, #tpu.memory_space<hbm>> -> memref<80x128xi32, #tpu.memory_space<hbm>>
      %dma_start3A_80 = arith.constant 0 : i32
      %dma_start3A_81 = arith.constant 0 : i32
      %dma_start3A_82 = tpu.memref_slice %arg3[%add3A, %dma_start3A_80, %dma_start3A_81] : memref<32x80x128xi32, #tpu.memory_space<hbm>> -> memref<1x80x128xi32, #tpu.memory_space<hbm>>
      %dma_start3A_83 = tpu.memref_squeeze %dma_start3A_82 : memref<1x80x128xi32, #tpu.memory_space<hbm>> -> memref<80x128xi32, #tpu.memory_space<hbm>>
      tpu.enqueue_dma source(%dma_start3A_83 : memref<80x128xi32, #tpu.memory_space<hbm>>) target(%arg6 : memref<80x128xi32, #tpu.memory_space<vmem>>) target_semaphore(%run_scoped3A_75 : memref<!tpu.dma_semaphore, #tpu.memory_space<semaphore_mem>>)
      %dma_wait3A = arith.constant 0 : i32
      %dma_wait3A_84 = arith.constant 0 : i32
      %dma_wait3A_85 = tpu.memref_slice %arg3[%add3A, %dma_wait3A, %dma_wait3A_84] : memref<32x80x128xi32, #tpu.memory_space<hbm>> -> memref<1x80x128xi32, #tpu.memory_space<hbm>>
      %dma_wait3A_86 = tpu.memref_squeeze %dma_wait3A_85 : memref<1x80x128xi32, #tpu.memory_space<hbm>> -> memref<80x128xi32, #tpu.memory_space<hbm>>
      %dma_wait3A_87 = arith.constant 0 : i32
      %dma_wait3A_88 = arith.constant 0 : i32
      %dma_wait3A_89 = tpu.memref_slice %arg3[%add3A, %dma_wait3A_87, %dma_wait3A_88] : memref<32x80x128xi32, #tpu.memory_space<hbm>> -> memref<1x80x128xi32, #tpu.memory_space<hbm>>
      %dma_wait3A_90 = tpu.memref_squeeze %dma_wait3A_89 : memref<1x80x128xi32, #tpu.memory_space<hbm>> -> memref<80x128xi32, #tpu.memory_space<hbm>>
      tpu.wait_dma2 semaphore(%run_scoped3A_75 : memref<!tpu.dma_semaphore, #tpu.memory_space<semaphore_mem>>) src(%dma_wait3A_90 : memref<80x128xi32, #tpu.memory_space<hbm>>) dst(%arg6 : memref<80x128xi32, #tpu.memory_space<vmem>>)
      tpu.yield
    }) : () -> ()
    "tpu.region"() ({
      %run_scoped3A_75 = tpu.sem_alloc : memref<!tpu.dma_semaphore, #tpu.memory_space<semaphore_mem>>
      %dma_start3A_76 = arith.constant 0 : i32
      %dma_start3A_77 = arith.constant 0 : i32
      %dma_start3A_78 = tpu.memref_slice %arg4[%add3A, %dma_start3A_76, %dma_start3A_77] : memref<32x80x128xi32, #tpu.memory_space<hbm>> -> memref<1x80x128xi32, #tpu.memory_space<hbm>>
      %dma_start3A_79 = tpu.memref_squeeze %dma_start3A_78 : memref<1x80x128xi32, #tpu.memory_space<hbm>> -> memref<80x128xi32, #tpu.memory_space<hbm>>
      %dma_start3A_80 = arith.constant 0 : i32
      %dma_start3A_81 = arith.constant 0 : i32
      %dma_start3A_82 = tpu.memref_slice %arg4[%add3A, %dma_start3A_80, %dma_start3A_81] : memref<32x80x128xi32, #tpu.memory_space<hbm>> -> memref<1x80x128xi32, #tpu.memory_space<hbm>>
      %dma_start3A_83 = tpu.memref_squeeze %dma_start3A_82 : memref<1x80x128xi32, #tpu.memory_space<hbm>> -> memref<80x128xi32, #tpu.memory_space<hbm>>
      tpu.enqueue_dma source(%dma_start3A_83 : memref<80x128xi32, #tpu.memory_space<hbm>>) target(%arg7 : memref<80x128xi32, #tpu.memory_space<vmem>>) target_semaphore(%run_scoped3A_75 : memref<!tpu.dma_semaphore, #tpu.memory_space<semaphore_mem>>)
      %dma_wait3A = arith.constant 0 : i32
      %dma_wait3A_84 = arith.constant 0 : i32
      %dma_wait3A_85 = tpu.memref_slice %arg4[%add3A, %dma_wait3A, %dma_wait3A_84] : memref<32x80x128xi32, #tpu.memory_space<hbm>> -> memref<1x80x128xi32, #tpu.memory_space<hbm>>
      %dma_wait3A_86 = tpu.memref_squeeze %dma_wait3A_85 : memref<1x80x128xi32, #tpu.memory_space<hbm>> -> memref<80x128xi32, #tpu.memory_space<hbm>>
      %dma_wait3A_87 = arith.constant 0 : i32
      %dma_wait3A_88 = arith.constant 0 : i32
      %dma_wait3A_89 = tpu.memref_slice %arg4[%add3A, %dma_wait3A_87, %dma_wait3A_88] : memref<32x80x128xi32, #tpu.memory_space<hbm>> -> memref<1x80x128xi32, #tpu.memory_space<hbm>>
      %dma_wait3A_90 = tpu.memref_squeeze %dma_wait3A_89 : memref<1x80x128xi32, #tpu.memory_space<hbm>> -> memref<80x128xi32, #tpu.memory_space<hbm>>
      tpu.wait_dma2 semaphore(%run_scoped3A_75 : memref<!tpu.dma_semaphore, #tpu.memory_space<semaphore_mem>>) src(%dma_wait3A_90 : memref<80x128xi32, #tpu.memory_space<hbm>>) dst(%arg7 : memref<80x128xi32, #tpu.memory_space<vmem>>)
      tpu.yield
    }) : () -> ()
    %dma_start3A = arith.constant 0 : i32
    %dma_start3A_36 = arith.constant 0 : i32
    %dma_start3A_37 = arith.constant 0 : i32
    %dma_start3A_38 = arith.constant 0 : i32
    %dma_start3A_39 = tpu.memref_slice %arg8[%dma_start3A_36, %dma_start3A_37, %dma_start3A_38] : memref<2x128x64xf32, #tpu.memory_space<vmem>> -> memref<1x128x64xf32, #tpu.memory_space<vmem>>
    %dma_start3A_40 = tpu.memref_squeeze %dma_start3A_39 : memref<1x128x64xf32, #tpu.memory_space<vmem>> -> memref<128x64xf32, #tpu.memory_space<vmem>>
    %dma_start3A_41 = arith.constant 0 : i32
    %dma_start3A_42 = tpu.memref_slice %arg6[%dma_start3A, %dma_start3A_41] : memref<80x128xi32, #tpu.memory_space<vmem>> -> memref<1x128xi32, #tpu.memory_space<vmem>>
    %dma_start3A_43 = tpu.memref_squeeze %dma_start3A_42 : memref<1x128xi32, #tpu.memory_space<vmem>> -> memref<128xi32, #tpu.memory_space<vmem>>
    %dma_start3A_44 = arith.constant 0 : i32
    %dma_start3A_45 = arith.constant 0 : i32
    %dma_start3A_46 = tpu.memref_slice %arg10[%dma_start3A_44, %dma_start3A_45] : memref<10000x64xf32, #tpu.memory_space<vmem_shared>> -> memref<10000x64xf32, #tpu.memory_space<vmem_shared>>
    tpu.enqueue_indirect_dma source(%dma_start3A_46 : memref<10000x64xf32, #tpu.memory_space<vmem_shared>>) target(%dma_start3A_40 : memref<128x64xf32, #tpu.memory_space<vmem>>) offsets(%dma_start3A_43 : memref<128xi32, #tpu.memory_space<vmem>>) semaphore(%arg11 : memref<!tpu.dma_semaphore, #tpu.memory_space<semaphore_mem>>)
    %dma_start3A_47 = arith.constant 1 : i32
    %dma_start3A_48 = arith.constant 1 : i32
    %dma_start3A_49 = arith.constant 0 : i32
    %dma_start3A_50 = arith.constant 0 : i32
    %dma_start3A_51 = tpu.memref_slice %arg8[%dma_start3A_48, %dma_start3A_49, %dma_start3A_50] : memref<2x128x64xf32, #tpu.memory_space<vmem>> -> memref<1x128x64xf32, #tpu.memory_space<vmem>>
    %dma_start3A_52 = tpu.memref_squeeze %dma_start3A_51 : memref<1x128x64xf32, #tpu.memory_space<vmem>> -> memref<128x64xf32, #tpu.memory_space<vmem>>
    %dma_start3A_53 = arith.constant 0 : i32
    %dma_start3A_54 = tpu.memref_slice %arg6[%dma_start3A_47, %dma_start3A_53] : memref<80x128xi32, #tpu.memory_space<vmem>> -> memref<1x128xi32, #tpu.memory_space<vmem>>
    %dma_start3A_55 = tpu.memref_squeeze %dma_start3A_54 : memref<1x128xi32, #tpu.memory_space<vmem>> -> memref<128xi32, #tpu.memory_space<vmem>>
    %dma_start3A_56 = arith.constant 0 : i32
    %dma_start3A_57 = arith.constant 0 : i32
    %dma_start3A_58 = tpu.memref_slice %arg10[%dma_start3A_56, %dma_start3A_57] : memref<10000x64xf32, #tpu.memory_space<vmem_shared>> -> memref<10000x64xf32, #tpu.memory_space<vmem_shared>>
    tpu.enqueue_indirect_dma source(%dma_start3A_58 : memref<10000x64xf32, #tpu.memory_space<vmem_shared>>) target(%dma_start3A_52 : memref<128x64xf32, #tpu.memory_space<vmem>>) offsets(%dma_start3A_55 : memref<128xi32, #tpu.memory_space<vmem>>) semaphore(%arg12 : memref<!tpu.dma_semaphore, #tpu.memory_space<semaphore_mem>>)
    %scan3A_59 = arith.constant 0 : i32
    %scan3A_60 = arith.constant 0 : i32
    %scan3A_61 = arith.constant 40 : i32
    %scan3A_62 = arith.addi %scan3A_60, %scan3A_61 : i32
    %scan3A_63 = arith.constant 1 : i32
    scf.for %scan3A_75 = %scan3A_60 to %scan3A_62 step %scan3A_63  : i32 {
      %mul3A_76 = arith.constant 2 : i32
      %mul3A_77 = arith.muli %scan3A_75, %mul3A_76 : i32
      %add3A_78 = arith.constant 0 : i32
      %add3A_79 = arith.addi %mul3A_77, %add3A_78 : i32
      %dma_wait3A = arith.constant 0 : i32
      %dma_wait3A_80 = arith.constant 0 : i32
      %dma_wait3A_81 = arith.constant 0 : i32
      %dma_wait3A_82 = tpu.memref_slice %arg8[%dma_wait3A, %dma_wait3A_80, %dma_wait3A_81] : memref<2x128x64xf32, #tpu.memory_space<vmem>> -> memref<1x128x64xf32, #tpu.memory_space<vmem>>
      %dma_wait3A_83 = tpu.memref_squeeze %dma_wait3A_82 : memref<1x128x64xf32, #tpu.memory_space<vmem>> -> memref<128x64xf32, #tpu.memory_space<vmem>>
      %dma_wait3A_84 = arith.constant 0 : i32
      %dma_wait3A_85 = tpu.memref_slice %arg6[%add3A_79, %dma_wait3A_84] : memref<80x128xi32, #tpu.memory_space<vmem>> -> memref<1x128xi32, #tpu.memory_space<vmem>>
      %dma_wait3A_86 = tpu.memref_squeeze %dma_wait3A_85 : memref<1x128xi32, #tpu.memory_space<vmem>> -> memref<128xi32, #tpu.memory_space<vmem>>
      %dma_wait3A_87 = arith.constant 0 : i32
      %dma_wait3A_88 = arith.constant 0 : i32
      %dma_wait3A_89 = tpu.memref_slice %arg10[%dma_wait3A_87, %dma_wait3A_88] : memref<10000x64xf32, #tpu.memory_space<vmem_shared>> -> memref<10000x64xf32, #tpu.memory_space<vmem_shared>>
      tpu.wait_indirect_dma semaphore(%arg11 : memref<!tpu.dma_semaphore, #tpu.memory_space<semaphore_mem>>) src(%dma_wait3A_89 : memref<10000x64xf32, #tpu.memory_space<vmem_shared>>) dst(%dma_wait3A_83 : memref<128x64xf32, #tpu.memory_space<vmem>>)
      %run_scoped3A_90 = arith.constant 0 : i32
      "tpu.region"() ({
        %run_scoped3A_118 = tpu.sem_alloc : memref<!tpu.dma_semaphore, #tpu.memory_space<semaphore_mem>>
        %dma_start3A_119 = arith.constant 0 : i32
        %dma_start3A_120 = arith.constant 0 : i32
        %dma_start3A_121 = tpu.memref_slice %arg8[%run_scoped3A_90, %dma_start3A_119, %dma_start3A_120] : memref<2x128x64xf32, #tpu.memory_space<vmem>> -> memref<1x128x64xf32, #tpu.memory_space<vmem>>
        %dma_start3A_122 = tpu.memref_squeeze %dma_start3A_121 : memref<1x128x64xf32, #tpu.memory_space<vmem>> -> memref<128x64xf32, #tpu.memory_space<vmem>>
        %dma_start3A_123 = arith.constant 0 : i32
        %dma_start3A_124 = tpu.memref_slice %arg7[%add3A_79, %dma_start3A_123] : memref<80x128xi32, #tpu.memory_space<vmem>> -> memref<1x128xi32, #tpu.memory_space<vmem>>
        %dma_start3A_125 = tpu.memref_squeeze %dma_start3A_124 : memref<1x128xi32, #tpu.memory_space<vmem>> -> memref<128xi32, #tpu.memory_space<vmem>>
        %dma_start3A_126 = arith.constant 0 : i32
        %dma_start3A_127 = arith.constant 0 : i32
        %dma_start3A_128 = tpu.memref_slice %arg9[%dma_start3A_126, %dma_start3A_127] : memref<10240x64xf32, #tpu.memory_space<vmem_shared>> -> memref<10240x64xf32, #tpu.memory_space<vmem_shared>>
        tpu.enqueue_indirect_dma source(%dma_start3A_122 : memref<128x64xf32, #tpu.memory_space<vmem>>) target(%dma_start3A_128 : memref<10240x64xf32, #tpu.memory_space<vmem_shared>>) offsets(%dma_start3A_125 : memref<128xi32, #tpu.memory_space<vmem>>) semaphore(%run_scoped3A_118 : memref<!tpu.dma_semaphore, #tpu.memory_space<semaphore_mem>>) {add = true}
        %dma_wait3A_129 = arith.constant 0 : i32
        %dma_wait3A_130 = arith.constant 0 : i32
        %dma_wait3A_131 = tpu.memref_slice %arg8[%run_scoped3A_90, %dma_wait3A_129, %dma_wait3A_130] : memref<2x128x64xf32, #tpu.memory_space<vmem>> -> memref<1x128x64xf32, #tpu.memory_space<vmem>>
        %dma_wait3A_132 = tpu.memref_squeeze %dma_wait3A_131 : memref<1x128x64xf32, #tpu.memory_space<vmem>> -> memref<128x64xf32, #tpu.memory_space<vmem>>
        %dma_wait3A_133 = arith.constant 0 : i32
        %dma_wait3A_134 = tpu.memref_slice %arg7[%add3A_79, %dma_wait3A_133] : memref<80x128xi32, #tpu.memory_space<vmem>> -> memref<1x128xi32, #tpu.memory_space<vmem>>
        %dma_wait3A_135 = tpu.memref_squeeze %dma_wait3A_134 : memref<1x128xi32, #tpu.memory_space<vmem>> -> memref<128xi32, #tpu.memory_space<vmem>>
        %dma_wait3A_136 = arith.constant 0 : i32
        %dma_wait3A_137 = arith.constant 0 : i32
        %dma_wait3A_138 = tpu.memref_slice %arg9[%dma_wait3A_136, %dma_wait3A_137] : memref<10240x64xf32, #tpu.memory_space<vmem_shared>> -> memref<10240x64xf32, #tpu.memory_space<vmem_shared>>
        tpu.wait_indirect_dma semaphore(%run_scoped3A_118 : memref<!tpu.dma_semaphore, #tpu.memory_space<semaphore_mem>>) src(%dma_wait3A_132 : memref<128x64xf32, #tpu.memory_space<vmem>>) dst(%dma_wait3A_138 : memref<10240x64xf32, #tpu.memory_space<vmem_shared>>)
        tpu.yield
      }) : () -> ()
      %add3A_91 = arith.constant 2 : i32
      %add3A_92 = arith.addi %add3A_79, %add3A_91 : i32
      %lt3A = arith.constant 80 : i32
      %lt3A_93 = arith.cmpi slt, %add3A_92, %lt3A : i32
      %convert_element_type3A_94 = arith.extui %lt3A_93 : i1 to i32
      %cond3A_95 = arith.constant 0 : i32
      %cond3A_96 = arith.cmpi ne, %convert_element_type3A_94, %cond3A_95 : i32
      scf.if %cond3A_96 {
        %add3A_118 = arith.constant 2 : i32
        %add3A_119 = arith.addi %add3A_79, %add3A_118 : i32
        %dma_start3A_120 = arith.constant 0 : i32
        %dma_start3A_121 = arith.constant 0 : i32
        %dma_start3A_122 = arith.constant 0 : i32
        %dma_start3A_123 = tpu.memref_slice %arg8[%dma_start3A_120, %dma_start3A_121, %dma_start3A_122] : memref<2x128x64xf32, #tpu.memory_space<vmem>> -> memref<1x128x64xf32, #tpu.memory_space<vmem>>
        %dma_start3A_124 = tpu.memref_squeeze %dma_start3A_123 : memref<1x128x64xf32, #tpu.memory_space<vmem>> -> memref<128x64xf32, #tpu.memory_space<vmem>>
        %dma_start3A_125 = arith.constant 0 : i32
        %dma_start3A_126 = tpu.memref_slice %arg6[%add3A_119, %dma_start3A_125] : memref<80x128xi32, #tpu.memory_space<vmem>> -> memref<1x128xi32, #tpu.memory_space<vmem>>
        %dma_start3A_127 = tpu.memref_squeeze %dma_start3A_126 : memref<1x128xi32, #tpu.memory_space<vmem>> -> memref<128xi32, #tpu.memory_space<vmem>>
        %dma_start3A_128 = arith.constant 0 : i32
        %dma_start3A_129 = arith.constant 0 : i32
        %dma_start3A_130 = tpu.memref_slice %arg10[%dma_start3A_128, %dma_start3A_129] : memref<10000x64xf32, #tpu.memory_space<vmem_shared>> -> memref<10000x64xf32, #tpu.memory_space<vmem_shared>>
        tpu.enqueue_indirect_dma source(%dma_start3A_130 : memref<10000x64xf32, #tpu.memory_space<vmem_shared>>) target(%dma_start3A_124 : memref<128x64xf32, #tpu.memory_space<vmem>>) offsets(%dma_start3A_127 : memref<128xi32, #tpu.memory_space<vmem>>) semaphore(%arg11 : memref<!tpu.dma_semaphore, #tpu.memory_space<semaphore_mem>>)
      } else {
      }
      %add3A_97 = arith.constant 1 : i32
      %add3A_98 = arith.addi %mul3A_77, %add3A_97 : i32
      %dma_wait3A_99 = arith.constant 1 : i32
      %dma_wait3A_100 = arith.constant 0 : i32
      %dma_wait3A_101 = arith.constant 0 : i32
      %dma_wait3A_102 = tpu.memref_slice %arg8[%dma_wait3A_99, %dma_wait3A_100, %dma_wait3A_101] : memref<2x128x64xf32, #tpu.memory_space<vmem>> -> memref<1x128x64xf32, #tpu.memory_space<vmem>>
      %dma_wait3A_103 = tpu.memref_squeeze %dma_wait3A_102 : memref<1x128x64xf32, #tpu.memory_space<vmem>> -> memref<128x64xf32, #tpu.memory_space<vmem>>
      %dma_wait3A_104 = arith.constant 0 : i32
      %dma_wait3A_105 = tpu.memref_slice %arg6[%add3A_98, %dma_wait3A_104] : memref<80x128xi32, #tpu.memory_space<vmem>> -> memref<1x128xi32, #tpu.memory_space<vmem>>
      %dma_wait3A_106 = tpu.memref_squeeze %dma_wait3A_105 : memref<1x128xi32, #tpu.memory_space<vmem>> -> memref<128xi32, #tpu.memory_space<vmem>>
      %dma_wait3A_107 = arith.constant 0 : i32
      %dma_wait3A_108 = arith.constant 0 : i32
      %dma_wait3A_109 = tpu.memref_slice %arg10[%dma_wait3A_107, %dma_wait3A_108] : memref<10000x64xf32, #tpu.memory_space<vmem_shared>> -> memref<10000x64xf32, #tpu.memory_space<vmem_shared>>
      tpu.wait_indirect_dma semaphore(%arg12 : memref<!tpu.dma_semaphore, #tpu.memory_space<semaphore_mem>>) src(%dma_wait3A_109 : memref<10000x64xf32, #tpu.memory_space<vmem_shared>>) dst(%dma_wait3A_103 : memref<128x64xf32, #tpu.memory_space<vmem>>)
      %run_scoped3A_110 = arith.constant 1 : i32
      "tpu.region"() ({
        %run_scoped3A_118 = tpu.sem_alloc : memref<!tpu.dma_semaphore, #tpu.memory_space<semaphore_mem>>
        %dma_start3A_119 = arith.constant 0 : i32
        %dma_start3A_120 = arith.constant 0 : i32
        %dma_start3A_121 = tpu.memref_slice %arg8[%run_scoped3A_110, %dma_start3A_119, %dma_start3A_120] : memref<2x128x64xf32, #tpu.memory_space<vmem>> -> memref<1x128x64xf32, #tpu.memory_space<vmem>>
        %dma_start3A_122 = tpu.memref_squeeze %dma_start3A_121 : memref<1x128x64xf32, #tpu.memory_space<vmem>> -> memref<128x64xf32, #tpu.memory_space<vmem>>
        %dma_start3A_123 = arith.constant 0 : i32
        %dma_start3A_124 = tpu.memref_slice %arg7[%add3A_98, %dma_start3A_123] : memref<80x128xi32, #tpu.memory_space<vmem>> -> memref<1x128xi32, #tpu.memory_space<vmem>>
        %dma_start3A_125 = tpu.memref_squeeze %dma_start3A_124 : memref<1x128xi32, #tpu.memory_space<vmem>> -> memref<128xi32, #tpu.memory_space<vmem>>
        %dma_start3A_126 = arith.constant 0 : i32
        %dma_start3A_127 = arith.constant 0 : i32
        %dma_start3A_128 = tpu.memref_slice %arg9[%dma_start3A_126, %dma_start3A_127] : memref<10240x64xf32, #tpu.memory_space<vmem_shared>> -> memref<10240x64xf32, #tpu.memory_space<vmem_shared>>
        tpu.enqueue_indirect_dma source(%dma_start3A_122 : memref<128x64xf32, #tpu.memory_space<vmem>>) target(%dma_start3A_128 : memref<10240x64xf32, #tpu.memory_space<vmem_shared>>) offsets(%dma_start3A_125 : memref<128xi32, #tpu.memory_space<vmem>>) semaphore(%run_scoped3A_118 : memref<!tpu.dma_semaphore, #tpu.memory_space<semaphore_mem>>) {add = true}
        %dma_wait3A_129 = arith.constant 0 : i32
        %dma_wait3A_130 = arith.constant 0 : i32
        %dma_wait3A_131 = tpu.memref_slice %arg8[%run_scoped3A_110, %dma_wait3A_129, %dma_wait3A_130] : memref<2x128x64xf32, #tpu.memory_space<vmem>> -> memref<1x128x64xf32, #tpu.memory_space<vmem>>
        %dma_wait3A_132 = tpu.memref_squeeze %dma_wait3A_131 : memref<1x128x64xf32, #tpu.memory_space<vmem>> -> memref<128x64xf32, #tpu.memory_space<vmem>>
        %dma_wait3A_133 = arith.constant 0 : i32
        %dma_wait3A_134 = tpu.memref_slice %arg7[%add3A_98, %dma_wait3A_133] : memref<80x128xi32, #tpu.memory_space<vmem>> -> memref<1x128xi32, #tpu.memory_space<vmem>>
        %dma_wait3A_135 = tpu.memref_squeeze %dma_wait3A_134 : memref<1x128xi32, #tpu.memory_space<vmem>> -> memref<128xi32, #tpu.memory_space<vmem>>
        %dma_wait3A_136 = arith.constant 0 : i32
        %dma_wait3A_137 = arith.constant 0 : i32
        %dma_wait3A_138 = tpu.memref_slice %arg9[%dma_wait3A_136, %dma_wait3A_137] : memref<10240x64xf32, #tpu.memory_space<vmem_shared>> -> memref<10240x64xf32, #tpu.memory_space<vmem_shared>>
        tpu.wait_indirect_dma semaphore(%run_scoped3A_118 : memref<!tpu.dma_semaphore, #tpu.memory_space<semaphore_mem>>) src(%dma_wait3A_132 : memref<128x64xf32, #tpu.memory_space<vmem>>) dst(%dma_wait3A_138 : memref<10240x64xf32, #tpu.memory_space<vmem_shared>>)
        tpu.yield
      }) : () -> ()
      %add3A_111 = arith.constant 2 : i32
      %add3A_112 = arith.addi %add3A_98, %add3A_111 : i32
      %lt3A_113 = arith.constant 80 : i32
      %lt3A_114 = arith.cmpi slt, %add3A_112, %lt3A_113 : i32
      %convert_element_type3A_115 = arith.extui %lt3A_114 : i1 to i32
      %cond3A_116 = arith.constant 0 : i32
      %cond3A_117 = arith.cmpi ne, %convert_element_type3A_115, %cond3A_116 : i32
      scf.if %cond3A_117 {
        %add3A_118 = arith.constant 2 : i32
        %add3A_119 = arith.addi %add3A_98, %add3A_118 : i32
        %dma_start3A_120 = arith.constant 1 : i32
        %dma_start3A_121 = arith.constant 0 : i32
        %dma_start3A_122 = arith.constant 0 : i32
        %dma_start3A_123 = tpu.memref_slice %arg8[%dma_start3A_120, %dma_start3A_121, %dma_start3A_122] : memref<2x128x64xf32, #tpu.memory_space<vmem>> -> memref<1x128x64xf32, #tpu.memory_space<vmem>>
        %dma_start3A_124 = tpu.memref_squeeze %dma_start3A_123 : memref<1x128x64xf32, #tpu.memory_space<vmem>> -> memref<128x64xf32, #tpu.memory_space<vmem>>
        %dma_start3A_125 = arith.constant 0 : i32
        %dma_start3A_126 = tpu.memref_slice %arg6[%add3A_119, %dma_start3A_125] : memref<80x128xi32, #tpu.memory_space<vmem>> -> memref<1x128xi32, #tpu.memory_space<vmem>>
        %dma_start3A_127 = tpu.memref_squeeze %dma_start3A_126 : memref<1x128xi32, #tpu.memory_space<vmem>> -> memref<128xi32, #tpu.memory_space<vmem>>
        %dma_start3A_128 = arith.constant 0 : i32
        %dma_start3A_129 = arith.constant 0 : i32
        %dma_start3A_130 = tpu.memref_slice %arg10[%dma_start3A_128, %dma_start3A_129] : memref<10000x64xf32, #tpu.memory_space<vmem_shared>> -> memref<10000x64xf32, #tpu.memory_space<vmem_shared>>
        tpu.enqueue_indirect_dma source(%dma_start3A_130 : memref<10000x64xf32, #tpu.memory_space<vmem_shared>>) target(%dma_start3A_124 : memref<128x64xf32, #tpu.memory_space<vmem>>) offsets(%dma_start3A_127 : memref<128xi32, #tpu.memory_space<vmem>>) semaphore(%arg12 : memref<!tpu.dma_semaphore, #tpu.memory_space<semaphore_mem>>)
      } else {
      }
    }
    %scan3A_64 = arith.constant 40 : i32
    %barrier3A_65 = arith.constant 0 : index
    tpu.barrier barrier_id(%barrier3A_65)
    %mul3A_66 = arith.constant 624 : i32
    %mul3A_67 = arith.muli %arg1, %mul3A_66 : i32
    %mul3A_68 = arith.constant 624 : i32
    %mul3A_69 = arith.muli %arg1, %mul3A_68 : i32
    "tpu.region"() ({
      %run_scoped3A_75 = tpu.sem_alloc : memref<!tpu.dma_semaphore, #tpu.memory_space<semaphore_mem>>
      %dma_start3A_76 = arith.constant 0 : i32
      %dma_start3A_77 = tpu.memref_slice %arg5[%arg0, %mul3A_69, %dma_start3A_76] : memref<2x10000x64xf32, #tpu.memory_space<hbm>> -> memref<1x624x64xf32, #tpu.memory_space<hbm>>
      %dma_start3A_78 = tpu.memref_squeeze %dma_start3A_77 : memref<1x624x64xf32, #tpu.memory_space<hbm>> -> memref<624x64xf32, #tpu.memory_space<hbm>>
      %dma_start3A_79 = arith.constant 0 : i32
      %dma_start3A_80 = tpu.memref_slice %arg9[%mul3A_67, %dma_start3A_79] : memref<10240x64xf32, #tpu.memory_space<vmem_shared>> -> memref<624x64xf32, #tpu.memory_space<vmem_shared>>
      tpu.enqueue_dma source(%dma_start3A_80 : memref<624x64xf32, #tpu.memory_space<vmem_shared>>) target(%dma_start3A_78 : memref<624x64xf32, #tpu.memory_space<hbm>>) target_semaphore(%run_scoped3A_75 : memref<!tpu.dma_semaphore, #tpu.memory_space<semaphore_mem>>)
      %dma_wait3A = arith.constant 0 : i32
      %dma_wait3A_81 = tpu.memref_slice %arg5[%arg0, %mul3A_69, %dma_wait3A] : memref<2x10000x64xf32, #tpu.memory_space<hbm>> -> memref<1x624x64xf32, #tpu.memory_space<hbm>>
      %dma_wait3A_82 = tpu.memref_squeeze %dma_wait3A_81 : memref<1x624x64xf32, #tpu.memory_space<hbm>> -> memref<624x64xf32, #tpu.memory_space<hbm>>
      %dma_wait3A_83 = arith.constant 0 : i32
      %dma_wait3A_84 = tpu.memref_slice %arg9[%mul3A_67, %dma_wait3A_83] : memref<10240x64xf32, #tpu.memory_space<vmem_shared>> -> memref<624x64xf32, #tpu.memory_space<vmem_shared>>
      tpu.wait_dma2 semaphore(%run_scoped3A_75 : memref<!tpu.dma_semaphore, #tpu.memory_space<semaphore_mem>>) src(%dma_wait3A_84 : memref<624x64xf32, #tpu.memory_space<vmem_shared>>) dst(%dma_wait3A_82 : memref<624x64xf32, #tpu.memory_space<hbm>>)
      tpu.yield
    }) : () -> ()
    %eq3A_70 = arith.constant 15 : i32
    %eq3A_71 = arith.cmpi eq, %arg1, %eq3A_70 : i32
    %convert_element_type3A_72 = arith.extui %eq3A_71 : i1 to i32
    %cond3A_73 = arith.constant 0 : i32
    %cond3A_74 = arith.cmpi ne, %convert_element_type3A_72, %cond3A_73 : i32
    scf.if %cond3A_74 {
      "tpu.region"() ({
        %run_scoped3A_75 = tpu.sem_alloc : memref<!tpu.dma_semaphore, #tpu.memory_space<semaphore_mem>>
        %dma_start3A_76 = arith.constant 9984 : i32
        %dma_start3A_77 = arith.constant 0 : i32
        %dma_start3A_78 = tpu.memref_slice %arg5[%arg0, %dma_start3A_76, %dma_start3A_77] : memref<2x10000x64xf32, #tpu.memory_space<hbm>> -> memref<1x16x64xf32, #tpu.memory_space<hbm>>
        %dma_start3A_79 = tpu.memref_squeeze %dma_start3A_78 : memref<1x16x64xf32, #tpu.memory_space<hbm>> -> memref<16x64xf32, #tpu.memory_space<hbm>>
        %dma_start3A_80 = arith.constant 9984 : i32
        %dma_start3A_81 = arith.constant 0 : i32
        %dma_start3A_82 = tpu.memref_slice %arg9[%dma_start3A_80, %dma_start3A_81] : memref<10240x64xf32, #tpu.memory_space<vmem_shared>> -> memref<16x64xf32, #tpu.memory_space<vmem_shared>>
        tpu.enqueue_dma source(%dma_start3A_82 : memref<16x64xf32, #tpu.memory_space<vmem_shared>>) target(%dma_start3A_79 : memref<16x64xf32, #tpu.memory_space<hbm>>) target_semaphore(%run_scoped3A_75 : memref<!tpu.dma_semaphore, #tpu.memory_space<semaphore_mem>>)
        %dma_wait3A = arith.constant 9984 : i32
        %dma_wait3A_83 = arith.constant 0 : i32
        %dma_wait3A_84 = tpu.memref_slice %arg5[%arg0, %dma_wait3A, %dma_wait3A_83] : memref<2x10000x64xf32, #tpu.memory_space<hbm>> -> memref<1x16x64xf32, #tpu.memory_space<hbm>>
        %dma_wait3A_85 = tpu.memref_squeeze %dma_wait3A_84 : memref<1x16x64xf32, #tpu.memory_space<hbm>> -> memref<16x64xf32, #tpu.memory_space<hbm>>
        %dma_wait3A_86 = arith.constant 9984 : i32
        %dma_wait3A_87 = arith.constant 0 : i32
        %dma_wait3A_88 = tpu.memref_slice %arg9[%dma_wait3A_86, %dma_wait3A_87] : memref<10240x64xf32, #tpu.memory_space<vmem_shared>> -> memref<16x64xf32, #tpu.memory_space<vmem_shared>>
        tpu.wait_dma2 semaphore(%run_scoped3A_75 : memref<!tpu.dma_semaphore, #tpu.memory_space<semaphore_mem>>) src(%dma_wait3A_88 : memref<16x64xf32, #tpu.memory_space<vmem_shared>>) dst(%dma_wait3A_85 : memref<16x64xf32, #tpu.memory_space<hbm>>)
        tpu.yield
      }) : () -> ()
    } else {
    }
    return
  }
}

module attributes {stable_mosaic.version = 14 : i64} {
  func.func @_mlp_body(%arg0: memref<1xf32, #tpu.memory_space<smem>>, %arg1: memref<10000x128xf32, #tpu.memory_space<vmem>>, %arg2: memref<2x10000x64xf32, #tpu.memory_space<vmem>>, %arg3: memref<128x64xf32, #tpu.memory_space<vmem>>, %arg4: memref<1x64xf32, #tpu.memory_space<vmem>>, %arg5: memref<1x64xf32, #tpu.memory_space<vmem>>, %arg6: memref<1x64xf32, #tpu.memory_space<vmem>>, %arg7: memref<64x64xf32, #tpu.memory_space<vmem>>, %arg8: memref<1x64xf32, #tpu.memory_space<vmem>>, %arg9: memref<10000x64xf32, #tpu.memory_space<vmem>>) attributes {dimension_semantics = [], scalar_prefetch = 0 : i64, scratch_operands = 0 : i64, tpu.core_type = #tpu.core_type<tc>} {
    %get3A = arith.constant 0 : index
    %get3A_0 = memref.load %arg0[%get3A] : memref<1xf32, #tpu.memory_space<smem>>
    %get3A_1 = arith.constant 0 : index
    %get3A_2 = arith.constant 0 : index
    %get3A_3 = vector.load %arg1[%get3A_1, %get3A_2] : memref<10000x128xf32, #tpu.memory_space<vmem>>, vector<10000x128xf32>
    %get3A_4 = arith.constant 0 : index
    %get3A_5 = arith.constant 0 : index
    %get3A_6 = arith.constant 0 : index
    %get3A_7 = vector.load %arg2[%get3A_4, %get3A_5, %get3A_6] : memref<2x10000x64xf32, #tpu.memory_space<vmem>>, vector<2x10000x64xf32>
    %get3A_8 = arith.constant 0 : index
    %get3A_9 = arith.constant 0 : index
    %get3A_10 = vector.load %arg3[%get3A_8, %get3A_9] : memref<128x64xf32, #tpu.memory_space<vmem>>, vector<128x64xf32>
    %get3A_11 = arith.constant 0 : index
    %get3A_12 = arith.constant 0 : index
    %get3A_13 = vector.load %arg4[%get3A_11, %get3A_12] : memref<1x64xf32, #tpu.memory_space<vmem>>, vector<1x64xf32>
    %get3A_14 = arith.constant 0 : index
    %get3A_15 = arith.constant 0 : index
    %get3A_16 = vector.load %arg5[%get3A_14, %get3A_15] : memref<1x64xf32, #tpu.memory_space<vmem>>, vector<1x64xf32>
    %get3A_17 = arith.constant 0 : index
    %get3A_18 = arith.constant 0 : index
    %get3A_19 = vector.load %arg6[%get3A_17, %get3A_18] : memref<1x64xf32, #tpu.memory_space<vmem>>, vector<1x64xf32>
    %get3A_20 = arith.constant 0 : index
    %get3A_21 = arith.constant 0 : index
    %get3A_22 = vector.load %arg7[%get3A_20, %get3A_21] : memref<64x64xf32, #tpu.memory_space<vmem>>, vector<64x64xf32>
    %get3A_23 = arith.constant 0 : index
    %get3A_24 = arith.constant 0 : index
    %get3A_25 = vector.load %arg8[%get3A_23, %get3A_24] : memref<1x64xf32, #tpu.memory_space<vmem>>, vector<1x64xf32>
    %slice3A = vector.extract_strided_slice %get3A_7 {offsets = [0, 0, 0], sizes = [1, 10000, 64], strides = [1, 1, 1]} : vector<2x10000x64xf32> to vector<1x10000x64xf32>
    %squeeze3A = vector.shape_cast %slice3A : vector<1x10000x64xf32> to vector<10000x64xf32>
    %slice3A_26 = vector.extract_strided_slice %get3A_7 {offsets = [1, 0, 0], sizes = [1, 10000, 64], strides = [1, 1, 1]} : vector<2x10000x64xf32> to vector<1x10000x64xf32>
    %squeeze3A_27 = vector.shape_cast %slice3A_26 : vector<1x10000x64xf32> to vector<10000x64xf32>
    %concatenate3A = tpu.concatenate %squeeze3A, %squeeze3A_27 in 1 : vector<10000x64xf32>, vector<10000x64xf32> -> vector<10000x128xf32>
    %add3A = arith.constant 1.000000e+00 : f32
    %add3A_28 = arith.addf %add3A, %get3A_0 : f32
    %mul3A = vector.broadcast %add3A_28 : f32 to vector<10000x128xf32>
    %mul3A_29 = arith.mulf %mul3A, %get3A_3 : vector<10000x128xf32>
    %add3A_30 = arith.addf %mul3A_29, %concatenate3A : vector<10000x128xf32>
    %dot_general3A = arith.constant dense<0.000000e+00> : vector<10000x64xf32>
    %dot_general3A_31 = tpu.matmul %add3A_30, %get3A_10, %dot_general3A {dimension_numbers = #tpu.dot_dimension_numbers<[1], [0], [0], [1], [0, 0, 1, 1], [], []>, transpose_lhs_hint = false} : vector<10000x128xf32>, vector<128x64xf32>, vector<10000x64xf32> -> vector<10000x64xf32>
    %add3A_32 = vector.broadcast %get3A_13 : vector<1x64xf32> to vector<10000x64xf32>
    %add3A_33 = arith.addf %dot_general3A_31, %add3A_32 : vector<10000x64xf32>
    %reduce_sum3A = arith.constant dense<0.000000e+00> : vector<64xf32>
    %reduce_sum3A_34 = vector.multi_reduction <add>, %add3A_33, %reduce_sum3A [0] : vector<10000x64xf32> to vector<64xf32>
    %broadcast_in_dim3A = vector.shape_cast %reduce_sum3A_34 : vector<64xf32> to vector<1x64xf32>
    %div3A = arith.constant 1.000000e+04 : f32
    %div3A_35 = vector.broadcast %div3A : f32 to vector<1x64xf32>
    %div3A_36 = arith.divf %broadcast_in_dim3A, %div3A_35 : vector<1x64xf32>
    %sub3A = vector.broadcast %div3A_36 : vector<1x64xf32> to vector<10000x64xf32>
    %sub3A_37 = arith.subf %add3A_33, %sub3A : vector<10000x64xf32>
    %mul3A_38 = arith.mulf %sub3A_37, %sub3A_37 : vector<10000x64xf32>
    %reduce_sum3A_39 = arith.constant dense<0.000000e+00> : vector<64xf32>
    %reduce_sum3A_40 = vector.multi_reduction <add>, %mul3A_38, %reduce_sum3A_39 [0] : vector<10000x64xf32> to vector<64xf32>
    %broadcast_in_dim3A_41 = vector.shape_cast %reduce_sum3A_40 : vector<64xf32> to vector<1x64xf32>
    %div3A_42 = arith.constant 1.000000e+04 : f32
    %div3A_43 = vector.broadcast %div3A_42 : f32 to vector<1x64xf32>
    %div3A_44 = arith.divf %broadcast_in_dim3A_41, %div3A_43 : vector<1x64xf32>
    %add3A_45 = arith.constant 9.99999974E-6 : f32
    %add3A_46 = vector.broadcast %add3A_45 : f32 to vector<1x64xf32>
    %add3A_47 = arith.addf %div3A_44, %add3A_46 : vector<1x64xf32>
    %rsqrt3A = math.rsqrt %add3A_47 : vector<1x64xf32>
    %mul3A_48 = vector.broadcast %rsqrt3A : vector<1x64xf32> to vector<10000x64xf32>
    %mul3A_49 = arith.mulf %sub3A_37, %mul3A_48 : vector<10000x64xf32>
    %mul3A_50 = vector.broadcast %get3A_16 : vector<1x64xf32> to vector<10000x64xf32>
    %mul3A_51 = arith.mulf %mul3A_49, %mul3A_50 : vector<10000x64xf32>
    %add3A_52 = vector.broadcast %get3A_19 : vector<1x64xf32> to vector<10000x64xf32>
    %add3A_53 = arith.addf %mul3A_51, %add3A_52 : vector<10000x64xf32>
    %max3A = arith.constant 0.000000e+00 : f32
    %max3A_54 = vector.broadcast %max3A : f32 to vector<10000x64xf32>
    %max3A_55 = arith.maximumf %add3A_53, %max3A_54 : vector<10000x64xf32>
    %dot_general3A_56 = arith.constant dense<0.000000e+00> : vector<10000x64xf32>
    %dot_general3A_57 = tpu.matmul %max3A_55, %get3A_22, %dot_general3A_56 {dimension_numbers = #tpu.dot_dimension_numbers<[1], [0], [0], [1], [0, 0, 1, 1], [], []>, transpose_lhs_hint = false} : vector<10000x64xf32>, vector<64x64xf32>, vector<10000x64xf32> -> vector<10000x64xf32>
    %add3A_58 = vector.broadcast %get3A_25 : vector<1x64xf32> to vector<10000x64xf32>
    %add3A_59 = arith.addf %dot_general3A_57, %add3A_58 : vector<10000x64xf32>
    %max3A_60 = arith.constant 0.000000e+00 : f32
    %max3A_61 = vector.broadcast %max3A_60 : f32 to vector<10000x64xf32>
    %max3A_62 = arith.maximumf %add3A_59, %max3A_61 : vector<10000x64xf32>
    %swap3A = arith.constant 0 : index
    %swap3A_63 = arith.constant 0 : index
    %swap3A_64 = vector.load %arg9[%swap3A, %swap3A_63] : memref<10000x64xf32, #tpu.memory_space<vmem>>, vector<10000x64xf32>
    tpu.vector_store %arg9[%swap3A, %swap3A_63], %max3A_62 {strides = array<i32>} : memref<10000x64xf32, #tpu.memory_space<vmem>>, vector<10000x64xf32>,
    return
  }
}

module attributes {stable_mosaic.version = 14 : i64} {
  func.func @_mlp_body(%arg0: memref<1xf32, #tpu.memory_space<smem>>, %arg1: memref<10000x64xf32, #tpu.memory_space<vmem>>, %arg2: memref<2x10000x64xf32, #tpu.memory_space<vmem>>, %arg3: memref<64x64xf32, #tpu.memory_space<vmem>>, %arg4: memref<1x64xf32, #tpu.memory_space<vmem>>, %arg5: memref<1x64xf32, #tpu.memory_space<vmem>>, %arg6: memref<1x64xf32, #tpu.memory_space<vmem>>, %arg7: memref<64x64xf32, #tpu.memory_space<vmem>>, %arg8: memref<1x64xf32, #tpu.memory_space<vmem>>, %arg9: memref<10000x64xf32, #tpu.memory_space<vmem>>) attributes {dimension_semantics = [], scalar_prefetch = 0 : i64, scratch_operands = 0 : i64, tpu.core_type = #tpu.core_type<tc>} {
    %get3A = arith.constant 0 : index
    %get3A_0 = memref.load %arg0[%get3A] : memref<1xf32, #tpu.memory_space<smem>>
    %get3A_1 = arith.constant 0 : index
    %get3A_2 = arith.constant 0 : index
    %get3A_3 = vector.load %arg1[%get3A_1, %get3A_2] : memref<10000x64xf32, #tpu.memory_space<vmem>>, vector<10000x64xf32>
    %get3A_4 = arith.constant 0 : index
    %get3A_5 = arith.constant 0 : index
    %get3A_6 = arith.constant 0 : index
    %get3A_7 = vector.load %arg2[%get3A_4, %get3A_5, %get3A_6] : memref<2x10000x64xf32, #tpu.memory_space<vmem>>, vector<2x10000x64xf32>
    %get3A_8 = arith.constant 0 : index
    %get3A_9 = arith.constant 0 : index
    %get3A_10 = vector.load %arg3[%get3A_8, %get3A_9] : memref<64x64xf32, #tpu.memory_space<vmem>>, vector<64x64xf32>
    %get3A_11 = arith.constant 0 : index
    %get3A_12 = arith.constant 0 : index
    %get3A_13 = vector.load %arg4[%get3A_11, %get3A_12] : memref<1x64xf32, #tpu.memory_space<vmem>>, vector<1x64xf32>
    %get3A_14 = arith.constant 0 : index
    %get3A_15 = arith.constant 0 : index
    %get3A_16 = vector.load %arg5[%get3A_14, %get3A_15] : memref<1x64xf32, #tpu.memory_space<vmem>>, vector<1x64xf32>
    %get3A_17 = arith.constant 0 : index
    %get3A_18 = arith.constant 0 : index
    %get3A_19 = vector.load %arg6[%get3A_17, %get3A_18] : memref<1x64xf32, #tpu.memory_space<vmem>>, vector<1x64xf32>
    %get3A_20 = arith.constant 0 : index
    %get3A_21 = arith.constant 0 : index
    %get3A_22 = vector.load %arg7[%get3A_20, %get3A_21] : memref<64x64xf32, #tpu.memory_space<vmem>>, vector<64x64xf32>
    %get3A_23 = arith.constant 0 : index
    %get3A_24 = arith.constant 0 : index
    %get3A_25 = vector.load %arg8[%get3A_23, %get3A_24] : memref<1x64xf32, #tpu.memory_space<vmem>>, vector<1x64xf32>
    %slice3A = vector.extract_strided_slice %get3A_7 {offsets = [0, 0, 0], sizes = [1, 10000, 64], strides = [1, 1, 1]} : vector<2x10000x64xf32> to vector<1x10000x64xf32>
    %squeeze3A = vector.shape_cast %slice3A : vector<1x10000x64xf32> to vector<10000x64xf32>
    %slice3A_26 = vector.extract_strided_slice %get3A_7 {offsets = [1, 0, 0], sizes = [1, 10000, 64], strides = [1, 1, 1]} : vector<2x10000x64xf32> to vector<1x10000x64xf32>
    %squeeze3A_27 = vector.shape_cast %slice3A_26 : vector<1x10000x64xf32> to vector<10000x64xf32>
    %add3A = arith.addf %squeeze3A, %squeeze3A_27 : vector<10000x64xf32>
    %add3A_28 = arith.constant 1.000000e+00 : f32
    %add3A_29 = arith.addf %add3A_28, %get3A_0 : f32
    %mul3A = vector.broadcast %add3A_29 : f32 to vector<10000x64xf32>
    %mul3A_30 = arith.mulf %mul3A, %get3A_3 : vector<10000x64xf32>
    %add3A_31 = arith.addf %mul3A_30, %add3A : vector<10000x64xf32>
    %dot_general3A = arith.constant dense<0.000000e+00> : vector<10000x64xf32>
    %dot_general3A_32 = tpu.matmul %add3A_31, %get3A_10, %dot_general3A {dimension_numbers = #tpu.dot_dimension_numbers<[1], [0], [0], [1], [0, 0, 1, 1], [], []>, transpose_lhs_hint = false} : vector<10000x64xf32>, vector<64x64xf32>, vector<10000x64xf32> -> vector<10000x64xf32>
    %add3A_33 = vector.broadcast %get3A_13 : vector<1x64xf32> to vector<10000x64xf32>
    %add3A_34 = arith.addf %dot_general3A_32, %add3A_33 : vector<10000x64xf32>
    %reduce_sum3A = arith.constant dense<0.000000e+00> : vector<64xf32>
    %reduce_sum3A_35 = vector.multi_reduction <add>, %add3A_34, %reduce_sum3A [0] : vector<10000x64xf32> to vector<64xf32>
    %broadcast_in_dim3A = vector.shape_cast %reduce_sum3A_35 : vector<64xf32> to vector<1x64xf32>
    %div3A = arith.constant 1.000000e+04 : f32
    %div3A_36 = vector.broadcast %div3A : f32 to vector<1x64xf32>
    %div3A_37 = arith.divf %broadcast_in_dim3A, %div3A_36 : vector<1x64xf32>
    %sub3A = vector.broadcast %div3A_37 : vector<1x64xf32> to vector<10000x64xf32>
    %sub3A_38 = arith.subf %add3A_34, %sub3A : vector<10000x64xf32>
    %mul3A_39 = arith.mulf %sub3A_38, %sub3A_38 : vector<10000x64xf32>
    %reduce_sum3A_40 = arith.constant dense<0.000000e+00> : vector<64xf32>
    %reduce_sum3A_41 = vector.multi_reduction <add>, %mul3A_39, %reduce_sum3A_40 [0] : vector<10000x64xf32> to vector<64xf32>
    %broadcast_in_dim3A_42 = vector.shape_cast %reduce_sum3A_41 : vector<64xf32> to vector<1x64xf32>
    %div3A_43 = arith.constant 1.000000e+04 : f32
    %div3A_44 = vector.broadcast %div3A_43 : f32 to vector<1x64xf32>
    %div3A_45 = arith.divf %broadcast_in_dim3A_42, %div3A_44 : vector<1x64xf32>
    %add3A_46 = arith.constant 9.99999974E-6 : f32
    %add3A_47 = vector.broadcast %add3A_46 : f32 to vector<1x64xf32>
    %add3A_48 = arith.addf %div3A_45, %add3A_47 : vector<1x64xf32>
    %rsqrt3A = math.rsqrt %add3A_48 : vector<1x64xf32>
    %mul3A_49 = vector.broadcast %rsqrt3A : vector<1x64xf32> to vector<10000x64xf32>
    %mul3A_50 = arith.mulf %sub3A_38, %mul3A_49 : vector<10000x64xf32>
    %mul3A_51 = vector.broadcast %get3A_16 : vector<1x64xf32> to vector<10000x64xf32>
    %mul3A_52 = arith.mulf %mul3A_50, %mul3A_51 : vector<10000x64xf32>
    %add3A_53 = vector.broadcast %get3A_19 : vector<1x64xf32> to vector<10000x64xf32>
    %add3A_54 = arith.addf %mul3A_52, %add3A_53 : vector<10000x64xf32>
    %max3A = arith.constant 0.000000e+00 : f32
    %max3A_55 = vector.broadcast %max3A : f32 to vector<10000x64xf32>
    %max3A_56 = arith.maximumf %add3A_54, %max3A_55 : vector<10000x64xf32>
    %dot_general3A_57 = arith.constant dense<0.000000e+00> : vector<10000x64xf32>
    %dot_general3A_58 = tpu.matmul %max3A_56, %get3A_22, %dot_general3A_57 {dimension_numbers = #tpu.dot_dimension_numbers<[1], [0], [0], [1], [0, 0, 1, 1], [], []>, transpose_lhs_hint = false} : vector<10000x64xf32>, vector<64x64xf32>, vector<10000x64xf32> -> vector<10000x64xf32>
    %add3A_59 = vector.broadcast %get3A_25 : vector<1x64xf32> to vector<10000x64xf32>
    %add3A_60 = arith.addf %dot_general3A_58, %add3A_59 : vector<10000x64xf32>
    %max3A_61 = arith.constant 0.000000e+00 : f32
    %max3A_62 = vector.broadcast %max3A_61 : f32 to vector<10000x64xf32>
    %max3A_63 = arith.maximumf %add3A_60, %max3A_62 : vector<10000x64xf32>
    %swap3A = arith.constant 0 : index
    %swap3A_64 = arith.constant 0 : index
    %swap3A_65 = vector.load %arg9[%swap3A, %swap3A_64] : memref<10000x64xf32, #tpu.memory_space<vmem>>, vector<10000x64xf32>
    tpu.vector_store %arg9[%swap3A, %swap3A_64], %max3A_63 {strides = array<i32>} : memref<10000x64xf32, #tpu.memory_space<vmem>>, vector<10000x64xf32>,
    return
  }
}

module attributes {stable_mosaic.version = 14 : i64} {
  func.func @_mlp_out_body(%arg0: memref<1xf32, #tpu.memory_space<smem>>, %arg1: memref<10000x64xf32, #tpu.memory_space<vmem>>, %arg2: memref<2x10000x64xf32, #tpu.memory_space<vmem>>, %arg3: memref<64x64xf32, #tpu.memory_space<vmem>>, %arg4: memref<1x64xf32, #tpu.memory_space<vmem>>, %arg5: memref<1x64xf32, #tpu.memory_space<vmem>>, %arg6: memref<1x64xf32, #tpu.memory_space<vmem>>, %arg7: memref<64x64xf32, #tpu.memory_space<vmem>>, %arg8: memref<1x64xf32, #tpu.memory_space<vmem>>, %arg9: memref<64x40xf32, #tpu.memory_space<vmem>>, %arg10: memref<1x40xf32, #tpu.memory_space<vmem>>, %arg11: memref<10000x40xf32, #tpu.memory_space<vmem>>) attributes {dimension_semantics = [], scalar_prefetch = 0 : i64, scratch_operands = 0 : i64, tpu.core_type = #tpu.core_type<tc>} {
    %get3A = arith.constant 0 : index
    %get3A_0 = memref.load %arg0[%get3A] : memref<1xf32, #tpu.memory_space<smem>>
    %get3A_1 = arith.constant 0 : index
    %get3A_2 = arith.constant 0 : index
    %get3A_3 = vector.load %arg1[%get3A_1, %get3A_2] : memref<10000x64xf32, #tpu.memory_space<vmem>>, vector<10000x64xf32>
    %get3A_4 = arith.constant 0 : index
    %get3A_5 = arith.constant 0 : index
    %get3A_6 = arith.constant 0 : index
    %get3A_7 = vector.load %arg2[%get3A_4, %get3A_5, %get3A_6] : memref<2x10000x64xf32, #tpu.memory_space<vmem>>, vector<2x10000x64xf32>
    %get3A_8 = arith.constant 0 : index
    %get3A_9 = arith.constant 0 : index
    %get3A_10 = vector.load %arg3[%get3A_8, %get3A_9] : memref<64x64xf32, #tpu.memory_space<vmem>>, vector<64x64xf32>
    %get3A_11 = arith.constant 0 : index
    %get3A_12 = arith.constant 0 : index
    %get3A_13 = vector.load %arg4[%get3A_11, %get3A_12] : memref<1x64xf32, #tpu.memory_space<vmem>>, vector<1x64xf32>
    %get3A_14 = arith.constant 0 : index
    %get3A_15 = arith.constant 0 : index
    %get3A_16 = vector.load %arg5[%get3A_14, %get3A_15] : memref<1x64xf32, #tpu.memory_space<vmem>>, vector<1x64xf32>
    %get3A_17 = arith.constant 0 : index
    %get3A_18 = arith.constant 0 : index
    %get3A_19 = vector.load %arg6[%get3A_17, %get3A_18] : memref<1x64xf32, #tpu.memory_space<vmem>>, vector<1x64xf32>
    %get3A_20 = arith.constant 0 : index
    %get3A_21 = arith.constant 0 : index
    %get3A_22 = vector.load %arg7[%get3A_20, %get3A_21] : memref<64x64xf32, #tpu.memory_space<vmem>>, vector<64x64xf32>
    %get3A_23 = arith.constant 0 : index
    %get3A_24 = arith.constant 0 : index
    %get3A_25 = vector.load %arg8[%get3A_23, %get3A_24] : memref<1x64xf32, #tpu.memory_space<vmem>>, vector<1x64xf32>
    %slice3A = vector.extract_strided_slice %get3A_7 {offsets = [0, 0, 0], sizes = [1, 10000, 64], strides = [1, 1, 1]} : vector<2x10000x64xf32> to vector<1x10000x64xf32>
    %squeeze3A = vector.shape_cast %slice3A : vector<1x10000x64xf32> to vector<10000x64xf32>
    %slice3A_26 = vector.extract_strided_slice %get3A_7 {offsets = [1, 0, 0], sizes = [1, 10000, 64], strides = [1, 1, 1]} : vector<2x10000x64xf32> to vector<1x10000x64xf32>
    %squeeze3A_27 = vector.shape_cast %slice3A_26 : vector<1x10000x64xf32> to vector<10000x64xf32>
    %add3A = arith.addf %squeeze3A, %squeeze3A_27 : vector<10000x64xf32>
    %add3A_28 = arith.constant 1.000000e+00 : f32
    %add3A_29 = arith.addf %add3A_28, %get3A_0 : f32
    %mul3A = vector.broadcast %add3A_29 : f32 to vector<10000x64xf32>
    %mul3A_30 = arith.mulf %mul3A, %get3A_3 : vector<10000x64xf32>
    %add3A_31 = arith.addf %mul3A_30, %add3A : vector<10000x64xf32>
    %dot_general3A = arith.constant dense<0.000000e+00> : vector<10000x64xf32>
    %dot_general3A_32 = tpu.matmul %add3A_31, %get3A_10, %dot_general3A {dimension_numbers = #tpu.dot_dimension_numbers<[1], [0], [0], [1], [0, 0, 1, 1], [], []>, transpose_lhs_hint = false} : vector<10000x64xf32>, vector<64x64xf32>, vector<10000x64xf32> -> vector<10000x64xf32>
    %add3A_33 = vector.broadcast %get3A_13 : vector<1x64xf32> to vector<10000x64xf32>
    %add3A_34 = arith.addf %dot_general3A_32, %add3A_33 : vector<10000x64xf32>
    %reduce_sum3A = arith.constant dense<0.000000e+00> : vector<64xf32>
    %reduce_sum3A_35 = vector.multi_reduction <add>, %add3A_34, %reduce_sum3A [0] : vector<10000x64xf32> to vector<64xf32>
    %broadcast_in_dim3A = vector.shape_cast %reduce_sum3A_35 : vector<64xf32> to vector<1x64xf32>
    %div3A = arith.constant 1.000000e+04 : f32
    %div3A_36 = vector.broadcast %div3A : f32 to vector<1x64xf32>
    %div3A_37 = arith.divf %broadcast_in_dim3A, %div3A_36 : vector<1x64xf32>
    %sub3A = vector.broadcast %div3A_37 : vector<1x64xf32> to vector<10000x64xf32>
    %sub3A_38 = arith.subf %add3A_34, %sub3A : vector<10000x64xf32>
    %mul3A_39 = arith.mulf %sub3A_38, %sub3A_38 : vector<10000x64xf32>
    %reduce_sum3A_40 = arith.constant dense<0.000000e+00> : vector<64xf32>
    %reduce_sum3A_41 = vector.multi_reduction <add>, %mul3A_39, %reduce_sum3A_40 [0] : vector<10000x64xf32> to vector<64xf32>
    %broadcast_in_dim3A_42 = vector.shape_cast %reduce_sum3A_41 : vector<64xf32> to vector<1x64xf32>
    %div3A_43 = arith.constant 1.000000e+04 : f32
    %div3A_44 = vector.broadcast %div3A_43 : f32 to vector<1x64xf32>
    %div3A_45 = arith.divf %broadcast_in_dim3A_42, %div3A_44 : vector<1x64xf32>
    %add3A_46 = arith.constant 9.99999974E-6 : f32
    %add3A_47 = vector.broadcast %add3A_46 : f32 to vector<1x64xf32>
    %add3A_48 = arith.addf %div3A_45, %add3A_47 : vector<1x64xf32>
    %rsqrt3A = math.rsqrt %add3A_48 : vector<1x64xf32>
    %mul3A_49 = vector.broadcast %rsqrt3A : vector<1x64xf32> to vector<10000x64xf32>
    %mul3A_50 = arith.mulf %sub3A_38, %mul3A_49 : vector<10000x64xf32>
    %mul3A_51 = vector.broadcast %get3A_16 : vector<1x64xf32> to vector<10000x64xf32>
    %mul3A_52 = arith.mulf %mul3A_50, %mul3A_51 : vector<10000x64xf32>
    %add3A_53 = vector.broadcast %get3A_19 : vector<1x64xf32> to vector<10000x64xf32>
    %add3A_54 = arith.addf %mul3A_52, %add3A_53 : vector<10000x64xf32>
    %max3A = arith.constant 0.000000e+00 : f32
    %max3A_55 = vector.broadcast %max3A : f32 to vector<10000x64xf32>
    %max3A_56 = arith.maximumf %add3A_54, %max3A_55 : vector<10000x64xf32>
    %dot_general3A_57 = arith.constant dense<0.000000e+00> : vector<10000x64xf32>
    %dot_general3A_58 = tpu.matmul %max3A_56, %get3A_22, %dot_general3A_57 {dimension_numbers = #tpu.dot_dimension_numbers<[1], [0], [0], [1], [0, 0, 1, 1], [], []>, transpose_lhs_hint = false} : vector<10000x64xf32>, vector<64x64xf32>, vector<10000x64xf32> -> vector<10000x64xf32>
    %add3A_59 = vector.broadcast %get3A_25 : vector<1x64xf32> to vector<10000x64xf32>
    %add3A_60 = arith.addf %dot_general3A_58, %add3A_59 : vector<10000x64xf32>
    %max3A_61 = arith.constant 0.000000e+00 : f32
    %max3A_62 = vector.broadcast %max3A_61 : f32 to vector<10000x64xf32>
    %max3A_63 = arith.maximumf %add3A_60, %max3A_62 : vector<10000x64xf32>
    %get3A_64 = arith.constant 0 : index
    %get3A_65 = arith.constant 0 : index
    %get3A_66 = vector.load %arg9[%get3A_64, %get3A_65] : memref<64x40xf32, #tpu.memory_space<vmem>>, vector<64x40xf32>
    %dot_general3A_67 = arith.constant dense<0.000000e+00> : vector<10000x40xf32>
    %dot_general3A_68 = tpu.matmul %max3A_63, %get3A_66, %dot_general3A_67 {dimension_numbers = #tpu.dot_dimension_numbers<[1], [0], [0], [1], [0, 0, 1, 1], [], []>, transpose_lhs_hint = false} : vector<10000x64xf32>, vector<64x40xf32>, vector<10000x40xf32> -> vector<10000x40xf32>
    %get3A_69 = arith.constant 0 : index
    %get3A_70 = arith.constant 0 : index
    %get3A_71 = vector.load %arg10[%get3A_69, %get3A_70] : memref<1x40xf32, #tpu.memory_space<vmem>>, vector<1x40xf32>
    %add3A_72 = vector.broadcast %get3A_71 : vector<1x40xf32> to vector<10000x40xf32>
    %add3A_73 = arith.addf %dot_general3A_68, %add3A_72 : vector<10000x40xf32>
    %swap3A = arith.constant 0 : index
    %swap3A_74 = arith.constant 0 : index
    %swap3A_75 = vector.load %arg11[%swap3A, %swap3A_74] : memref<10000x40xf32, #tpu.memory_space<vmem>>, vector<10000x40xf32>
    tpu.vector_store %arg11[%swap3A, %swap3A_74], %add3A_73 {strides = array<i32>} : memref<10000x40xf32, #tpu.memory_space<vmem>>, vector<10000x40xf32>,
    return
  }
}

</mosaic_0001>

<sc_bundles>
// kernel: kernel.11.cloned.1.call-start
scs
__scs_entry_jumppad:
0x0: {  	(pc) =	sbr.rel $0x88, $3  }
0x1: {  	(tag) =	ssettag $0x0;
	lr =	simm.s32 $0x1  }
0x2: {  	[smem:$0x3F88] =	sst lr;
	_ =	strace $0xD0000000  }
0x3: {  	_ = 	snop  }
0x4: {  	_ = 	snop  }
0x5: {  	_ = 	snop  }
0x6: {  	_ = 	snop  }
0x7: {  	_ = 	snop  }
__scs_overlays_trampoline_lowered:
0x8: {  	[smem:$0x3F97] =	sst s0  }
0x9: {  	[smem:$0x3F98] =	sst s1  }
0xa: {  	[smem:$0x3F99] =	sst s2  }
0xb: {  	[smem:$0x3F9A] =	sst s3  }
0xc: {  	[smem:$0x3F9B] =	sst s4  }
0xd: {  	[smem:$0x3F9C] =	sst s5  }
0xe: {  	[smem:$0x3F9D] =	sst s6  }
0xf: {  	[smem:$0x3F9E] =	sst s7  }
0x10: {  	[smem:$0x3F9F] =	sst s8  }
0x11: {  	[smem:$0x3FA0] =	sst s9;
	s0 =	simm.s32 @!p0 $0x0  }
0x12: {  	s1 =	sld [smem:$0x3F86];
	s0 =	simm.s32 @p0 $0x1  }
0x13: {  	[smem:$0x3FA1] =	sst s0;
	s0 =	simm.s32 @!p1 $0x0  }
0x14: {  	s2 =	sld [smem:$0x3F85];
	s0 =	simm.s32 @p1 $0x1  }
0x15: {  	[smem:$0x3FA2] =	sst s0;
	s0 =	simm.s32 @!p2 $0x0  }
0x16: {  	s3 =	sld [smem:$0x3FDB];
	s0 =	simm.s32 @p2 $0x1  }
0x17: {  	s4 =	simm.s32 $0x1BF5;
	[smem:$0x3FA4] =	sst s0  }
0x18: {  	s0 =	sld [smem:$0x3F87];
	_ =	swait.ge [sflag:s4], $0x0  }
0x19: {  	s7 =	sld [smem:$0x3F88]  }
0x1a: {  	s8 =	sadd.s32 $0xFFFFE003, lr  }
0x1b: {  	s9 =	sadd.s32 $0xFFFFFEF7, lr;
	s5 =	simm.s32 $0xFFFFFFFF;
	p2 =	slt.u32 s8, $0xFFFFF086  }
0x1c: {  	p1 =	slt.u32 s9, $0xF7A;
	s5 =	simm.s32 @!p2 $0x0  }
0x1d: {  	s5 =	simm.s32 @p1 $0x1;
	p0 =	seq.s32 s7, s2  }
0x1e: {  	s7 =	smul.u32 @!p0 $0xF7A, s2;
	p2 =	seq.s32 @!p0 s5, $0x0  }
0x1f: {  	s9 =	smul.u32 $0xF7A, s1;
	s8 =	simm.s32 @!p0 $0x1BF5;
	p2 =	por !p2, p0  }
0x20: {  	[sflag:s8] =	ssyncset.s32 @!p0 $0xFFFFF086;
	s6 =	sadd.s32 @!p0 s3, s7;
	s7 =	simm.s32 @!p0 $0x108  }
0x21: {  	s3 =	sadd.s32 s3, s9;
	s6 =	sadd.s32 @!p0 $0x88, s6;
	s7 =	simm.s32 @p2 $0x1082  }
0x22: {  	[simem:s7], [sflag:s8] =	dma.local @!p0 [hbm:s6], $0xF7A  }
0x23: {  	s9 =	sor.u32 $0xD0000000, s2;
	s6 =	simm.s32 $0x108;
	_ =	swait.ge @!p0 [sflag:s8], $0x0  }
0x24: {  	s3 =	sadd.s32 $0x88, s3;
	s6 =	simm.s32 @!p1 $0x1082;
	[sflag:s4] =	ssyncset.s32 $0xFFFFF086  }
0x25: {  	[simem:s6], [sflag:s4] =	dma.local [hbm:s3], $0xF7A  }
0x26: {  	[smem:$0x3F88] =	sst s1;
	(tag) =	ssettag s2;
	_ =	strace s9  }
0x27: {  	s1 =	sld [smem:$0x3F98]  }
0x28: {  	s2 =	sld [smem:$0x3F99]  }
0x29: {  	s4 =	sld [smem:$0x3F9B]  }
0x2a: {  	p0 =	seq.s32 s5, $0x0;
	s5 =	sld [smem:$0x3F9C]  }
0x2b: {  	s6 =	sld [smem:$0x3F9D]  }
0x2c: {  	s7 =	sld [smem:$0x3F9E]  }
0x2d: {  	s3 =	simm.s32 $0x108;
	s8 =	sld [smem:$0x3F9F]  }
0x2e: {  	s3 =	simm.s32 @!p0 $0x1082;
	s9 =	sld [smem:$0x3FA0]  }
0x2f: {  	lr =	sadd.s32 s0, s3;
	s0 =	sld [smem:$0x3F97]  }
0x30: {  	s3 =	sld [smem:$0x3F9A]  }
0x31: {  	[smem:$0x3FA3] =	sst s10  }
0x32: {  	s10 =	sld [smem:$0x3FA1];
	_ =	sdelay $0x3  }
0x33: {  	p0 =	seq.s32 s10, $0x1;
	s10 =	sld [smem:$0x3FA3];
	_ =	sdelay $0x3  }
0x34: {  	[smem:$0x3FA3] =	sst s10  }
0x35: {  	s10 =	sld [smem:$0x3FA2];
	_ =	sdelay $0x3  }
0x36: {  	p1 =	seq.s32 s10, $0x1;
	s10 =	sld [smem:$0x3FA3];
	_ =	sdelay $0x3  }
0x37: {  	[smem:$0x3FA3] =	sst s10  }
0x38: {  	s10 =	sld [smem:$0x3FA4]  }
0x39: {  	_ = 	snop;
	(pc) =	sbr.ind lr, $3  }
0x3a: {  	_ = 	snop  }
0x3b: {  	_ = 	snop  }
0x3c: {  	p2 =	seq.s32 s10, $0x1;
	s10 =	sld [smem:$0x3FA3]  }
0x3d: {  	_ =	shalt  }
0x3e: {  	_ =	shalt  }
0x3f: {  	_ =	shalt  }
0x40: {  	_ =	shalt  }
0x41: {  	_ =	shalt  }
0x42: {  	_ =	shalt  }
0x43: {  	_ =	shalt  }
0x44: {  	_ =	shalt  }
0x45: {  	_ =	shalt  }
0x46: {  	_ =	shalt  }
0x47: {  	_ =	shalt  }
0x48: {  	_ =	shalt  }
0x49: {  	_ =	shalt  }
0x4a: {  	_ =	shalt  }
0x4b: {  	_ =	shalt  }
0x4c: {  	_ =	shalt  }
0x4d: {  	_ =	shalt  }
0x4e: {  	_ =	shalt  }
0x4f: {  	_ =	shalt  }
0x50: {  	_ =	shalt  }
0x51: {  	_ =	shalt  }
0x52: {  	_ =	shalt  }
0x53: {  	_ =	shalt  }
0x54: {  	_ =	shalt  }
0x55: {  	_ =	shalt  }
0x56: {  	_ =	shalt  }
0x57: {  	_ =	shalt  }
0x58: {  	_ =	shalt  }
0x59: {  	_ =	shalt  }
0x5a: {  	_ =	shalt  }
0x5b: {  	_ =	shalt  }
0x5c: {  	_ =	shalt  }
0x5d: {  	_ =	shalt  }
0x5e: {  	_ =	shalt  }
0x5f: {  	_ =	shalt  }
0x60: {  	_ =	shalt  }
0x61: {  	_ =	shalt  }
0x62: {  	_ =	shalt  }
0x63: {  	_ =	shalt  }
0x64: {  	_ =	shalt  }
0x65: {  	_ =	shalt  }
0x66: {  	_ =	shalt  }
0x67: {  	_ =	shalt  }
0x68: {  	_ =	shalt  }
0x69: {  	_ =	shalt  }
0x6a: {  	_ =	shalt  }
0x6b: {  	_ =	shalt  }
0x6c: {  	_ =	shalt  }
0x6d: {  	_ =	shalt  }
0x6e: {  	_ =	shalt  }
0x6f: {  	_ =	shalt  }
0x70: {  	_ =	shalt  }
0x71: {  	_ =	shalt  }
0x72: {  	_ =	shalt  }
0x73: {  	_ =	shalt  }
0x74: {  	_ =	shalt  }
0x75: {  	_ =	shalt  }
0x76: {  	_ =	shalt  }
0x77: {  	_ =	shalt  }
0x78: {  	_ =	shalt  }
0x79: {  	_ =	shalt  }
0x7a: {  	_ =	shalt  }
0x7b: {  	_ =	shalt  }
0x7c: {  	_ =	shalt  }
0x7d: {  	_ =	shalt  }
0x7e: {  	_ =	shalt  }
0x7f: {  	_ =	shalt  }
0x80: {  	_ =	shalt  }
0x81: {  	_ =	shalt  }
0x82: {  	_ =	shalt  }
0x83: {  	_ =	shalt  }
0x84: {  	_ =	shalt  }
0x85: {  	_ =	shalt  }
0x86: {  	_ =	shalt  }
0x87: {  	_ =	shalt  }
.Lfunc_end0:
.L_simem_size_0:
called_computation.1_lowered:
.L_overlay_start_0:
0x88: {  	s2 =	sld [smem:$0x3FD9]  }
0x89: {  	s3 =	sld [smem:$0x3FFE];
	_ =	sdelay $0x1  }
0x8a: {  	s1 =	srdreg.scid  }
0x8b: {  	s0 =	sand.u32 $0x1, s1  }
0x8c: {  	s17 =	sshll.u32 s0, $0xA;
	s2 =	sadd.s32 s3, s2  }
0x8d: {  	s2 =	sadd.s32 s2, s17  }
0x8e: {  	[smem:$0x3FAF] =	sst s2  }
0x8f: {  	_ = 	snop  }
0x90: {  	s2 =	sld [smem:$0x3FD0];
	(tm) =	ssettm $0x1  }
0x91: {  	s18 =	sld [smem:$0x3FFB];
	_ =	sdelay $0x3  }
0x92: {  	_ =	strace s18  }
0x93: {  	s3 =	sld [smem:$0x3FFC];
	_ =	sdelay $0x3  }
0x94: {  	_ =	strace s3  }
0x95: {  	s3 =	sld [smem:$0x3FFD];
	_ =	sdelay $0x3  }
0x96: {  	_ =	strace s3  }
0x97: {  	_ =	strace $0x8FFFFFFF  }
0x98: {  	s19 =	sld [smem:$0x3FDB];
	_ =	sdelay $0x1  }
0x99: {  	s4 =	simm.s32 $_scs_section_size  }
0x9a: {  	s5 =	simm.s32 $_size__tile_overlayer_lowered;
	s6 =	simm.s32 $_tile_overlayer_lowered  }
0x9b: {  	s22 =	simm.s32 $0x1BFF;
	s21 =	sshll.u32 s6, $0x1;
	s3 =	sadd.s32 s4, s19  }
0x9c: {  	s7 =	simm.s32 $0x0;
	s20 =	sshll.u32 s5, $0x1;
	s5 =	sadd.s32 s21, s3  }
0x9d: {  	[timem:s7], [sflag:s22] =	dma.local [hbm:s5], s20  }
0x9e: {  	_ =	swait.ge [sflag:s22], s20  }
0x9f: {  	s4 =	ssub.s32 $0x0, s20;
	[sflag:s22] =	ssyncset.done $0x0  }
0xa0: {  	[sflag:s22] =	ssyncadd.s32 s4;
	_ =	sdelay $0x1  }
0xa1: {  	s23 =	simm.s32 $0x1B8B  }
0xa2: {  	_ =	swait.ge [sflag:s23], $0x1  }
0xa3: {  	[sflag:s23] =	ssyncset.done $0x0  }
0xa4: {  	s25 =	simm.s32 $0x1B8E;
	s24 =	sld [smem:$0x3FFE];
	[sflag:s23] =	ssyncadd.s32 $0xFFFFFFFF  }
0xa5: {  	s26 =	simm.s32 $execute0_lowered;
	[smem:$0x3FD2] =	sst s25  }
0xa6: {  	s5 =	sshll.u32 s26, $0x1;
	_ =	strace $0x80000049;
	[dreg:$0x1] =	wrdreg $0xFFFFFFFF  }
0xa7: {  	s28 =	simm.s32 $_size_execute0_lowered;
	s3 =	sadd.s32 s3, s5;
	[dreg:$0x0] =	wrdreg $0x0  }
0xa8: {  	s5 =	sshll.u32 s28, $0x1;
	[dreg:$0x2] =	wrdreg s3  }
0xa9: {  	[dreg:$0x3] =	wrdreg s5  }
0xaa: {  	[dreg:$0x4] =	wrdreg $0xC0  }
0xab: {  	_ =	task [dreg:s7], $0x5FFFF  }
0xac: {  	[dreg:$0x1] =	wrdreg $0xFFFFFFFF  }
0xad: {  	[dreg:$0x0] =	wrdreg $0x60  }
0xae: {  	[dreg:$0x2] =	wrdreg s24  }
0xaf: {  	[dreg:$0x3] =	wrdreg s2  }
0xb0: {  	[dreg:$0x4] =	wrdreg $0x130000  }
0xb1: {  	[dreg:$0x5] =	wrdreg $0x90000  }
0xb2: {  	[dreg:$0x6] =	wrdreg $0x9  }
0xb3: {  	_ =	task.clear_ibuf [dreg:s7], $0x7FFFF;
	_ =	strace $0x90000049  }
0xb4: {  	s29 =	simm.s32 $0x9;
	_ =	strace $0x8000004B  }
0xb5: {  	_ =	swait.ge [sflag:s29], $0x1  }
0xb6: {  	[sflag:s29] =	ssyncadd.s32 $0xFFFFFFFF  }
0xb7: {  	_ =	strace $0x9000004B  }
0xb8: {  	_ =	sfence  }
0xb9: {  	s30 =	sld [smem:$0x0];
	_ =	sdelay $0x2  }
0xba: {  	s31 =	sshll.u32 s1, $0xD;
	s1 =	sshrl.u32 s1, $0x2  }
0xbb: {  	s3 =	sand.u32 $0x4000, s31;
	s1 =	sadd.s32 s1, s30  }
0xbc: {  	s0 =	sor.u32 s3, s0;
	s1 =	sshll.u32 s1, $0x11  }
0xbd: {  	s0 =	sor.u32 s1, s0  }
0xbe: {  	s0 =	sadd.s32 $0x8F2B, s0  }
0xbf: {  	[sflag:s0] =	ssyncadd.remote.s32 $0x1  }
0xc0: {  	_ =	sfence.sel $0xFFFF  }
0xc1: {  	[dreg:$0x0] =	wrdreg $0xFFFFFFFF;
	(pc) =	sbr.abs _section_cstart, $3  }
0xc2: {  	[dreg:$0x1] =	wrdreg $0xFFFFFFFF  }
0xc3: {  	_ =	task.clear_ibuf [dreg:s7], $0x2FFFF;
	_ =	strace $0x9FFFFFFF  }
0xc4: {  	(tm) =	ssettm $0x7FFFFFFF  }
0xc5: {  	_ =	shalt  }
tec
execute0_lowered:
.L_overlay_start_1:
0x0: {  	(tag) =	ssettag $0x1  }
0x1: {  	s0 =	rddreg [dreg:$0x0]  }
0x2: {  	s2 =	rddreg [dreg:$0x1]  }
0x3: {  	s1 =	rddreg [dreg:$0x2];
	s4 =	srdreg.scid  }
0x4: {  	s3 =	rddreg [dreg:$0x3];
	s21 =	stileid.u32;
	s28 =	simm.s32 $0x1  }
0x5: {  	s29 =	simm.s32 $0x2;
	s9 =	sand.u32 $0x1, s4;
	s16 =	smul.u32 $0x9C00, s21  }
0x6: {  	s4 =	simm.s32 $0x0;
	s17 =	sadd.s32 $0x34000, s0;
	s24 =	smul.u32 $0x28000, s21  }
0x7: {  	s25 =	sshll.u32 s21, $0x6;
	s20 =	sadd.s32 $0x9C000, s1;
	p0 =	sne.s32 s21, $0xF  }
0x8: {  	s5 =	sshll.u32 s9, $0x4;
	[smem:$0x7FF] =	sst s4;
	s6 =	ssub.s32 $0x2, s9  }
0x9: {  	s26 =	smul.u32 $0x9C400, s9;
	s20 =	sshrl.u32 @!p0 s20, $0x3;
	s5 =	sor.u32 s21, s5  }
0xa: {  	_ =	strace $0x8000004A;
	s23 =	sshrl.u32 s16, $0x3;
	s7 =	sshrl.u32 s6, $0x1  }
0xb: {  	s19 =	sadd.s32 s16, s1;
	s8 =	sshrl.u32 s24, $0x2;
	s31 =	sadd.s32 s16, s3  }
0xc: {  	s21 =	simm.s32 $0x5000;
	s13 =	smul.u32 $0x500, s5;
	s5 =	sadd.s32 s23, s0  }
0xd: {  	s18 =	ssub.s32 s6, s7;
	s6 =	sor.u32 $0x1C03, s25;
	s7 =	sadd.s32 $0x16600, s0  }
0xe: {  	s8 =	sadd.s32 s8, s3;
	s30 =	sadd.s32 s16, s26;
	s23 =	simm.s32 $0x80  }
0xf: {  	s24 =	sshrl.u32 s31, $0x3;
	s5 =	sadd.s32 $0x2E00, s5;
	s9 =	sadd.s32 $0x2000, s8  }
0x10: {  	s10 =	sadd.s32 $0x4000, s8;
	s11 =	sadd.s32 $0x6000, s8;
	s12 =	sadd.s32 $0x8000, s8  }
0x11: {  	s14 =	sadd.s32 s13, s0;
	s13 =	sadd.s32 s2, s13;
	s2 =	sshrl.u32 s30, $0x3  }
0x12: {  	s0 =	sshrl.u32 s26, $0x3;
	s26 =	simm.s32 $0x7000;
	s14 =	sadd.s32 $0x2A000, s14  }
0x13: {  	s15 =	sadd.s32 s17, s2;
	s0 =	sadd.s32 s17, s0;
	s17 =	smax.u32 s18, $0x1  }
0x14: {  	s18 =	sshrl.u32 s19, $0x3;
	s16 =	sadd.s32 $0x13800, s0;
	s0 =	sadd.s32 $0x9C000, s3  }
0x15: {  	v0 =	vimm.f32 $0.0e+00;
	s19 =	simm.s32 $0x3;
	s25 =	sshrl.u32 @!p0 s0, $0x3;
	s0 =	simm.s32 $0x0  }
.LBB2_1:
0x16: {  	[spmem:s18], [sflag:s6] =	dma.local [hbm:s5], $0x1380  }
0x17: {  	_ =	swait.ge [sflag:s19], $0x1380  }
0x18: {  	[sflag:s19] =	ssyncset.done $0x0  }
0x19: {  	s2 =	simm.s32 @!p0 $0x3;
	s22 =	sand.u32 $0x7F00, s4;
	[sflag:s19] =	ssyncadd.s32 $0xFFFFEC80  }
0x1a: {  	[spmem:s20], [sflag:s6] =	dma.local @!p0 [hbm:s7], $0x80  }
0x1b: {  	s30 =	sand.u32 $0x30, s4;
	s22 =	sshrl.u32 s22, $0x2;
	_ =	swait.ge @!p0 [sflag:s2], $0x80  }
0x1c: {  	s30 =	sor.u32 s30, s22;
	[sflag:s2] =	ssyncset.done @!p0 $0x0  }
0x1d: {  	s22 =	simm.s32 $0x0;
	[sflag:s2] =	ssyncadd.s32 @!p0 $0xFFFFFF80;
	s2 =	simm.s32 $0x40  }
.LBB2_2:
0x1e: {  	p1 =	sne.s32 s2, $0x7FC0  }
0x1f: {  	[tilespmem:s30+$0x5000] =	vst v0;
	s22 =	sadd.s32 $0x10, s22;
	s30 =	smov.u32 s2;
	s2 =	sadd.s32 $0x40, s2  }
.Ltmp0:
0x20: {  	(pc) =	sbr.rel @p1 .LBB2_2-.Ltmp0, $4  }
0x21: {  	_ = 	snop  }
0x22: {  	s30 =	sand.u32 $0x7F00, s30  }
0x23: {  	s31 =	sand.u32 $0x30, s22;
	s30 =	sshrl.u32 s30, $0x2  }
0x24: {  	s30 =	sor.u32 s31, s30  }
0x25: {  	[tilespmem:s30+$0x5000] =	vst v0  }
0x26: {  	[spmem:s8] =	stream.linear.scatter [tilespmem:s21], [sflag:$0x3], $0x2000, $0x38;
	[tilespmem:$0x1CC40] =	vst v63  }
0x27: {  	_ =	swait.ge [sflag:s19], $0x2000  }
0x28: {  	[sflag:s19] =	ssyncset.done $0x0  }
0x29: {  	[sflag:s19] =	ssyncadd.s32 $0xFFFFE000  }
0x2a: {  	[spmem:s9] =	stream.linear.scatter [tilespmem:s21], [sflag:$0x3], $0x2000, $0x38;
	[tilespmem:$0x1CC40] =	vst v63  }
0x2b: {  	_ =	swait.ge [sflag:s19], $0x2000  }
0x2c: {  	[sflag:s19] =	ssyncset.done $0x0  }
0x2d: {  	[sflag:s19] =	ssyncadd.s32 $0xFFFFE000  }
0x2e: {  	[spmem:s10] =	stream.linear.scatter [tilespmem:s21], [sflag:$0x3], $0x2000, $0x38;
	[tilespmem:$0x1CC40] =	vst v63  }
0x2f: {  	_ =	swait.ge [sflag:s19], $0x2000  }
0x30: {  	[sflag:s19] =	ssyncset.done $0x0  }
0x31: {  	[sflag:s19] =	ssyncadd.s32 $0xFFFFE000  }
0x32: {  	[spmem:s11] =	stream.linear.scatter [tilespmem:s21], [sflag:$0x3], $0x2000, $0x38;
	[tilespmem:$0x1CC40] =	vst v63  }
0x33: {  	_ =	swait.ge [sflag:s19], $0x2000  }
0x34: {  	[sflag:s19] =	ssyncset.done $0x0  }
0x35: {  	[sflag:s19] =	ssyncadd.s32 $0xFFFFE000  }
0x36: {  	[spmem:s12] =	stream.linear.scatter [tilespmem:s21], [sflag:$0x3], $0x2000, $0x38;
	[tilespmem:$0x1CC40] =	vst v63  }
0x37: {  	_ =	swait.ge [sflag:s19], $0x2000  }
0x38: {  	[sflag:s19] =	ssyncset.done $0x0  }
0x39: {  	[sflag:s19] =	ssyncadd.s32 $0xFFFFE000  }
0x3a: {  	s2 =	simm.s32 $0x0;
	[bflag:$0x0] =	sbarrier.arrive $0xFFFF  }
0x3b: {  	[tilespmem:s2], [sflag:$0x3] =	stream.linear.gather [hbm4b:s13+s2], $0x2800, $0x38;
	[tilespmem:$0x1CC40] =	vst v63  }
0x3c: {  	_ =	swait.ge [sflag:s19], $0x2800  }
0x3d: {  	[sflag:s19] =	ssyncset.done $0x0  }
0x3e: {  	s22 =	simm.s32 $0x2800;
	[sflag:s19] =	ssyncadd.s32 $0xFFFFD800  }
0x3f: {  	[tilespmem:s22], [sflag:$0x3] =	stream.linear.gather [hbm4b:s14+s2], $0x2800, $0x38;
	[tilespmem:$0x1CC40] =	vst v63  }
0x40: {  	_ =	swait.ge [sflag:s19], $0x2800  }
0x41: {  	[sflag:s19] =	ssyncset.done $0x0  }
0x42: {  	[sflag:s19] =	ssyncadd.s32 $0xFFFFD800  }
0x43: {  	[tilespmem:s21], [sflag:$0x1] =	stream.indirect.gather [spmem:s1], $0x40, s2, s23, $0xb8;
	[tilespmem:$0x1CC40] =	vst v63  }
0x44: {  	_ = 	snop  }
0x45: {  	[tilespmem:s26], [sflag:$0x2] =	stream.indirect.gather [spmem:s1], $0x40, s23, s23, $0xb8;
	[tilespmem:$0x1CC40] =	vst v63  }
0x46: {  	_ =	swait.ge [sflag:s28], $0x2000  }
0x47: {  	[sflag:s28] =	ssyncset.done $0x0  }
0x48: {  	s22 =	simm.s32 $0x2800;
	[sflag:s28] =	ssyncadd.s32 $0xFFFFE000  }
0x49: {  	[spmem:s3] =	stream.indirect.scatter.add.f32 [tilespmem:s21], [sflag:$0x3], $0x40, s22, s23, $0xb8;
	[tilespmem:$0x1CC40] =	vst v63  }
0x4a: {  	_ =	swait.ge [sflag:s19], $0x2000  }
0x4b: {  	[sflag:s19] =	ssyncset.done $0x0  }
0x4c: {  	s30 =	simm.s32 $0x100;
	[sflag:s19] =	ssyncadd.s32 $0xFFFFE000  }
0x4d: {  	[tilespmem:s21], [sflag:$0x1] =	stream.indirect.gather [spmem:s1], $0x40, s30, s23, $0xb8;
	[tilespmem:$0x1CC40] =	vst v63  }
0x4e: {  	_ =	swait.ge [sflag:s29], $0x2000  }
0x4f: {  	[sflag:s29] =	ssyncset.done $0x0  }
0x50: {  	s31 =	simm.s32 $0x2880;
	[sflag:s29] =	ssyncadd.s32 $0xFFFFE000  }
0x51: {  	[spmem:s3] =	stream.indirect.scatter.add.f32 [tilespmem:s26], [sflag:$0x3], $0x40, s31, s23, $0xb8;
	[tilespmem:$0x1CC40] =	vst v63  }
0x52: {  	_ =	swait.ge [sflag:s19], $0x2000  }
0x53: {  	[sflag:s19] =	ssyncset.done $0x0  }
0x54: {  	s2 =	simm.s32 $0x400;
	s22 =	simm.s32 $0x180;
	[sflag:s19] =	ssyncadd.s32 $0xFFFFE000  }
.LBB2_4:
0x55: {  	[tilespmem:s26], [sflag:$0x2] =	stream.indirect.gather [spmem:s1], $0x40, s22, s23, $0xb8;
	[tilespmem:$0x1CC40] =	vst v63  }
0x56: {  	s22 =	smov.u32 s2  }
0x57: {  	p1 =	sne.s32 s2, $0x9800;
	s2 =	sadd.s32 $0x400, s2;
	_ =	swait.ge [sflag:s28], $0x2000  }
0x58: {  	s22 =	sshra.s32 s22, $0x2;
	[sflag:s28] =	ssyncset.done $0x0  }
0x59: {  	s30 =	sadd.s32 $0x2800, s22;
	[sflag:s28] =	ssyncadd.s32 $0xFFFFE000  }
0x5a: {  	[spmem:s3] =	stream.indirect.scatter.add.f32 [tilespmem:s21], [sflag:$0x3], $0x40, s30, s23, $0xb8;
	[tilespmem:$0x1CC40] =	vst v63  }
0x5b: {  	_ =	swait.ge [sflag:s19], $0x2000  }
0x5c: {  	[sflag:s19] =	ssyncset.done $0x0  }
0x5d: {  	s30 =	sadd.s32 $0x100, s22;
	[sflag:s19] =	ssyncadd.s32 $0xFFFFE000  }
0x5e: {  	[tilespmem:s21], [sflag:$0x1] =	stream.indirect.gather [spmem:s1], $0x40, s30, s23, $0xb8;
	[tilespmem:$0x1CC40] =	vst v63  }
0x5f: {  	_ =	swait.ge [sflag:s29], $0x2000  }
0x60: {  	[sflag:s29] =	ssyncset.done $0x0  }
.Ltmp1:
0x61: {  	s30 =	sadd.s32 $0x2880, s22;
	[sflag:s29] =	ssyncadd.s32 $0xFFFFE000;
	(pc) =	sbr.rel @p1 .LBB2_4-.Ltmp1, $4  }
0x62: {  	[spmem:s3] =	stream.indirect.scatter.add.f32 [tilespmem:s26], [sflag:$0x3], $0x40, s30, s23, $0xb8;
	[tilespmem:$0x1CC40] =	vst v63  }
0x63: {  	_ =	swait.ge [sflag:s19], $0x2000  }
0x64: {  	[sflag:s19] =	ssyncset.done $0x0  }
0x65: {  	s22 =	sadd.s32 $0x180, s22;
	[sflag:s19] =	ssyncadd.s32 $0xFFFFE000  }
0x66: {  	[tilespmem:s26], [sflag:$0x2] =	stream.indirect.gather [spmem:s1], $0x40, s22, s23, $0xb8;
	[tilespmem:$0x1CC40] =	vst v63  }
0x67: {  	_ =	swait.ge [sflag:s28], $0x2000  }
0x68: {  	[sflag:s28] =	ssyncset.done $0x0  }
0x69: {  	s2 =	simm.s32 $0x4F00;
	[sflag:s28] =	ssyncadd.s32 $0xFFFFE000  }
0x6a: {  	[spmem:s3] =	stream.indirect.scatter.add.f32 [tilespmem:s21], [sflag:$0x3], $0x40, s2, s23, $0xb8;
	[tilespmem:$0x1CC40] =	vst v63  }
0x6b: {  	_ =	swait.ge [sflag:s19], $0x2000  }
0x6c: {  	[sflag:s19] =	ssyncset.done $0x0  }
0x6d: {  	[sflag:s19] =	ssyncadd.s32 $0xFFFFE000  }
0x6e: {  	_ =	swait.ge [sflag:s29], $0x2000  }
0x6f: {  	[sflag:s29] =	ssyncset.done $0x0  }
0x70: {  	s31 =	simm.s32 $0x4F80;
	[sflag:s29] =	ssyncadd.s32 $0xFFFFE000  }
0x71: {  	[spmem:s3] =	stream.indirect.scatter.add.f32 [tilespmem:s26], [sflag:$0x3], $0x40, s31, s23, $0xb8;
	[tilespmem:$0x1CC40] =	vst v63  }
0x72: {  	_ =	swait.ge [sflag:s19], $0x2000  }
0x73: {  	[sflag:s19] =	ssyncset.done $0x0  }
0x74: {  	[sflag:s19] =	ssyncadd.s32 $0xFFFFE000  }
0x75: {  	[bflag:$0x0] =	sbarrier.arrive $0xFFFF  }
0x76: {  	[hbm:s15], [sflag:s6] =	dma.local [spmem:s24], $0x1380  }
0x77: {  	s0 =	sadd.s32 $0x1, s0;
	_ =	swait.ge [sflag:s19], $0x1380  }
0x78: {  	p1 =	sne.s32 s0, s17;
	[sflag:s19] =	ssyncset.done $0x0  }
.Ltmp2:
0x79: {  	s2 =	simm.s32 @!p0 $0x3;
	[sflag:s19] =	ssyncadd.s32 $0xFFFFEC80;
	(pc) =	sbr.rel @p1 .LBB2_1-.Ltmp2, $4  }
0x7a: {  	[hbm:s16], [sflag:s6] =	dma.local @!p0 [spmem:s25], $0x80  }
0x7b: {  	_ =	swait.ge @!p0 [sflag:s2], $0x80  }
0x7c: {  	[sflag:s2] =	ssyncset.done @!p0 $0x0  }
0x7d: {  	[sflag:s2] =	ssyncadd.s32 @!p0 $0xFFFFFF80  }
0x7e: {  	_ =	sfence.sel $0x180000  }
0x7f: {  	[bflag:$0x0] =	sbarrier.arrive $0xFFFF  }
0x80: {  	_ =	strace $0x9000004A  }
0x81: {  	s0 =	stileid.u32;
	[bflag:$0x2] =	sbarrier.arrive $0xFFFF  }
0x82: {  	p0 =	sne.s32 s0, $0x0;
	s0 =	rddreg [dreg:$0x4]  }
0x83: {  	s0 =	sadd.s32 @!p0 $0x100000, s0  }
0x84: {  	[sflag:s0] =	ssyncadd.tile.s32 @!p0 $0x1;
	_ =	shalt  }
.Lfunc_end2:
_tile_overlayer_lowered:
.L_overlay_start_2:
0x85: {  	(tag) =	ssettag $0x2  }
0x86: {  	s0 =	rddreg [dreg:$0x0];
	s2 =	stileid.u32  }
0x87: {  	s1 =	rddreg [dreg:$0x1];
	p0 =	sne.s32 s2, $0x0  }
0x88: {  	s3 =	rddreg [dreg:$0x2];
	[bflag:$0x3] =	sbarrier.arrive $0xFFFF;
	s2 =	simm.s32 @!p0 $0x1C03  }
0x89: {  	[timem:s3], [sflag:s2] =	dma.local @!p0 [hbm:s0], s1  }
0x8a: {  	s0 =	simm.s32 @!p0 $0x3  }
0x8b: {  	_ =	swait.ge @!p0 [sflag:s0], s1  }
0x8c: {  	s1 =	ssub.s32 @!p0 $0x0, s1;
	[sflag:s0] =	ssyncset.done @!p0 $0x0  }
0x8d: {  	[sflag:s0] =	ssyncadd.s32 @!p0 s1  }
0x8e: {  	[bflag:$0x3] =	sbarrier.arrive $0xFFFF  }
0x8f: {  	_ =	shalt  }

// kernel: kernel.14.cloned.1.call-start
scs
__scs_entry_jumppad:
0x0: {  	(pc) =	sbr.rel $0x88, $3  }
0x1: {  	(tag) =	ssettag $0x0;
	lr =	simm.s32 $0x1  }
0x2: {  	[smem:$0x3F88] =	sst lr;
	_ =	strace $0xD0000000  }
0x3: {  	_ = 	snop  }
0x4: {  	_ = 	snop  }
0x5: {  	_ = 	snop  }
0x6: {  	_ = 	snop  }
0x7: {  	_ = 	snop  }
__scs_overlays_trampoline_lowered:
0x8: {  	[smem:$0x3F97] =	sst s0  }
0x9: {  	[smem:$0x3F98] =	sst s1  }
0xa: {  	[smem:$0x3F99] =	sst s2  }
0xb: {  	[smem:$0x3F9A] =	sst s3  }
0xc: {  	[smem:$0x3F9B] =	sst s4  }
0xd: {  	[smem:$0x3F9C] =	sst s5  }
0xe: {  	[smem:$0x3F9D] =	sst s6  }
0xf: {  	[smem:$0x3F9E] =	sst s7  }
0x10: {  	[smem:$0x3F9F] =	sst s8  }
0x11: {  	[smem:$0x3FA0] =	sst s9;
	s0 =	simm.s32 @!p0 $0x0  }
0x12: {  	s1 =	sld [smem:$0x3F86];
	s0 =	simm.s32 @p0 $0x1  }
0x13: {  	[smem:$0x3FA1] =	sst s0;
	s0 =	simm.s32 @!p1 $0x0  }
0x14: {  	s2 =	sld [smem:$0x3F85];
	s0 =	simm.s32 @p1 $0x1  }
0x15: {  	[smem:$0x3FA2] =	sst s0;
	s0 =	simm.s32 @!p2 $0x0  }
0x16: {  	s3 =	sld [smem:$0x3FDB];
	s0 =	simm.s32 @p2 $0x1  }
0x17: {  	s4 =	simm.s32 $0x1BF5;
	[smem:$0x3FA4] =	sst s0  }
0x18: {  	s0 =	sld [smem:$0x3F87];
	_ =	swait.ge [sflag:s4], $0x0  }
0x19: {  	s7 =	sld [smem:$0x3F88]  }
0x1a: {  	s8 =	sadd.s32 $0xFFFFE003, lr  }
0x1b: {  	s9 =	sadd.s32 $0xFFFFFEF7, lr;
	s5 =	simm.s32 $0xFFFFFFFF;
	p2 =	slt.u32 s8, $0xFFFFF086  }
0x1c: {  	p1 =	slt.u32 s9, $0xF7A;
	s5 =	simm.s32 @!p2 $0x0  }
0x1d: {  	s5 =	simm.s32 @p1 $0x1;
	p0 =	seq.s32 s7, s2  }
0x1e: {  	s7 =	smul.u32 @!p0 $0xF7A, s2;
	p2 =	seq.s32 @!p0 s5, $0x0  }
0x1f: {  	s9 =	smul.u32 $0xF7A, s1;
	s8 =	simm.s32 @!p0 $0x1BF5;
	p2 =	por !p2, p0  }
0x20: {  	[sflag:s8] =	ssyncset.s32 @!p0 $0xFFFFF086;
	s6 =	sadd.s32 @!p0 s3, s7;
	s7 =	simm.s32 @!p0 $0x108  }
0x21: {  	s3 =	sadd.s32 s3, s9;
	s6 =	sadd.s32 @!p0 $0x88, s6;
	s7 =	simm.s32 @p2 $0x1082  }
0x22: {  	[simem:s7], [sflag:s8] =	dma.local @!p0 [hbm:s6], $0xF7A  }
0x23: {  	s9 =	sor.u32 $0xD0000000, s2;
	s6 =	simm.s32 $0x108;
	_ =	swait.ge @!p0 [sflag:s8], $0x0  }
0x24: {  	s3 =	sadd.s32 $0x88, s3;
	s6 =	simm.s32 @!p1 $0x1082;
	[sflag:s4] =	ssyncset.s32 $0xFFFFF086  }
0x25: {  	[simem:s6], [sflag:s4] =	dma.local [hbm:s3], $0xF7A  }
0x26: {  	[smem:$0x3F88] =	sst s1;
	(tag) =	ssettag s2;
	_ =	strace s9  }
0x27: {  	s1 =	sld [smem:$0x3F98]  }
0x28: {  	s2 =	sld [smem:$0x3F99]  }
0x29: {  	s4 =	sld [smem:$0x3F9B]  }
0x2a: {  	p0 =	seq.s32 s5, $0x0;
	s5 =	sld [smem:$0x3F9C]  }
0x2b: {  	s6 =	sld [smem:$0x3F9D]  }
0x2c: {  	s7 =	sld [smem:$0x3F9E]  }
0x2d: {  	s3 =	simm.s32 $0x108;
	s8 =	sld [smem:$0x3F9F]  }
0x2e: {  	s3 =	simm.s32 @!p0 $0x1082;
	s9 =	sld [smem:$0x3FA0]  }
0x2f: {  	lr =	sadd.s32 s0, s3;
	s0 =	sld [smem:$0x3F97]  }
0x30: {  	s3 =	sld [smem:$0x3F9A]  }
0x31: {  	[smem:$0x3FA3] =	sst s10  }
0x32: {  	s10 =	sld [smem:$0x3FA1];
	_ =	sdelay $0x3  }
0x33: {  	p0 =	seq.s32 s10, $0x1;
	s10 =	sld [smem:$0x3FA3];
	_ =	sdelay $0x3  }
0x34: {  	[smem:$0x3FA3] =	sst s10  }
0x35: {  	s10 =	sld [smem:$0x3FA2];
	_ =	sdelay $0x3  }
0x36: {  	p1 =	seq.s32 s10, $0x1;
	s10 =	sld [smem:$0x3FA3];
	_ =	sdelay $0x3  }
0x37: {  	[smem:$0x3FA3] =	sst s10  }
0x38: {  	s10 =	sld [smem:$0x3FA4]  }
0x39: {  	_ = 	snop;
	(pc) =	sbr.ind lr, $3  }
0x3a: {  	_ = 	snop  }
0x3b: {  	_ = 	snop  }
0x3c: {  	p2 =	seq.s32 s10, $0x1;
	s10 =	sld [smem:$0x3FA3]  }
0x3d: {  	_ =	shalt  }
0x3e: {  	_ =	shalt  }
0x3f: {  	_ =	shalt  }
0x40: {  	_ =	shalt  }
0x41: {  	_ =	shalt  }
0x42: {  	_ =	shalt  }
0x43: {  	_ =	shalt  }
0x44: {  	_ =	shalt  }
0x45: {  	_ =	shalt  }
0x46: {  	_ =	shalt  }
0x47: {  	_ =	shalt  }
0x48: {  	_ =	shalt  }
0x49: {  	_ =	shalt  }
0x4a: {  	_ =	shalt  }
0x4b: {  	_ =	shalt  }
0x4c: {  	_ =	shalt  }
0x4d: {  	_ =	shalt  }
0x4e: {  	_ =	shalt  }
0x4f: {  	_ =	shalt  }
0x50: {  	_ =	shalt  }
0x51: {  	_ =	shalt  }
0x52: {  	_ =	shalt  }
0x53: {  	_ =	shalt  }
0x54: {  	_ =	shalt  }
0x55: {  	_ =	shalt  }
0x56: {  	_ =	shalt  }
0x57: {  	_ =	shalt  }
0x58: {  	_ =	shalt  }
0x59: {  	_ =	shalt  }
0x5a: {  	_ =	shalt  }
0x5b: {  	_ =	shalt  }
0x5c: {  	_ =	shalt  }
0x5d: {  	_ =	shalt  }
0x5e: {  	_ =	shalt  }
0x5f: {  	_ =	shalt  }
0x60: {  	_ =	shalt  }
0x61: {  	_ =	shalt  }
0x62: {  	_ =	shalt  }
0x63: {  	_ =	shalt  }
0x64: {  	_ =	shalt  }
0x65: {  	_ =	shalt  }
0x66: {  	_ =	shalt  }
0x67: {  	_ =	shalt  }
0x68: {  	_ =	shalt  }
0x69: {  	_ =	shalt  }
0x6a: {  	_ =	shalt  }
0x6b: {  	_ =	shalt  }
0x6c: {  	_ =	shalt  }
0x6d: {  	_ =	shalt  }
0x6e: {  	_ =	shalt  }
0x6f: {  	_ =	shalt  }
0x70: {  	_ =	shalt  }
0x71: {  	_ =	shalt  }
0x72: {  	_ =	shalt  }
0x73: {  	_ =	shalt  }
0x74: {  	_ =	shalt  }
0x75: {  	_ =	shalt  }
0x76: {  	_ =	shalt  }
0x77: {  	_ =	shalt  }
0x78: {  	_ =	shalt  }
0x79: {  	_ =	shalt  }
0x7a: {  	_ =	shalt  }
0x7b: {  	_ =	shalt  }
0x7c: {  	_ =	shalt  }
0x7d: {  	_ =	shalt  }
0x7e: {  	_ =	shalt  }
0x7f: {  	_ =	shalt  }
0x80: {  	_ =	shalt  }
0x81: {  	_ =	shalt  }
0x82: {  	_ =	shalt  }
0x83: {  	_ =	shalt  }
0x84: {  	_ =	shalt  }
0x85: {  	_ =	shalt  }
0x86: {  	_ =	shalt  }
0x87: {  	_ =	shalt  }
.Lfunc_end0:
.L_simem_size_0:
called_computation.2_lowered:
.L_overlay_start_0:
0x88: {  	s2 =	sld [smem:$0x3FD9]  }
0x89: {  	s3 =	sld [smem:$0x3FFE];
	_ =	sdelay $0x1  }
0x8a: {  	s1 =	srdreg.scid  }
0x8b: {  	s0 =	sand.u32 $0x1, s1  }
0x8c: {  	s17 =	sshll.u32 s0, $0xA;
	s2 =	sadd.s32 s3, s2  }
0x8d: {  	s2 =	sadd.s32 s2, s17  }
0x8e: {  	[smem:$0x3FAF] =	sst s2  }
0x8f: {  	_ = 	snop  }
0x90: {  	s2 =	sld [smem:$0x3FD0];
	(tm) =	ssettm $0x1  }
0x91: {  	s18 =	sld [smem:$0x3FFB];
	_ =	sdelay $0x3  }
0x92: {  	_ =	strace s18  }
0x93: {  	s3 =	sld [smem:$0x3FFC];
	_ =	sdelay $0x3  }
0x94: {  	_ =	strace s3  }
0x95: {  	s3 =	sld [smem:$0x3FFD];
	_ =	sdelay $0x3  }
0x96: {  	_ =	strace s3  }
0x97: {  	_ =	strace $0x8FFFFFFF  }
0x98: {  	s19 =	sld [smem:$0x3FDB];
	_ =	sdelay $0x1  }
0x99: {  	s4 =	simm.s32 $_scs_section_size  }
0x9a: {  	s5 =	simm.s32 $_size__tile_overlayer_lowered;
	s6 =	simm.s32 $_tile_overlayer_lowered  }
0x9b: {  	s22 =	simm.s32 $0x1BFF;
	s21 =	sshll.u32 s6, $0x1;
	s3 =	sadd.s32 s4, s19  }
0x9c: {  	s7 =	simm.s32 $0x0;
	s20 =	sshll.u32 s5, $0x1;
	s5 =	sadd.s32 s21, s3  }
0x9d: {  	[timem:s7], [sflag:s22] =	dma.local [hbm:s5], s20  }
0x9e: {  	_ =	swait.ge [sflag:s22], s20  }
0x9f: {  	s4 =	ssub.s32 $0x0, s20;
	[sflag:s22] =	ssyncset.done $0x0  }
0xa0: {  	[sflag:s22] =	ssyncadd.s32 s4;
	_ =	sdelay $0x1  }
0xa1: {  	s23 =	simm.s32 $0x1B8B  }
0xa2: {  	_ =	swait.ge [sflag:s23], $0x1  }
0xa3: {  	[sflag:s23] =	ssyncset.done $0x0  }
0xa4: {  	s25 =	simm.s32 $0x1B8E;
	s24 =	sld [smem:$0x3FFE];
	[sflag:s23] =	ssyncadd.s32 $0xFFFFFFFF  }
0xa5: {  	s26 =	simm.s32 $execute0_lowered;
	[smem:$0x3FD2] =	sst s25  }
0xa6: {  	s5 =	sshll.u32 s26, $0x1;
	_ =	strace $0x8000004C;
	[dreg:$0x1] =	wrdreg $0xFFFFFFFF  }
0xa7: {  	s28 =	simm.s32 $_size_execute0_lowered;
	s3 =	sadd.s32 s3, s5;
	[dreg:$0x0] =	wrdreg $0x0  }
0xa8: {  	s5 =	sshll.u32 s28, $0x1;
	[dreg:$0x2] =	wrdreg s3  }
0xa9: {  	[dreg:$0x3] =	wrdreg s5  }
0xaa: {  	[dreg:$0x4] =	wrdreg $0xC0  }
0xab: {  	_ =	task [dreg:s7], $0x5FFFF  }
0xac: {  	[dreg:$0x1] =	wrdreg $0xFFFFFFFF  }
0xad: {  	[dreg:$0x0] =	wrdreg $0x60  }
0xae: {  	[dreg:$0x2] =	wrdreg s24  }
0xaf: {  	[dreg:$0x3] =	wrdreg s2  }
0xb0: {  	[dreg:$0x4] =	wrdreg $0x130000  }
0xb1: {  	[dreg:$0x5] =	wrdreg $0x90000  }
0xb2: {  	[dreg:$0x6] =	wrdreg $0x9  }
0xb3: {  	_ =	task.clear_ibuf [dreg:s7], $0x7FFFF;
	_ =	strace $0x9000004C  }
0xb4: {  	s29 =	simm.s32 $0x9;
	_ =	strace $0x8000004E  }
0xb5: {  	_ =	swait.ge [sflag:s29], $0x1  }
0xb6: {  	[sflag:s29] =	ssyncadd.s32 $0xFFFFFFFF  }
0xb7: {  	_ =	strace $0x9000004E  }
0xb8: {  	_ =	sfence  }
0xb9: {  	s30 =	sld [smem:$0x0];
	_ =	sdelay $0x2  }
0xba: {  	s31 =	sshll.u32 s1, $0xD;
	s1 =	sshrl.u32 s1, $0x2  }
0xbb: {  	s3 =	sand.u32 $0x4000, s31;
	s1 =	sadd.s32 s1, s30  }
0xbc: {  	s0 =	sor.u32 s3, s0;
	s1 =	sshll.u32 s1, $0x11  }
0xbd: {  	s0 =	sor.u32 s1, s0  }
0xbe: {  	s0 =	sadd.s32 $0x8F2B, s0  }
0xbf: {  	[sflag:s0] =	ssyncadd.remote.s32 $0x1  }
0xc0: {  	_ =	sfence.sel $0xFFFF  }
0xc1: {  	[dreg:$0x0] =	wrdreg $0xFFFFFFFF;
	(pc) =	sbr.abs _section_cstart, $3  }
0xc2: {  	[dreg:$0x1] =	wrdreg $0xFFFFFFFF  }
0xc3: {  	_ =	task.clear_ibuf [dreg:s7], $0x2FFFF;
	_ =	strace $0x9FFFFFFF  }
0xc4: {  	(tm) =	ssettm $0x7FFFFFFF  }
0xc5: {  	_ =	shalt  }
tec
execute0_lowered:
.L_overlay_start_1:
0x0: {  	(tag) =	ssettag $0x1  }
0x1: {  	s0 =	rddreg [dreg:$0x0]  }
0x2: {  	s2 =	rddreg [dreg:$0x1]  }
0x3: {  	s1 =	rddreg [dreg:$0x2];
	s4 =	srdreg.scid  }
0x4: {  	s3 =	rddreg [dreg:$0x3];
	s21 =	stileid.u32;
	s28 =	simm.s32 $0x1  }
0x5: {  	s29 =	simm.s32 $0x2;
	s9 =	sand.u32 $0x1, s4;
	s16 =	smul.u32 $0x9C00, s21  }
0x6: {  	s4 =	simm.s32 $0x0;
	s17 =	sadd.s32 $0x34000, s0;
	s24 =	smul.u32 $0x28000, s21  }
0x7: {  	s25 =	sshll.u32 s21, $0x6;
	s20 =	sadd.s32 $0x9C000, s1;
	p0 =	sne.s32 s21, $0xF  }
0x8: {  	s5 =	sshll.u32 s9, $0x4;
	[smem:$0x7FF] =	sst s4;
	s6 =	ssub.s32 $0x2, s9  }
0x9: {  	s26 =	smul.u32 $0x9C400, s9;
	s20 =	sshrl.u32 @!p0 s20, $0x3;
	s5 =	sor.u32 s21, s5  }
0xa: {  	_ =	strace $0x8000004D;
	s23 =	sshrl.u32 s16, $0x3;
	s7 =	sshrl.u32 s6, $0x1  }
0xb: {  	s19 =	sadd.s32 s16, s1;
	s8 =	sshrl.u32 s24, $0x2;
	s31 =	sadd.s32 s16, s3  }
0xc: {  	s21 =	simm.s32 $0x5000;
	s13 =	smul.u32 $0x500, s5;
	s5 =	sadd.s32 s23, s0  }
0xd: {  	s18 =	ssub.s32 s6, s7;
	s6 =	sor.u32 $0x1C03, s25;
	s7 =	sadd.s32 $0x16600, s0  }
0xe: {  	s8 =	sadd.s32 s8, s3;
	s30 =	sadd.s32 s16, s26;
	s23 =	simm.s32 $0x80  }
0xf: {  	s24 =	sshrl.u32 s31, $0x3;
	s5 =	sadd.s32 $0x2E00, s5;
	s9 =	sadd.s32 $0x2000, s8  }
0x10: {  	s10 =	sadd.s32 $0x4000, s8;
	s11 =	sadd.s32 $0x6000, s8;
	s12 =	sadd.s32 $0x8000, s8  }
0x11: {  	s14 =	sadd.s32 s13, s0;
	s13 =	sadd.s32 s2, s13;
	s2 =	sshrl.u32 s30, $0x3  }
0x12: {  	s0 =	sshrl.u32 s26, $0x3;
	s26 =	simm.s32 $0x7000;
	s14 =	sadd.s32 $0x2A000, s14  }
0x13: {  	s15 =	sadd.s32 s17, s2;
	s0 =	sadd.s32 s17, s0;
	s17 =	smax.u32 s18, $0x1  }
0x14: {  	s18 =	sshrl.u32 s19, $0x3;
	s16 =	sadd.s32 $0x13800, s0;
	s0 =	sadd.s32 $0x9C000, s3  }
0x15: {  	v0 =	vimm.f32 $0.0e+00;
	s19 =	simm.s32 $0x3;
	s25 =	sshrl.u32 @!p0 s0, $0x3;
	s0 =	simm.s32 $0x0  }
.LBB2_1:
0x16: {  	[spmem:s18], [sflag:s6] =	dma.local [hbm:s5], $0x1380  }
0x17: {  	_ =	swait.ge [sflag:s19], $0x1380  }
0x18: {  	[sflag:s19] =	ssyncset.done $0x0  }
0x19: {  	s2 =	simm.s32 @!p0 $0x3;
	s22 =	sand.u32 $0x7F00, s4;
	[sflag:s19] =	ssyncadd.s32 $0xFFFFEC80  }
0x1a: {  	[spmem:s20], [sflag:s6] =	dma.local @!p0 [hbm:s7], $0x80  }
0x1b: {  	s30 =	sand.u32 $0x30, s4;
	s22 =	sshrl.u32 s22, $0x2;
	_ =	swait.ge @!p0 [sflag:s2], $0x80  }
0x1c: {  	s30 =	sor.u32 s30, s22;
	[sflag:s2] =	ssyncset.done @!p0 $0x0  }
0x1d: {  	s22 =	simm.s32 $0x0;
	[sflag:s2] =	ssyncadd.s32 @!p0 $0xFFFFFF80;
	s2 =	simm.s32 $0x40  }
.LBB2_2:
0x1e: {  	p1 =	sne.s32 s2, $0x7FC0  }
0x1f: {  	[tilespmem:s30+$0x5000] =	vst v0;
	s22 =	sadd.s32 $0x10, s22;
	s30 =	smov.u32 s2;
	s2 =	sadd.s32 $0x40, s2  }
.Ltmp0:
0x20: {  	(pc) =	sbr.rel @p1 .LBB2_2-.Ltmp0, $4  }
0x21: {  	_ = 	snop  }
0x22: {  	s30 =	sand.u32 $0x7F00, s30  }
0x23: {  	s31 =	sand.u32 $0x30, s22;
	s30 =	sshrl.u32 s30, $0x2  }
0x24: {  	s30 =	sor.u32 s31, s30  }
0x25: {  	[tilespmem:s30+$0x5000] =	vst v0  }
0x26: {  	[spmem:s8] =	stream.linear.scatter [tilespmem:s21], [sflag:$0x3], $0x2000, $0x38;
	[tilespmem:$0x1CC40] =	vst v63  }
0x27: {  	_ =	swait.ge [sflag:s19], $0x2000  }
0x28: {  	[sflag:s19] =	ssyncset.done $0x0  }
0x29: {  	[sflag:s19] =	ssyncadd.s32 $0xFFFFE000  }
0x2a: {  	[spmem:s9] =	stream.linear.scatter [tilespmem:s21], [sflag:$0x3], $0x2000, $0x38;
	[tilespmem:$0x1CC40] =	vst v63  }
0x2b: {  	_ =	swait.ge [sflag:s19], $0x2000  }
0x2c: {  	[sflag:s19] =	ssyncset.done $0x0  }
0x2d: {  	[sflag:s19] =	ssyncadd.s32 $0xFFFFE000  }
0x2e: {  	[spmem:s10] =	stream.linear.scatter [tilespmem:s21], [sflag:$0x3], $0x2000, $0x38;
	[tilespmem:$0x1CC40] =	vst v63  }
0x2f: {  	_ =	swait.ge [sflag:s19], $0x2000  }
0x30: {  	[sflag:s19] =	ssyncset.done $0x0  }
0x31: {  	[sflag:s19] =	ssyncadd.s32 $0xFFFFE000  }
0x32: {  	[spmem:s11] =	stream.linear.scatter [tilespmem:s21], [sflag:$0x3], $0x2000, $0x38;
	[tilespmem:$0x1CC40] =	vst v63  }
0x33: {  	_ =	swait.ge [sflag:s19], $0x2000  }
0x34: {  	[sflag:s19] =	ssyncset.done $0x0  }
0x35: {  	[sflag:s19] =	ssyncadd.s32 $0xFFFFE000  }
0x36: {  	[spmem:s12] =	stream.linear.scatter [tilespmem:s21], [sflag:$0x3], $0x2000, $0x38;
	[tilespmem:$0x1CC40] =	vst v63  }
0x37: {  	_ =	swait.ge [sflag:s19], $0x2000  }
0x38: {  	[sflag:s19] =	ssyncset.done $0x0  }
0x39: {  	[sflag:s19] =	ssyncadd.s32 $0xFFFFE000  }
0x3a: {  	s2 =	simm.s32 $0x0;
	[bflag:$0x0] =	sbarrier.arrive $0xFFFF  }
0x3b: {  	[tilespmem:s2], [sflag:$0x3] =	stream.linear.gather [hbm4b:s13+s2], $0x2800, $0x38;
	[tilespmem:$0x1CC40] =	vst v63  }
0x3c: {  	_ =	swait.ge [sflag:s19], $0x2800  }
0x3d: {  	[sflag:s19] =	ssyncset.done $0x0  }
0x3e: {  	s22 =	simm.s32 $0x2800;
	[sflag:s19] =	ssyncadd.s32 $0xFFFFD800  }
0x3f: {  	[tilespmem:s22], [sflag:$0x3] =	stream.linear.gather [hbm4b:s14+s2], $0x2800, $0x38;
	[tilespmem:$0x1CC40] =	vst v63  }
0x40: {  	_ =	swait.ge [sflag:s19], $0x2800  }
0x41: {  	[sflag:s19] =	ssyncset.done $0x0  }
0x42: {  	[sflag:s19] =	ssyncadd.s32 $0xFFFFD800  }
0x43: {  	[tilespmem:s21], [sflag:$0x1] =	stream.indirect.gather [spmem:s1], $0x40, s2, s23, $0xb8;
	[tilespmem:$0x1CC40] =	vst v63  }
0x44: {  	_ = 	snop  }
0x45: {  	[tilespmem:s26], [sflag:$0x2] =	stream.indirect.gather [spmem:s1], $0x40, s23, s23, $0xb8;
	[tilespmem:$0x1CC40] =	vst v63  }
0x46: {  	_ =	swait.ge [sflag:s28], $0x2000  }
0x47: {  	[sflag:s28] =	ssyncset.done $0x0  }
0x48: {  	s22 =	simm.s32 $0x2800;
	[sflag:s28] =	ssyncadd.s32 $0xFFFFE000  }
0x49: {  	[spmem:s3] =	stream.indirect.scatter.add.f32 [tilespmem:s21], [sflag:$0x3], $0x40, s22, s23, $0xb8;
	[tilespmem:$0x1CC40] =	vst v63  }
0x4a: {  	_ =	swait.ge [sflag:s19], $0x2000  }
0x4b: {  	[sflag:s19] =	ssyncset.done $0x0  }
0x4c: {  	s30 =	simm.s32 $0x100;
	[sflag:s19] =	ssyncadd.s32 $0xFFFFE000  }
0x4d: {  	[tilespmem:s21], [sflag:$0x1] =	stream.indirect.gather [spmem:s1], $0x40, s30, s23, $0xb8;
	[tilespmem:$0x1CC40] =	vst v63  }
0x4e: {  	_ =	swait.ge [sflag:s29], $0x2000  }
0x4f: {  	[sflag:s29] =	ssyncset.done $0x0  }
0x50: {  	s31 =	simm.s32 $0x2880;
	[sflag:s29] =	ssyncadd.s32 $0xFFFFE000  }
0x51: {  	[spmem:s3] =	stream.indirect.scatter.add.f32 [tilespmem:s26], [sflag:$0x3], $0x40, s31, s23, $0xb8;
	[tilespmem:$0x1CC40] =	vst v63  }
0x52: {  	_ =	swait.ge [sflag:s19], $0x2000  }
0x53: {  	[sflag:s19] =	ssyncset.done $0x0  }
0x54: {  	s2 =	simm.s32 $0x400;
	s22 =	simm.s32 $0x180;
	[sflag:s19] =	ssyncadd.s32 $0xFFFFE000  }
.LBB2_4:
0x55: {  	[tilespmem:s26], [sflag:$0x2] =	stream.indirect.gather [spmem:s1], $0x40, s22, s23, $0xb8;
	[tilespmem:$0x1CC40] =	vst v63  }
0x56: {  	s22 =	smov.u32 s2  }
0x57: {  	p1 =	sne.s32 s2, $0x9800;
	s2 =	sadd.s32 $0x400, s2;
	_ =	swait.ge [sflag:s28], $0x2000  }
0x58: {  	s22 =	sshra.s32 s22, $0x2;
	[sflag:s28] =	ssyncset.done $0x0  }
0x59: {  	s30 =	sadd.s32 $0x2800, s22;
	[sflag:s28] =	ssyncadd.s32 $0xFFFFE000  }
0x5a: {  	[spmem:s3] =	stream.indirect.scatter.add.f32 [tilespmem:s21], [sflag:$0x3], $0x40, s30, s23, $0xb8;
	[tilespmem:$0x1CC40] =	vst v63  }
0x5b: {  	_ =	swait.ge [sflag:s19], $0x2000  }
0x5c: {  	[sflag:s19] =	ssyncset.done $0x0  }
0x5d: {  	s30 =	sadd.s32 $0x100, s22;
	[sflag:s19] =	ssyncadd.s32 $0xFFFFE000  }
0x5e: {  	[tilespmem:s21], [sflag:$0x1] =	stream.indirect.gather [spmem:s1], $0x40, s30, s23, $0xb8;
	[tilespmem:$0x1CC40] =	vst v63  }
0x5f: {  	_ =	swait.ge [sflag:s29], $0x2000  }
0x60: {  	[sflag:s29] =	ssyncset.done $0x0  }
.Ltmp1:
0x61: {  	s30 =	sadd.s32 $0x2880, s22;
	[sflag:s29] =	ssyncadd.s32 $0xFFFFE000;
	(pc) =	sbr.rel @p1 .LBB2_4-.Ltmp1, $4  }
0x62: {  	[spmem:s3] =	stream.indirect.scatter.add.f32 [tilespmem:s26], [sflag:$0x3], $0x40, s30, s23, $0xb8;
	[tilespmem:$0x1CC40] =	vst v63  }
0x63: {  	_ =	swait.ge [sflag:s19], $0x2000  }
0x64: {  	[sflag:s19] =	ssyncset.done $0x0  }
0x65: {  	s22 =	sadd.s32 $0x180, s22;
	[sflag:s19] =	ssyncadd.s32 $0xFFFFE000  }
0x66: {  	[tilespmem:s26], [sflag:$0x2] =	stream.indirect.gather [spmem:s1], $0x40, s22, s23, $0xb8;
	[tilespmem:$0x1CC40] =	vst v63  }
0x67: {  	_ =	swait.ge [sflag:s28], $0x2000  }
0x68: {  	[sflag:s28] =	ssyncset.done $0x0  }
0x69: {  	s2 =	simm.s32 $0x4F00;
	[sflag:s28] =	ssyncadd.s32 $0xFFFFE000  }
0x6a: {  	[spmem:s3] =	stream.indirect.scatter.add.f32 [tilespmem:s21], [sflag:$0x3], $0x40, s2, s23, $0xb8;
	[tilespmem:$0x1CC40] =	vst v63  }
0x6b: {  	_ =	swait.ge [sflag:s19], $0x2000  }
0x6c: {  	[sflag:s19] =	ssyncset.done $0x0  }
0x6d: {  	[sflag:s19] =	ssyncadd.s32 $0xFFFFE000  }
0x6e: {  	_ =	swait.ge [sflag:s29], $0x2000  }
0x6f: {  	[sflag:s29] =	ssyncset.done $0x0  }
0x70: {  	s31 =	simm.s32 $0x4F80;
	[sflag:s29] =	ssyncadd.s32 $0xFFFFE000  }
0x71: {  	[spmem:s3] =	stream.indirect.scatter.add.f32 [tilespmem:s26], [sflag:$0x3], $0x40, s31, s23, $0xb8;
	[tilespmem:$0x1CC40] =	vst v63  }
0x72: {  	_ =	swait.ge [sflag:s19], $0x2000  }
0x73: {  	[sflag:s19] =	ssyncset.done $0x0  }
0x74: {  	[sflag:s19] =	ssyncadd.s32 $0xFFFFE000  }
0x75: {  	[bflag:$0x0] =	sbarrier.arrive $0xFFFF  }
0x76: {  	[hbm:s15], [sflag:s6] =	dma.local [spmem:s24], $0x1380  }
0x77: {  	s0 =	sadd.s32 $0x1, s0;
	_ =	swait.ge [sflag:s19], $0x1380  }
0x78: {  	p1 =	sne.s32 s0, s17;
	[sflag:s19] =	ssyncset.done $0x0  }
.Ltmp2:
0x79: {  	s2 =	simm.s32 @!p0 $0x3;
	[sflag:s19] =	ssyncadd.s32 $0xFFFFEC80;
	(pc) =	sbr.rel @p1 .LBB2_1-.Ltmp2, $4  }
0x7a: {  	[hbm:s16], [sflag:s6] =	dma.local @!p0 [spmem:s25], $0x80  }
0x7b: {  	_ =	swait.ge @!p0 [sflag:s2], $0x80  }
0x7c: {  	[sflag:s2] =	ssyncset.done @!p0 $0x0  }
0x7d: {  	[sflag:s2] =	ssyncadd.s32 @!p0 $0xFFFFFF80  }
0x7e: {  	_ =	sfence.sel $0x180000  }
0x7f: {  	[bflag:$0x0] =	sbarrier.arrive $0xFFFF  }
0x80: {  	_ =	strace $0x9000004D  }
0x81: {  	s0 =	stileid.u32;
	[bflag:$0x2] =	sbarrier.arrive $0xFFFF  }
0x82: {  	p0 =	sne.s32 s0, $0x0;
	s0 =	rddreg [dreg:$0x4]  }
0x83: {  	s0 =	sadd.s32 @!p0 $0x100000, s0  }
0x84: {  	[sflag:s0] =	ssyncadd.tile.s32 @!p0 $0x1;
	_ =	shalt  }
.Lfunc_end2:
_tile_overlayer_lowered:
.L_overlay_start_2:
0x85: {  	(tag) =	ssettag $0x2  }
0x86: {  	s0 =	rddreg [dreg:$0x0];
	s2 =	stileid.u32  }
0x87: {  	s1 =	rddreg [dreg:$0x1];
	p0 =	sne.s32 s2, $0x0  }
0x88: {  	s3 =	rddreg [dreg:$0x2];
	[bflag:$0x3] =	sbarrier.arrive $0xFFFF;
	s2 =	simm.s32 @!p0 $0x1C03  }
0x89: {  	[timem:s3], [sflag:s2] =	dma.local @!p0 [hbm:s0], s1  }
0x8a: {  	s0 =	simm.s32 @!p0 $0x3  }
0x8b: {  	_ =	swait.ge @!p0 [sflag:s0], s1  }
0x8c: {  	s1 =	ssub.s32 @!p0 $0x0, s1;
	[sflag:s0] =	ssyncset.done @!p0 $0x0  }
0x8d: {  	[sflag:s0] =	ssyncadd.s32 @!p0 s1  }
0x8e: {  	[bflag:$0x3] =	sbarrier.arrive $0xFFFF  }
0x8f: {  	_ =	shalt  }

// kernel: kernel.8.cloned.1.call-start
scs
__scs_entry_jumppad:
0x0: {  	(pc) =	sbr.rel $0x88, $3  }
0x1: {  	(tag) =	ssettag $0x0;
	lr =	simm.s32 $0x1  }
0x2: {  	[smem:$0x3F88] =	sst lr;
	_ =	strace $0xD0000000  }
0x3: {  	_ = 	snop  }
0x4: {  	_ = 	snop  }
0x5: {  	_ = 	snop  }
0x6: {  	_ = 	snop  }
0x7: {  	_ = 	snop  }
__scs_overlays_trampoline_lowered:
0x8: {  	[smem:$0x3F97] =	sst s0  }
0x9: {  	[smem:$0x3F98] =	sst s1  }
0xa: {  	[smem:$0x3F99] =	sst s2  }
0xb: {  	[smem:$0x3F9A] =	sst s3  }
0xc: {  	[smem:$0x3F9B] =	sst s4  }
0xd: {  	[smem:$0x3F9C] =	sst s5  }
0xe: {  	[smem:$0x3F9D] =	sst s6  }
0xf: {  	[smem:$0x3F9E] =	sst s7  }
0x10: {  	[smem:$0x3F9F] =	sst s8  }
0x11: {  	[smem:$0x3FA0] =	sst s9;
	s0 =	simm.s32 @!p0 $0x0  }
0x12: {  	s1 =	sld [smem:$0x3F86];
	s0 =	simm.s32 @p0 $0x1  }
0x13: {  	[smem:$0x3FA1] =	sst s0;
	s0 =	simm.s32 @!p1 $0x0  }
0x14: {  	s2 =	sld [smem:$0x3F85];
	s0 =	simm.s32 @p1 $0x1  }
0x15: {  	[smem:$0x3FA2] =	sst s0;
	s0 =	simm.s32 @!p2 $0x0  }
0x16: {  	s3 =	sld [smem:$0x3FDB];
	s0 =	simm.s32 @p2 $0x1  }
0x17: {  	s4 =	simm.s32 $0x1BF5;
	[smem:$0x3FA4] =	sst s0  }
0x18: {  	s0 =	sld [smem:$0x3F87];
	_ =	swait.ge [sflag:s4], $0x0  }
0x19: {  	s7 =	sld [smem:$0x3F88]  }
0x1a: {  	s8 =	sadd.s32 $0xFFFFE003, lr  }
0x1b: {  	s9 =	sadd.s32 $0xFFFFFEF7, lr;
	s5 =	simm.s32 $0xFFFFFFFF;
	p2 =	slt.u32 s8, $0xFFFFF086  }
0x1c: {  	p1 =	slt.u32 s9, $0xF7A;
	s5 =	simm.s32 @!p2 $0x0  }
0x1d: {  	s5 =	simm.s32 @p1 $0x1;
	p0 =	seq.s32 s7, s2  }
0x1e: {  	s7 =	smul.u32 @!p0 $0xF7A, s2;
	p2 =	seq.s32 @!p0 s5, $0x0  }
0x1f: {  	s9 =	smul.u32 $0xF7A, s1;
	s8 =	simm.s32 @!p0 $0x1BF5;
	p2 =	por !p2, p0  }
0x20: {  	[sflag:s8] =	ssyncset.s32 @!p0 $0xFFFFF086;
	s6 =	sadd.s32 @!p0 s3, s7;
	s7 =	simm.s32 @!p0 $0x108  }
0x21: {  	s3 =	sadd.s32 s3, s9;
	s6 =	sadd.s32 @!p0 $0x88, s6;
	s7 =	simm.s32 @p2 $0x1082  }
0x22: {  	[simem:s7], [sflag:s8] =	dma.local @!p0 [hbm:s6], $0xF7A  }
0x23: {  	s9 =	sor.u32 $0xD0000000, s2;
	s6 =	simm.s32 $0x108;
	_ =	swait.ge @!p0 [sflag:s8], $0x0  }
0x24: {  	s3 =	sadd.s32 $0x88, s3;
	s6 =	simm.s32 @!p1 $0x1082;
	[sflag:s4] =	ssyncset.s32 $0xFFFFF086  }
0x25: {  	[simem:s6], [sflag:s4] =	dma.local [hbm:s3], $0xF7A  }
0x26: {  	[smem:$0x3F88] =	sst s1;
	(tag) =	ssettag s2;
	_ =	strace s9  }
0x27: {  	s1 =	sld [smem:$0x3F98]  }
0x28: {  	s2 =	sld [smem:$0x3F99]  }
0x29: {  	s4 =	sld [smem:$0x3F9B]  }
0x2a: {  	p0 =	seq.s32 s5, $0x0;
	s5 =	sld [smem:$0x3F9C]  }
0x2b: {  	s6 =	sld [smem:$0x3F9D]  }
0x2c: {  	s7 =	sld [smem:$0x3F9E]  }
0x2d: {  	s3 =	simm.s32 $0x108;
	s8 =	sld [smem:$0x3F9F]  }
0x2e: {  	s3 =	simm.s32 @!p0 $0x1082;
	s9 =	sld [smem:$0x3FA0]  }
0x2f: {  	lr =	sadd.s32 s0, s3;
	s0 =	sld [smem:$0x3F97]  }
0x30: {  	s3 =	sld [smem:$0x3F9A]  }
0x31: {  	[smem:$0x3FA3] =	sst s10  }
0x32: {  	s10 =	sld [smem:$0x3FA1];
	_ =	sdelay $0x3  }
0x33: {  	p0 =	seq.s32 s10, $0x1;
	s10 =	sld [smem:$0x3FA3];
	_ =	sdelay $0x3  }
0x34: {  	[smem:$0x3FA3] =	sst s10  }
0x35: {  	s10 =	sld [smem:$0x3FA2];
	_ =	sdelay $0x3  }
0x36: {  	p1 =	seq.s32 s10, $0x1;
	s10 =	sld [smem:$0x3FA3];
	_ =	sdelay $0x3  }
0x37: {  	[smem:$0x3FA3] =	sst s10  }
0x38: {  	s10 =	sld [smem:$0x3FA4]  }
0x39: {  	_ = 	snop;
	(pc) =	sbr.ind lr, $3  }
0x3a: {  	_ = 	snop  }
0x3b: {  	_ = 	snop  }
0x3c: {  	p2 =	seq.s32 s10, $0x1;
	s10 =	sld [smem:$0x3FA3]  }
0x3d: {  	_ =	shalt  }
0x3e: {  	_ =	shalt  }
0x3f: {  	_ =	shalt  }
0x40: {  	_ =	shalt  }
0x41: {  	_ =	shalt  }
0x42: {  	_ =	shalt  }
0x43: {  	_ =	shalt  }
0x44: {  	_ =	shalt  }
0x45: {  	_ =	shalt  }
0x46: {  	_ =	shalt  }
0x47: {  	_ =	shalt  }
0x48: {  	_ =	shalt  }
0x49: {  	_ =	shalt  }
0x4a: {  	_ =	shalt  }
0x4b: {  	_ =	shalt  }
0x4c: {  	_ =	shalt  }
0x4d: {  	_ =	shalt  }
0x4e: {  	_ =	shalt  }
0x4f: {  	_ =	shalt  }
0x50: {  	_ =	shalt  }
0x51: {  	_ =	shalt  }
0x52: {  	_ =	shalt  }
0x53: {  	_ =	shalt  }
0x54: {  	_ =	shalt  }
0x55: {  	_ =	shalt  }
0x56: {  	_ =	shalt  }
0x57: {  	_ =	shalt  }
0x58: {  	_ =	shalt  }
0x59: {  	_ =	shalt  }
0x5a: {  	_ =	shalt  }
0x5b: {  	_ =	shalt  }
0x5c: {  	_ =	shalt  }
0x5d: {  	_ =	shalt  }
0x5e: {  	_ =	shalt  }
0x5f: {  	_ =	shalt  }
0x60: {  	_ =	shalt  }
0x61: {  	_ =	shalt  }
0x62: {  	_ =	shalt  }
0x63: {  	_ =	shalt  }
0x64: {  	_ =	shalt  }
0x65: {  	_ =	shalt  }
0x66: {  	_ =	shalt  }
0x67: {  	_ =	shalt  }
0x68: {  	_ =	shalt  }
0x69: {  	_ =	shalt  }
0x6a: {  	_ =	shalt  }
0x6b: {  	_ =	shalt  }
0x6c: {  	_ =	shalt  }
0x6d: {  	_ =	shalt  }
0x6e: {  	_ =	shalt  }
0x6f: {  	_ =	shalt  }
0x70: {  	_ =	shalt  }
0x71: {  	_ =	shalt  }
0x72: {  	_ =	shalt  }
0x73: {  	_ =	shalt  }
0x74: {  	_ =	shalt  }
0x75: {  	_ =	shalt  }
0x76: {  	_ =	shalt  }
0x77: {  	_ =	shalt  }
0x78: {  	_ =	shalt  }
0x79: {  	_ =	shalt  }
0x7a: {  	_ =	shalt  }
0x7b: {  	_ =	shalt  }
0x7c: {  	_ =	shalt  }
0x7d: {  	_ =	shalt  }
0x7e: {  	_ =	shalt  }
0x7f: {  	_ =	shalt  }
0x80: {  	_ =	shalt  }
0x81: {  	_ =	shalt  }
0x82: {  	_ =	shalt  }
0x83: {  	_ =	shalt  }
0x84: {  	_ =	shalt  }
0x85: {  	_ =	shalt  }
0x86: {  	_ =	shalt  }
0x87: {  	_ =	shalt  }
.Lfunc_end0:
.L_simem_size_0:
called_computation_lowered:
.L_overlay_start_0:
0x88: {  	s2 =	sld [smem:$0x3FD9]  }
0x89: {  	s3 =	sld [smem:$0x3FFE];
	_ =	sdelay $0x1  }
0x8a: {  	s1 =	srdreg.scid  }
0x8b: {  	s0 =	sand.u32 $0x1, s1  }
0x8c: {  	s17 =	sshll.u32 s0, $0xA;
	s2 =	sadd.s32 s3, s2  }
0x8d: {  	s2 =	sadd.s32 s2, s17  }
0x8e: {  	[smem:$0x3FAF] =	sst s2  }
0x8f: {  	_ = 	snop  }
0x90: {  	s2 =	sld [smem:$0x3FD0];
	(tm) =	ssettm $0x1  }
0x91: {  	s18 =	sld [smem:$0x3FFB];
	_ =	sdelay $0x3  }
0x92: {  	_ =	strace s18  }
0x93: {  	s3 =	sld [smem:$0x3FFC];
	_ =	sdelay $0x3  }
0x94: {  	_ =	strace s3  }
0x95: {  	s3 =	sld [smem:$0x3FFD];
	_ =	sdelay $0x3  }
0x96: {  	_ =	strace s3  }
0x97: {  	_ =	strace $0x8FFFFFFF  }
0x98: {  	s19 =	sld [smem:$0x3FDB];
	_ =	sdelay $0x1  }
0x99: {  	s4 =	simm.s32 $_scs_section_size  }
0x9a: {  	s5 =	simm.s32 $_size__tile_overlayer_lowered;
	s6 =	simm.s32 $_tile_overlayer_lowered  }
0x9b: {  	s22 =	simm.s32 $0x1BFF;
	s21 =	sshll.u32 s6, $0x1;
	s3 =	sadd.s32 s4, s19  }
0x9c: {  	s7 =	simm.s32 $0x0;
	s20 =	sshll.u32 s5, $0x1;
	s5 =	sadd.s32 s21, s3  }
0x9d: {  	[timem:s7], [sflag:s22] =	dma.local [hbm:s5], s20  }
0x9e: {  	_ =	swait.ge [sflag:s22], s20  }
0x9f: {  	s4 =	ssub.s32 $0x0, s20;
	[sflag:s22] =	ssyncset.done $0x0  }
0xa0: {  	[sflag:s22] =	ssyncadd.s32 s4;
	_ =	sdelay $0x1  }
0xa1: {  	s23 =	simm.s32 $0x1B8B  }
0xa2: {  	_ =	swait.ge [sflag:s23], $0x1  }
0xa3: {  	[sflag:s23] =	ssyncset.done $0x0  }
0xa4: {  	s25 =	simm.s32 $0x1B8E;
	s24 =	sld [smem:$0x3FFE];
	[sflag:s23] =	ssyncadd.s32 $0xFFFFFFFF  }
0xa5: {  	s26 =	simm.s32 $execute0_lowered;
	[smem:$0x3FD2] =	sst s25  }
0xa6: {  	s5 =	sshll.u32 s26, $0x1;
	_ =	strace $0x80000046;
	[dreg:$0x1] =	wrdreg $0xFFFFFFFF  }
0xa7: {  	s28 =	simm.s32 $_size_execute0_lowered;
	s3 =	sadd.s32 s3, s5;
	[dreg:$0x0] =	wrdreg $0x0  }
0xa8: {  	s5 =	sshll.u32 s28, $0x1;
	[dreg:$0x2] =	wrdreg s3  }
0xa9: {  	[dreg:$0x3] =	wrdreg s5  }
0xaa: {  	[dreg:$0x4] =	wrdreg $0xC0  }
0xab: {  	_ =	task [dreg:s7], $0x5FFFF  }
0xac: {  	[dreg:$0x1] =	wrdreg $0xFFFFFFFF  }
0xad: {  	[dreg:$0x0] =	wrdreg $0x60  }
0xae: {  	[dreg:$0x2] =	wrdreg s24  }
0xaf: {  	[dreg:$0x3] =	wrdreg s2  }
0xb0: {  	[dreg:$0x4] =	wrdreg $0x130000  }
0xb1: {  	[dreg:$0x5] =	wrdreg $0x90000  }
0xb2: {  	[dreg:$0x6] =	wrdreg $0x9  }
0xb3: {  	_ =	task.clear_ibuf [dreg:s7], $0x7FFFF;
	_ =	strace $0x90000046  }
0xb4: {  	s29 =	simm.s32 $0x9;
	_ =	strace $0x80000048  }
0xb5: {  	_ =	swait.ge [sflag:s29], $0x1  }
0xb6: {  	[sflag:s29] =	ssyncadd.s32 $0xFFFFFFFF  }
0xb7: {  	_ =	strace $0x90000048  }
0xb8: {  	_ =	sfence  }
0xb9: {  	s30 =	sld [smem:$0x0];
	_ =	sdelay $0x2  }
0xba: {  	s31 =	sshll.u32 s1, $0xD;
	s1 =	sshrl.u32 s1, $0x2  }
0xbb: {  	s3 =	sand.u32 $0x4000, s31;
	s1 =	sadd.s32 s1, s30  }
0xbc: {  	s0 =	sor.u32 s3, s0;
	s1 =	sshll.u32 s1, $0x11  }
0xbd: {  	s0 =	sor.u32 s1, s0  }
0xbe: {  	s0 =	sadd.s32 $0x8F2B, s0  }
0xbf: {  	[sflag:s0] =	ssyncadd.remote.s32 $0x1  }
0xc0: {  	_ =	sfence.sel $0xFFFF  }
0xc1: {  	[dreg:$0x0] =	wrdreg $0xFFFFFFFF;
	(pc) =	sbr.abs _section_cstart, $3  }
0xc2: {  	[dreg:$0x1] =	wrdreg $0xFFFFFFFF  }
0xc3: {  	_ =	task.clear_ibuf [dreg:s7], $0x2FFFF;
	_ =	strace $0x9FFFFFFF  }
0xc4: {  	(tm) =	ssettm $0x7FFFFFFF  }
0xc5: {  	_ =	shalt  }
tec
execute0_lowered:
.L_overlay_start_1:
0x0: {  	(tag) =	ssettag $0x1  }
0x1: {  	s0 =	rddreg [dreg:$0x0]  }
0x2: {  	s3 =	rddreg [dreg:$0x1]  }
0x3: {  	s1 =	rddreg [dreg:$0x2]  }
0x4: {  	s4 =	srdreg.scid;
	s2 =	rddreg [dreg:$0x3]  }
0x5: {  	s6 =	simm.s32 $0x0;
	s21 =	stileid.u32;
	s28 =	simm.s32 $0x80  }
0x6: {  	s29 =	simm.s32 $0x7000;
	s30 =	simm.s32 $0x1;
	s31 =	simm.s32 $0x2  }
0x7: {  	s4 =	sand.u32 $0x1, s4;
	[smem:$0x7FF] =	sst s6;
	s9 =	smul.u32 $0x9C00, s21  }
0x8: {  	s16 =	sadd.s32 $0x2A000, s0;
	s22 =	smul.u32 $0x28000, s21;
	s23 =	sshll.u32 s21, $0x6  }
0x9: {  	s11 =	smul.u32 $0x5000, s21;
	p0 =	sne.s32 s21, $0xF;
	s21 =	simm.s32 $0x3  }
0xa: {  	s5 =	smul.u32 $0x9C400, s4;
	_ =	strace $0x80000047;
	s4 =	ssub.s32 $0x2, s4  }
0xb: {  	s18 =	sshrl.u32 s4, $0x1;
	s10 =	sshrl.u32 s9, $0x3;
	s20 =	sadd.s32 s9, s1  }
0xc: {  	s15 =	sshrl.u32 s11, $0x3;
	s26 =	sadd.s32 s9, s2;
	s7 =	sshrl.u32 s5, $0x3  }
0xd: {  	s4 =	ssub.s32 s4, s18;
	s13 =	sadd.s32 s3, s15;
	s14 =	sadd.s32 s16, s15  }
0xe: {  	s17 =	sadd.s32 $0x500, s15;
	s5 =	sadd.s32 s9, s5;
	s20 =	sshrl.u32 s20, $0x3  }
0xf: {  	s8 =	sadd.s32 s7, s0;
	s0 =	sadd.s32 $0x34000, s0;
	s15 =	sadd.s32 s3, s17  }
0x10: {  	s16 =	sadd.s32 s16, s17;
	s25 =	sshrl.u32 s5, $0x3;
	s3 =	simm.s32 $0x4F80  }
0x11: {  	s19 =	sadd.s32 s10, s8;
	s10 =	sshrl.u32 s22, $0x2;
	s22 =	sadd.s32 $0x9C000, s1  }
0x12: {  	s8 =	sadd.s32 $0x16600, s8;
	s17 =	sadd.s32 s0, s25;
	s0 =	sadd.s32 s0, s7  }
0x13: {  	s6 =	sadd.s32 $0x2E00, s19;
	[dreg:$0x6] =	wrdreg s8;
	s8 =	sadd.s32 s10, s2  }
0x14: {  	s18 =	sadd.s32 $0x13800, s0;
	s0 =	sadd.s32 $0x9C000, s2;
	s19 =	smax.u32 s4, $0x1  }
0x15: {  	s22 =	sshrl.u32 @!p0 s22, $0x3;
	s4 =	simm.s32 $0x0;
	[dreg:$0x5] =	wrdreg s6  }
0x16: {  	s6 =	sor.u32 $0x1C03, s23;
	s10 =	sadd.s32 $0x2000, s8;
	s24 =	sadd.s32 $0x4000, s8  }
0x17: {  	s11 =	sadd.s32 $0x6000, s8;
	s12 =	sadd.s32 $0x8000, s8;
	s23 =	simm.s32 $0x5000  }
0x18: {  	s25 =	sshrl.u32 @!p0 s0, $0x3;
	s0 =	simm.s32 $0x4F00;
	[dreg:$0x7] =	wrdreg s10  }
0x19: {  	v0 =	vimm.f32 $0.0e+00;
	[dreg:$0x8] =	wrdreg s24;
	s24 =	sshrl.u32 s26, $0x3;
	s26 =	simm.s32 $0x2800  }
.LBB2_1:
0x1a: {  	s5 =	rddreg [dreg:$0x5]  }
0x1b: {  	[spmem:s20], [sflag:s6] =	dma.local [hbm:s5], $0x1380  }
0x1c: {  	_ =	swait.ge [sflag:s21], $0x1380  }
0x1d: {  	[sflag:s21] =	ssyncset.done $0x0  }
0x1e: {  	s9 =	simm.s32 $0x0;
	s5 =	rddreg [dreg:$0x6];
	[sflag:s21] =	ssyncadd.s32 $0xFFFFEC80  }
0x1f: {  	[spmem:s22], [sflag:s6] =	dma.local @!p0 [hbm:s5], $0x80  }
0x20: {  	s7 =	sand.u32 $0x7F00, s9;
	s5 =	simm.s32 @!p0 $0x3  }
0x21: {  	s9 =	sand.u32 $0x30, s9;
	s7 =	sshrl.u32 s7, $0x2;
	_ =	swait.ge @!p0 [sflag:s5], $0x80  }
0x22: {  	s9 =	sor.u32 s9, s7;
	[sflag:s5] =	ssyncset.done @!p0 $0x0  }
0x23: {  	s7 =	simm.s32 $0x0;
	[sflag:s5] =	ssyncadd.s32 @!p0 $0xFFFFFF80;
	s5 =	simm.s32 $0x40  }
.LBB2_2:
0x24: {  	p1 =	sne.s32 s5, $0x7FC0  }
0x25: {  	[tilespmem:s9+$0x5000] =	vst v0;
	s7 =	sadd.s32 $0x10, s7;
	s9 =	smov.u32 s5;
	s5 =	sadd.s32 $0x40, s5  }
.Ltmp0:
0x26: {  	(pc) =	sbr.rel @p1 .LBB2_2-.Ltmp0, $4  }
0x27: {  	_ = 	snop  }
0x28: {  	s9 =	sand.u32 $0x7F00, s9  }
0x29: {  	s10 =	sand.u32 $0x30, s7;
	s9 =	sshrl.u32 s9, $0x2  }
0x2a: {  	s9 =	sor.u32 s10, s9  }
0x2b: {  	[tilespmem:s9+$0x5000] =	vst v0  }
0x2c: {  	[spmem:s8] =	stream.linear.scatter [tilespmem:s23], [sflag:$0x3], $0x2000, $0x38;
	[tilespmem:$0x1CC40] =	vst v63  }
0x2d: {  	_ =	swait.ge [sflag:s21], $0x2000  }
0x2e: {  	[sflag:s21] =	ssyncset.done $0x0  }
0x2f: {  	s5 =	rddreg [dreg:$0x7];
	[sflag:s21] =	ssyncadd.s32 $0xFFFFE000  }
0x30: {  	[spmem:s5] =	stream.linear.scatter [tilespmem:s23], [sflag:$0x3], $0x2000, $0x38;
	[tilespmem:$0x1CC40] =	vst v63  }
0x31: {  	_ =	swait.ge [sflag:s21], $0x2000  }
0x32: {  	[sflag:s21] =	ssyncset.done $0x0  }
0x33: {  	s9 =	rddreg [dreg:$0x8];
	[sflag:s21] =	ssyncadd.s32 $0xFFFFE000  }
0x34: {  	[spmem:s9] =	stream.linear.scatter [tilespmem:s23], [sflag:$0x3], $0x2000, $0x38;
	[tilespmem:$0x1CC40] =	vst v63  }
0x35: {  	_ =	swait.ge [sflag:s21], $0x2000  }
0x36: {  	[sflag:s21] =	ssyncset.done $0x0  }
0x37: {  	[sflag:s21] =	ssyncadd.s32 $0xFFFFE000  }
0x38: {  	[spmem:s11] =	stream.linear.scatter [tilespmem:s23], [sflag:$0x3], $0x2000, $0x38;
	[tilespmem:$0x1CC40] =	vst v63  }
0x39: {  	_ =	swait.ge [sflag:s21], $0x2000  }
0x3a: {  	[sflag:s21] =	ssyncset.done $0x0  }
0x3b: {  	[sflag:s21] =	ssyncadd.s32 $0xFFFFE000  }
0x3c: {  	[spmem:s12] =	stream.linear.scatter [tilespmem:s23], [sflag:$0x3], $0x2000, $0x38;
	[tilespmem:$0x1CC40] =	vst v63  }
0x3d: {  	_ =	swait.ge [sflag:s21], $0x2000  }
0x3e: {  	[sflag:s21] =	ssyncset.done $0x0  }
0x3f: {  	[sflag:s21] =	ssyncadd.s32 $0xFFFFE000  }
0x40: {  	s10 =	simm.s32 $0x0;
	[bflag:$0x0] =	sbarrier.arrive $0xFFFF  }
0x41: {  	[tilespmem:s10], [sflag:$0x3] =	stream.linear.gather [hbm4b:s13+s10], $0x2800, $0x38;
	[tilespmem:$0x1CC40] =	vst v63  }
0x42: {  	_ =	swait.ge [sflag:s21], $0x2800  }
0x43: {  	[sflag:s21] =	ssyncset.done $0x0  }
0x44: {  	[sflag:s21] =	ssyncadd.s32 $0xFFFFD800  }
0x45: {  	[tilespmem:s26], [sflag:$0x3] =	stream.linear.gather [hbm4b:s14+s10], $0x2800, $0x38;
	[tilespmem:$0x1CC40] =	vst v63  }
0x46: {  	_ =	swait.ge [sflag:s21], $0x2800  }
0x47: {  	[sflag:s21] =	ssyncset.done $0x0  }
0x48: {  	[sflag:s21] =	ssyncadd.s32 $0xFFFFD800  }
0x49: {  	[tilespmem:s23], [sflag:$0x1] =	stream.indirect.gather [spmem:s1], $0x40, s10, s28, $0xb8;
	[tilespmem:$0x1CC40] =	vst v63  }
0x4a: {  	_ = 	snop  }
0x4b: {  	[tilespmem:s29], [sflag:$0x2] =	stream.indirect.gather [spmem:s1], $0x40, s28, s28, $0xb8;
	[tilespmem:$0x1CC40] =	vst v63  }
0x4c: {  	_ =	swait.ge [sflag:s30], $0x2000  }
0x4d: {  	[sflag:s30] =	ssyncset.done $0x0  }
0x4e: {  	s7 =	simm.s32 $0x2800;
	[sflag:s30] =	ssyncadd.s32 $0xFFFFE000  }
0x4f: {  	[spmem:s2] =	stream.indirect.scatter.add.f32 [tilespmem:s23], [sflag:$0x3], $0x40, s7, s28, $0xb8;
	[tilespmem:$0x1CC40] =	vst v63  }
0x50: {  	_ =	swait.ge [sflag:s21], $0x2000  }
0x51: {  	[sflag:s21] =	ssyncset.done $0x0  }
0x52: {  	s9 =	simm.s32 $0x100;
	[sflag:s21] =	ssyncadd.s32 $0xFFFFE000  }
0x53: {  	[tilespmem:s23], [sflag:$0x1] =	stream.indirect.gather [spmem:s1], $0x40, s9, s28, $0xb8;
	[tilespmem:$0x1CC40] =	vst v63  }
0x54: {  	_ =	swait.ge [sflag:s31], $0x2000  }
0x55: {  	[sflag:s31] =	ssyncset.done $0x0  }
0x56: {  	s10 =	simm.s32 $0x2880;
	[sflag:s31] =	ssyncadd.s32 $0xFFFFE000  }
0x57: {  	[spmem:s2] =	stream.indirect.scatter.add.f32 [tilespmem:s29], [sflag:$0x3], $0x40, s10, s28, $0xb8;
	[tilespmem:$0x1CC40] =	vst v63  }
0x58: {  	_ =	swait.ge [sflag:s21], $0x2000  }
0x59: {  	[sflag:s21] =	ssyncset.done $0x0  }
0x5a: {  	s5 =	simm.s32 $0x400;
	s7 =	simm.s32 $0x180;
	[sflag:s21] =	ssyncadd.s32 $0xFFFFE000  }
.LBB2_4:
0x5b: {  	[tilespmem:s29], [sflag:$0x2] =	stream.indirect.gather [spmem:s1], $0x40, s7, s28, $0xb8;
	[tilespmem:$0x1CC40] =	vst v63  }
0x5c: {  	s7 =	smov.u32 s5  }
0x5d: {  	p1 =	sne.s32 s5, $0x9800;
	s5 =	sadd.s32 $0x400, s5;
	_ =	swait.ge [sflag:s30], $0x2000  }
0x5e: {  	s7 =	sshra.s32 s7, $0x2;
	[sflag:s30] =	ssyncset.done $0x0  }
0x5f: {  	s9 =	sadd.s32 $0x2800, s7;
	[sflag:s30] =	ssyncadd.s32 $0xFFFFE000  }
0x60: {  	[spmem:s2] =	stream.indirect.scatter.add.f32 [tilespmem:s23], [sflag:$0x3], $0x40, s9, s28, $0xb8;
	[tilespmem:$0x1CC40] =	vst v63  }
0x61: {  	_ =	swait.ge [sflag:s21], $0x2000  }
0x62: {  	[sflag:s21] =	ssyncset.done $0x0  }
0x63: {  	s9 =	sadd.s32 $0x100, s7;
	[sflag:s21] =	ssyncadd.s32 $0xFFFFE000  }
0x64: {  	[tilespmem:s23], [sflag:$0x1] =	stream.indirect.gather [spmem:s1], $0x40, s9, s28, $0xb8;
	[tilespmem:$0x1CC40] =	vst v63  }
0x65: {  	_ =	swait.ge [sflag:s31], $0x2000  }
0x66: {  	[sflag:s31] =	ssyncset.done $0x0  }
.Ltmp1:
0x67: {  	s9 =	sadd.s32 $0x2880, s7;
	[sflag:s31] =	ssyncadd.s32 $0xFFFFE000;
	(pc) =	sbr.rel @p1 .LBB2_4-.Ltmp1, $4  }
0x68: {  	[spmem:s2] =	stream.indirect.scatter.add.f32 [tilespmem:s29], [sflag:$0x3], $0x40, s9, s28, $0xb8;
	[tilespmem:$0x1CC40] =	vst v63  }
0x69: {  	_ =	swait.ge [sflag:s21], $0x2000  }
0x6a: {  	[sflag:s21] =	ssyncset.done $0x0  }
0x6b: {  	s7 =	sadd.s32 $0x180, s7;
	[sflag:s21] =	ssyncadd.s32 $0xFFFFE000  }
0x6c: {  	[tilespmem:s29], [sflag:$0x2] =	stream.indirect.gather [spmem:s1], $0x40, s7, s28, $0xb8;
	[tilespmem:$0x1CC40] =	vst v63  }
0x6d: {  	_ =	swait.ge [sflag:s30], $0x2000  }
0x6e: {  	[sflag:s30] =	ssyncset.done $0x0  }
0x6f: {  	[sflag:s30] =	ssyncadd.s32 $0xFFFFE000  }
0x70: {  	[spmem:s2] =	stream.indirect.scatter.add.f32 [tilespmem:s23], [sflag:$0x3], $0x40, s0, s28, $0xb8;
	[tilespmem:$0x1CC40] =	vst v63  }
0x71: {  	_ =	swait.ge [sflag:s21], $0x2000  }
0x72: {  	[sflag:s21] =	ssyncset.done $0x0  }
0x73: {  	[sflag:s21] =	ssyncadd.s32 $0xFFFFE000  }
0x74: {  	_ =	swait.ge [sflag:s31], $0x2000  }
0x75: {  	[sflag:s31] =	ssyncset.done $0x0  }
0x76: {  	[sflag:s31] =	ssyncadd.s32 $0xFFFFE000  }
0x77: {  	[spmem:s2] =	stream.indirect.scatter.add.f32 [tilespmem:s29], [sflag:$0x3], $0x40, s3, s28, $0xb8;
	[tilespmem:$0x1CC40] =	vst v63  }
0x78: {  	_ =	swait.ge [sflag:s21], $0x2000  }
0x79: {  	[sflag:s21] =	ssyncset.done $0x0  }
0x7a: {  	s5 =	simm.s32 $0x0;
	[sflag:s21] =	ssyncadd.s32 $0xFFFFE000  }
0x7b: {  	[tilespmem:s5], [sflag:$0x3] =	stream.linear.gather [hbm4b:s15+s5], $0x2800, $0x38;
	[tilespmem:$0x1CC40] =	vst v63  }
0x7c: {  	_ =	swait.ge [sflag:s21], $0x2800  }
0x7d: {  	[sflag:s21] =	ssyncset.done $0x0  }
0x7e: {  	[sflag:s21] =	ssyncadd.s32 $0xFFFFD800  }
0x7f: {  	[tilespmem:s26], [sflag:$0x3] =	stream.linear.gather [hbm4b:s16+s5], $0x2800, $0x38;
	[tilespmem:$0x1CC40] =	vst v63  }
0x80: {  	_ =	swait.ge [sflag:s21], $0x2800  }
0x81: {  	[sflag:s21] =	ssyncset.done $0x0  }
0x82: {  	[sflag:s21] =	ssyncadd.s32 $0xFFFFD800  }
0x83: {  	[tilespmem:s23], [sflag:$0x1] =	stream.indirect.gather [spmem:s1], $0x40, s5, s28, $0xb8;
	[tilespmem:$0x1CC40] =	vst v63  }
0x84: {  	_ = 	snop  }
0x85: {  	[tilespmem:s29], [sflag:$0x2] =	stream.indirect.gather [spmem:s1], $0x40, s28, s28, $0xb8;
	[tilespmem:$0x1CC40] =	vst v63  }
0x86: {  	_ =	swait.ge [sflag:s30], $0x2000  }
0x87: {  	[sflag:s30] =	ssyncset.done $0x0  }
0x88: {  	s7 =	simm.s32 $0x2800;
	[sflag:s30] =	ssyncadd.s32 $0xFFFFE000  }
0x89: {  	[spmem:s2] =	stream.indirect.scatter.add.f32 [tilespmem:s23], [sflag:$0x3], $0x40, s7, s28, $0xb8;
	[tilespmem:$0x1CC40] =	vst v63  }
0x8a: {  	_ =	swait.ge [sflag:s21], $0x2000  }
0x8b: {  	[sflag:s21] =	ssyncset.done $0x0  }
0x8c: {  	s9 =	simm.s32 $0x100;
	[sflag:s21] =	ssyncadd.s32 $0xFFFFE000  }
0x8d: {  	[tilespmem:s23], [sflag:$0x1] =	stream.indirect.gather [spmem:s1], $0x40, s9, s28, $0xb8;
	[tilespmem:$0x1CC40] =	vst v63  }
0x8e: {  	_ =	swait.ge [sflag:s31], $0x2000  }
0x8f: {  	[sflag:s31] =	ssyncset.done $0x0  }
0x90: {  	s10 =	simm.s32 $0x2880;
	[sflag:s31] =	ssyncadd.s32 $0xFFFFE000  }
0x91: {  	[spmem:s2] =	stream.indirect.scatter.add.f32 [tilespmem:s29], [sflag:$0x3], $0x40, s10, s28, $0xb8;
	[tilespmem:$0x1CC40] =	vst v63  }
0x92: {  	_ =	swait.ge [sflag:s21], $0x2000  }
0x93: {  	[sflag:s21] =	ssyncset.done $0x0  }
0x94: {  	s5 =	simm.s32 $0x400;
	s7 =	simm.s32 $0x180;
	[sflag:s21] =	ssyncadd.s32 $0xFFFFE000  }
.LBB2_6:
0x95: {  	[tilespmem:s29], [sflag:$0x2] =	stream.indirect.gather [spmem:s1], $0x40, s7, s28, $0xb8;
	[tilespmem:$0x1CC40] =	vst v63  }
0x96: {  	s7 =	smov.u32 s5  }
0x97: {  	p1 =	sne.s32 s5, $0x9800;
	s5 =	sadd.s32 $0x400, s5;
	_ =	swait.ge [sflag:s30], $0x2000  }
0x98: {  	s7 =	sshra.s32 s7, $0x2;
	[sflag:s30] =	ssyncset.done $0x0  }
0x99: {  	s9 =	sadd.s32 $0x2800, s7;
	[sflag:s30] =	ssyncadd.s32 $0xFFFFE000  }
0x9a: {  	[spmem:s2] =	stream.indirect.scatter.add.f32 [tilespmem:s23], [sflag:$0x3], $0x40, s9, s28, $0xb8;
	[tilespmem:$0x1CC40] =	vst v63  }
0x9b: {  	_ =	swait.ge [sflag:s21], $0x2000  }
0x9c: {  	[sflag:s21] =	ssyncset.done $0x0  }
0x9d: {  	s9 =	sadd.s32 $0x100, s7;
	[sflag:s21] =	ssyncadd.s32 $0xFFFFE000  }
0x9e: {  	[tilespmem:s23], [sflag:$0x1] =	stream.indirect.gather [spmem:s1], $0x40, s9, s28, $0xb8;
	[tilespmem:$0x1CC40] =	vst v63  }
0x9f: {  	_ =	swait.ge [sflag:s31], $0x2000  }
0xa0: {  	[sflag:s31] =	ssyncset.done $0x0  }
.Ltmp2:
0xa1: {  	s9 =	sadd.s32 $0x2880, s7;
	[sflag:s31] =	ssyncadd.s32 $0xFFFFE000;
	(pc) =	sbr.rel @p1 .LBB2_6-.Ltmp2, $4  }
0xa2: {  	[spmem:s2] =	stream.indirect.scatter.add.f32 [tilespmem:s29], [sflag:$0x3], $0x40, s9, s28, $0xb8;
	[tilespmem:$0x1CC40] =	vst v63  }
0xa3: {  	_ =	swait.ge [sflag:s21], $0x2000  }
0xa4: {  	[sflag:s21] =	ssyncset.done $0x0  }
0xa5: {  	s7 =	sadd.s32 $0x180, s7;
	[sflag:s21] =	ssyncadd.s32 $0xFFFFE000  }
0xa6: {  	[tilespmem:s29], [sflag:$0x2] =	stream.indirect.gather [spmem:s1], $0x40, s7, s28, $0xb8;
	[tilespmem:$0x1CC40] =	vst v63  }
0xa7: {  	_ =	swait.ge [sflag:s30], $0x2000  }
0xa8: {  	[sflag:s30] =	ssyncset.done $0x0  }
0xa9: {  	[sflag:s30] =	ssyncadd.s32 $0xFFFFE000  }
0xaa: {  	[spmem:s2] =	stream.indirect.scatter.add.f32 [tilespmem:s23], [sflag:$0x3], $0x40, s0, s28, $0xb8;
	[tilespmem:$0x1CC40] =	vst v63  }
0xab: {  	_ =	swait.ge [sflag:s21], $0x2000  }
0xac: {  	[sflag:s21] =	ssyncset.done $0x0  }
0xad: {  	[sflag:s21] =	ssyncadd.s32 $0xFFFFE000  }
0xae: {  	_ =	swait.ge [sflag:s31], $0x2000  }
0xaf: {  	[sflag:s31] =	ssyncset.done $0x0  }
0xb0: {  	[sflag:s31] =	ssyncadd.s32 $0xFFFFE000  }
0xb1: {  	[spmem:s2] =	stream.indirect.scatter.add.f32 [tilespmem:s29], [sflag:$0x3], $0x40, s3, s28, $0xb8;
	[tilespmem:$0x1CC40] =	vst v63  }
0xb2: {  	_ =	swait.ge [sflag:s21], $0x2000  }
0xb3: {  	[sflag:s21] =	ssyncset.done $0x0  }
0xb4: {  	[sflag:s21] =	ssyncadd.s32 $0xFFFFE000  }
0xb5: {  	[bflag:$0x0] =	sbarrier.arrive $0xFFFF  }
0xb6: {  	[hbm:s17], [sflag:s6] =	dma.local [spmem:s24], $0x1380  }
0xb7: {  	s4 =	sadd.s32 $0x1, s4;
	_ =	swait.ge [sflag:s21], $0x1380  }
0xb8: {  	p1 =	sne.s32 s4, s19;
	[sflag:s21] =	ssyncset.done $0x0  }
.Ltmp3:
0xb9: {  	s5 =	simm.s32 @!p0 $0x3;
	[sflag:s21] =	ssyncadd.s32 $0xFFFFEC80;
	(pc) =	sbr.rel @p1 .LBB2_1-.Ltmp3, $4  }
0xba: {  	[hbm:s18], [sflag:s6] =	dma.local @!p0 [spmem:s25], $0x80  }
0xbb: {  	_ =	swait.ge @!p0 [sflag:s5], $0x80  }
0xbc: {  	[sflag:s5] =	ssyncset.done @!p0 $0x0  }
0xbd: {  	[sflag:s5] =	ssyncadd.s32 @!p0 $0xFFFFFF80  }
0xbe: {  	_ =	sfence.sel $0x180000  }
0xbf: {  	[bflag:$0x0] =	sbarrier.arrive $0xFFFF  }
0xc0: {  	_ =	strace $0x90000047  }
0xc1: {  	s0 =	stileid.u32;
	[bflag:$0x2] =	sbarrier.arrive $0xFFFF  }
0xc2: {  	p0 =	sne.s32 s0, $0x0;
	s0 =	rddreg [dreg:$0x4]  }
0xc3: {  	s0 =	sadd.s32 @!p0 $0x100000, s0  }
0xc4: {  	[sflag:s0] =	ssyncadd.tile.s32 @!p0 $0x1;
	_ =	shalt  }
.Lfunc_end2:
_tile_overlayer_lowered:
.L_overlay_start_2:
0xc5: {  	(tag) =	ssettag $0x2  }
0xc6: {  	s0 =	rddreg [dreg:$0x0];
	s2 =	stileid.u32  }
0xc7: {  	s1 =	rddreg [dreg:$0x1];
	p0 =	sne.s32 s2, $0x0  }
0xc8: {  	s3 =	rddreg [dreg:$0x2];
	[bflag:$0x3] =	sbarrier.arrive $0xFFFF;
	s2 =	simm.s32 @!p0 $0x1C03  }
0xc9: {  	[timem:s3], [sflag:s2] =	dma.local @!p0 [hbm:s0], s1  }
0xca: {  	s0 =	simm.s32 @!p0 $0x3  }
0xcb: {  	_ =	swait.ge @!p0 [sflag:s0], s1  }
0xcc: {  	s1 =	ssub.s32 @!p0 $0x0, s1;
	[sflag:s0] =	ssyncset.done @!p0 $0x0  }
0xcd: {  	[sflag:s0] =	ssyncadd.s32 @!p0 s1  }
0xce: {  	[bflag:$0x3] =	sbarrier.arrive $0xFFFF  }
0xcf: {  	_ =	shalt  }

</sc_bundles>
